<compile_context>
chip_gen: v7x
topology: tpu7x:2x2x1
jax: 0.10.2.dev20260603
libtpu: 0.0.44.dev20260713+nightly
codegen_flags: <defaults>
</compile_context>

<pallas_src>
import functools

import jax
import jax.numpy as jnp
from jax import lax
from jax.experimental import pallas as pl
from jax.experimental.pallas import tpu as pltpu
from jax.experimental.pallas import tpu_sc as plsc

D_EMB = 64
L_SEQ = 200
LANES = 16
CHUNK = 200
NBUF = 4
N_G = CHUNK // LANES


def _sc_embed(x2d, emb_matrix, pe_flat, n_rows):
    info = plsc.get_sparse_core_info()
    nc, ns = info.num_cores, info.num_subcores
    nw = nc * ns
    rows_per_w = n_rows // nw
    n_chunks = rows_per_w // CHUNK

    mesh = plsc.VectorSubcoreMesh(core_axis_name="c", subcore_axis_name="s")

    @functools.partial(
        pl.kernel,
        out_type=jax.ShapeDtypeStruct((n_rows // 2, 2 * D_EMB), jnp.float32),
        mesh=mesh,
        compiler_params=pltpu.CompilerParams(use_tc_tiling_on_sc=False),
        scratch_types=(
            [pltpu.VMEM((CHUNK,), jnp.int32) for _ in range(NBUF)]
            + [pltpu.VMEM((CHUNK, D_EMB), jnp.float32) for _ in range(NBUF)]
            + [pltpu.VMEM((CHUNK // 2, 2 * D_EMB), jnp.float32)
               for _ in range(NBUF)]
            + [pltpu.VMEM((L_SEQ * D_EMB,), jnp.float32)]
            + [pltpu.SemaphoreType.DMA for _ in range(3 * NBUF)]
        ),
    )
    def k(x_hbm, table_hbm, pe_hbm, out_hbm, *scr):
        idxs = scr[:NBUF]
        rows = scr[NBUF:2 * NBUF]
        st = scr[2 * NBUF:3 * NBUF]
        pe_v = scr[3 * NBUF]
        sg = scr[3 * NBUF + 1:3 * NBUF + 1 + NBUF]
        sw = scr[3 * NBUF + 1 + NBUF:3 * NBUF + 1 + 2 * NBUF]
        si = scr[3 * NBUF + 1 + 2 * NBUF:]

        wid = lax.axis_index("s") * nc + lax.axis_index("c")
        seq0 = wid * n_chunks
        stbase = wid * (rows_per_w // 2)
        pltpu.sync_copy(pe_hbm, pe_v)

        def load_idx(g, b):
            pltpu.async_copy(x_hbm.at[seq0 + g], idxs[b], si[b])

        def wait_idx(b):
            pltpu.make_async_copy(x_hbm.at[0], idxs[b], si[b]).wait()

        def start_gather(b):
            ib = idxs[b]
            rb = rows[b]
            sem = sg[b]

            @plsc.parallel_loop(0, N_G)
            def gather_body(i):
                idx_vec = ib[pl.ds(i * LANES, LANES)]
                pltpu.async_copy(table_hbm.at[idx_vec],
                                 rb.at[pl.ds(i * LANES, LANES)], sem)
            tvec = ib[pl.ds(CHUNK - LANES, LANES)]
            pltpu.async_copy(table_hbm.at[tvec],
                             rb.at[pl.ds(CHUNK - LANES, LANES)], sem)

        def wait_gather(b):
            pltpu.make_async_copy(
                table_hbm.at[pl.ds(0, CHUNK)], rows[b], sg[b]).wait()
            pltpu.make_async_copy(
                table_hbm.at[pl.ds(0, 8)],
                rows[b].at[pl.ds(CHUNK - 8, 8)], sg[b]).wait()

        def fma_stage(b):
            rv = rows[b]
            sb = st[b]

            @plsc.parallel_loop(0, CHUNK // 2, unroll=2)
            def row_body(j2):
                for h in range(2):
                    j = j2 * 2 + h
                    for c in range(D_EMB // LANES):
                        sl = pl.ds(c * LANES, LANES)
                        pe = pe_v[pl.ds(j * D_EMB + c * LANES, LANES)]
                        sb[j2, pl.ds(h * D_EMB + c * LANES, LANES)] = (
                            rv[j, sl] * 0.125 + pe)

        def start_write(g, b):
            base = pl.multiple_of(stbase + g * (CHUNK // 2), 4)
            pltpu.async_copy(st[b], out_hbm.at[pl.ds(base, CHUNK // 2)],
                             sw[b])

        def wait_write(b):
            pltpu.make_async_copy(st[b], out_hbm.at[pl.ds(0, CHUNK // 2)],
                                  sw[b]).wait()

        for t in range(3):
            load_idx(t, t)
        for t in range(2):
            wait_idx(t)
            start_gather(t)

        def step_body(s, _):
            for b in range(NBUF):
                g = s * NBUF + b
                wait_gather(b)
                b2 = (b + 2) % NBUF
                b3 = (b + 3) % NBUF

                @pl.when(g < n_chunks - 3)
                def _():
                    load_idx(g + 3, b3)

                @pl.when(g < n_chunks - 2)
                def _():
                    wait_idx(b2)
                    start_gather(b2)

                @pl.when(g >= NBUF)
                def _():
                    wait_write(b)

                fma_stage(b)
                start_write(g, b)
            return 0

        lax.fori_loop(0, n_chunks // NBUF, step_body, 0)
        for b in range(NBUF):
            wait_write(b)

    return k(x2d, emb_matrix, pe_flat)


def kernel(x, emb_matrix, pos_enc_max):
    n_b, l = x.shape
    n_rows = n_b * l
    x2d = x.astype(jnp.int32)
    pe_flat = (pos_enc_max[:, :l].T * 0.125).astype(jnp.float32).reshape(-1)
    out = _sc_embed(x2d, emb_matrix, pe_flat, n_rows)
    return out.reshape(n_b, l, D_EMB)

# --- scband reference (transcript-rebuilt; emitter-appended) ---
"""Pipeline reference for scband-embeddings-40243843563960 (READ-ONLY COPY).

The authoritative reference and input builder live on the scoring server;
editing this copy changes nothing except your own understanding.
"""

import jax, jax.numpy as jnp
import numpy as np

D_EMB = 64
VOCAB = 1000000
MAX_MODEL_LEN = 512
B = 4096
L = 200


def init_positional_embeddings(max_model_len, d_emb):
    # Standard sinusoidal positional encodings, stored as (d_emb, max_model_len)
    # to match pos_enc_max[:, :inp_len].T usage in the original module.
    pos = np.arange(max_model_len, dtype=np.float64)[None, :]   # (1, max_len)
    i = np.arange(d_emb, dtype=np.float64)[:, None]             # (d_emb, 1)
    angle = pos / np.power(10000.0, (2.0 * np.floor(i / 2.0)) / d_emb)
    pe = np.where((np.arange(d_emb)[:, None] % 2) == 0, np.sin(angle), np.cos(angle))
    return jnp.asarray(pe, dtype=jnp.float32)                   # (d_emb, max_len)


def setup_inputs(seed: int = 0) -> dict:
    key = jax.random.key(seed)
    k1, k2 = jax.random.split(key)
    x = jax.random.randint(k1, (B, L), 0, VOCAB, dtype=jnp.int64)
    emb_matrix = jax.random.normal(k2, (VOCAB, D_EMB), dtype=jnp.float32) * 0.02
    pos_enc_max = init_positional_embeddings(MAX_MODEL_LEN, D_EMB)
    return {"x": x, "emb_matrix": emb_matrix, "pos_enc_max": pos_enc_max}


def reference(x, emb_matrix, pos_enc_max):
    # All sequences in the batch have the same length L (dense batch),
    # so max_len == L and the per-row loop collapses to a batched gather.
    seq_len = x.shape[1]
    d_emb = emb_matrix.shape[1]
    gathered = jnp.take(emb_matrix, x, axis=0)                  # (B, L, d_emb)
    pe = pos_enc_max[:, :seq_len].T[None, :, :]                 # (1, L, d_emb)
    x_emb = gathered + pe
    x_emb = x_emb / jnp.sqrt(jnp.asarray(d_emb, dtype=jnp.float32))
    return x_emb

if __name__ == "__main__":
    import jax
    _d = setup_inputs()
    print(jax.jit(kernel)(*tuple(_d.values())))

</pallas_src>

<mosaic_0001>
#map = affine_map<(d0, d1) -> (0, 0)>
#map1 = affine_map<(d0, d1) -> (0)>
module attributes {stable_mosaic.version = 14 : i64} {
  func.func @k(%arg0: i32, %arg1: i32, %arg2: memref<4096x200xi32, #tpu.memory_space<hbm>>, %arg3: memref<1000000x64xf32, #tpu.memory_space<hbm>>, %arg4: memref<12800xf32, #tpu.memory_space<hbm>>, %arg5: memref<409600x128xf32, #tpu.memory_space<hbm>>, %arg6: memref<200xi32, #tpu.memory_space<vmem>>, %arg7: memref<200xi32, #tpu.memory_space<vmem>>, %arg8: memref<200xi32, #tpu.memory_space<vmem>>, %arg9: memref<200xi32, #tpu.memory_space<vmem>>, %arg10: memref<200x64xf32, #tpu.memory_space<vmem>>, %arg11: memref<200x64xf32, #tpu.memory_space<vmem>>, %arg12: memref<200x64xf32, #tpu.memory_space<vmem>>, %arg13: memref<200x64xf32, #tpu.memory_space<vmem>>, %arg14: memref<100x128xf32, #tpu.memory_space<vmem>>, %arg15: memref<100x128xf32, #tpu.memory_space<vmem>>, %arg16: memref<100x128xf32, #tpu.memory_space<vmem>>, %arg17: memref<100x128xf32, #tpu.memory_space<vmem>>, %arg18: memref<12800xf32, #tpu.memory_space<vmem>>, %arg19: memref<!tpu.dma_semaphore, #tpu.memory_space<semaphore_mem>>, %arg20: memref<!tpu.dma_semaphore, #tpu.memory_space<semaphore_mem>>, %arg21: memref<!tpu.dma_semaphore, #tpu.memory_space<semaphore_mem>>, %arg22: memref<!tpu.dma_semaphore, #tpu.memory_space<semaphore_mem>>, %arg23: memref<!tpu.dma_semaphore, #tpu.memory_space<semaphore_mem>>, %arg24: memref<!tpu.dma_semaphore, #tpu.memory_space<semaphore_mem>>, %arg25: memref<!tpu.dma_semaphore, #tpu.memory_space<semaphore_mem>>, %arg26: memref<!tpu.dma_semaphore, #tpu.memory_space<semaphore_mem>>, %arg27: memref<!tpu.dma_semaphore, #tpu.memory_space<semaphore_mem>>, %arg28: memref<!tpu.dma_semaphore, #tpu.memory_space<semaphore_mem>>, %arg29: memref<!tpu.dma_semaphore, #tpu.memory_space<semaphore_mem>>, %arg30: memref<!tpu.dma_semaphore, #tpu.memory_space<semaphore_mem>>) attributes {dimension_semantics = [#tpu.dimension_semantics<core_parallel>, #tpu.dimension_semantics<subcore_parallel>], iteration_bounds = array<i64: 2, 16>, scalar_prefetch = 0 : i64, scratch_operands = 25 : i64, tpu.core_type = #tpu.core_type<sc_vector_subcore>, window_params = [{transform_indices = #map}, {transform_indices = #map}, {transform_indices = #map1}, {transform_indices = #map}]} {
    %mul3A = arith.constant 2 : i32
    %mul3A_0 = arith.muli %arg1, %mul3A : i32
    %add3A = arith.addi %mul3A_0, %arg0 : i32
    %mul3A_1 = arith.constant 128 : i32
    %mul3A_2 = arith.muli %add3A, %mul3A_1 : i32
    %mul3A_3 = arith.constant 12800 : i32
    %mul3A_4 = arith.muli %add3A, %mul3A_3 : i32
    "tpu.region"() ({
      %run_scoped3A = tpu.sem_alloc : memref<!tpu.dma_semaphore, #tpu.memory_space<semaphore_mem>>
      tpu.enqueue_dma source(%arg4 : memref<12800xf32, #tpu.memory_space<hbm>>) target(%arg18 : memref<12800xf32, #tpu.memory_space<vmem>>) target_semaphore(%run_scoped3A : memref<!tpu.dma_semaphore, #tpu.memory_space<semaphore_mem>>)
      tpu.wait_dma2 semaphore(%run_scoped3A : memref<!tpu.dma_semaphore, #tpu.memory_space<semaphore_mem>>) src(%arg4 : memref<12800xf32, #tpu.memory_space<hbm>>) dst(%arg18 : memref<12800xf32, #tpu.memory_space<vmem>>)
      tpu.yield
    }) : () -> ()
    %add3A_5 = arith.constant 0 : i32
    %add3A_6 = arith.addi %mul3A_2, %add3A_5 : i32
    %dma_start3A = arith.constant 0 : i32
    %dma_start3A_7 = tpu.memref_slice %arg2[%add3A_6, %dma_start3A] : memref<4096x200xi32, #tpu.memory_space<hbm>> -> memref<1x200xi32, #tpu.memory_space<hbm>>
    %dma_start3A_8 = tpu.memref_squeeze %dma_start3A_7 : memref<1x200xi32, #tpu.memory_space<hbm>> -> memref<200xi32, #tpu.memory_space<hbm>>
    %dma_start3A_9 = arith.constant 0 : i32
    %dma_start3A_10 = tpu.memref_slice %arg2[%add3A_6, %dma_start3A_9] : memref<4096x200xi32, #tpu.memory_space<hbm>> -> memref<1x200xi32, #tpu.memory_space<hbm>>
    %dma_start3A_11 = tpu.memref_squeeze %dma_start3A_10 : memref<1x200xi32, #tpu.memory_space<hbm>> -> memref<200xi32, #tpu.memory_space<hbm>>
    tpu.enqueue_dma source(%dma_start3A_11 : memref<200xi32, #tpu.memory_space<hbm>>) target(%arg6 : memref<200xi32, #tpu.memory_space<vmem>>) target_semaphore(%arg27 : memref<!tpu.dma_semaphore, #tpu.memory_space<semaphore_mem>>)
    %add3A_12 = arith.constant 1 : i32
    %add3A_13 = arith.addi %mul3A_2, %add3A_12 : i32
    %dma_start3A_14 = arith.constant 0 : i32
    %dma_start3A_15 = tpu.memref_slice %arg2[%add3A_13, %dma_start3A_14] : memref<4096x200xi32, #tpu.memory_space<hbm>> -> memref<1x200xi32, #tpu.memory_space<hbm>>
    %dma_start3A_16 = tpu.memref_squeeze %dma_start3A_15 : memref<1x200xi32, #tpu.memory_space<hbm>> -> memref<200xi32, #tpu.memory_space<hbm>>
    %dma_start3A_17 = arith.constant 0 : i32
    %dma_start3A_18 = tpu.memref_slice %arg2[%add3A_13, %dma_start3A_17] : memref<4096x200xi32, #tpu.memory_space<hbm>> -> memref<1x200xi32, #tpu.memory_space<hbm>>
    %dma_start3A_19 = tpu.memref_squeeze %dma_start3A_18 : memref<1x200xi32, #tpu.memory_space<hbm>> -> memref<200xi32, #tpu.memory_space<hbm>>
    tpu.enqueue_dma source(%dma_start3A_19 : memref<200xi32, #tpu.memory_space<hbm>>) target(%arg7 : memref<200xi32, #tpu.memory_space<vmem>>) target_semaphore(%arg28 : memref<!tpu.dma_semaphore, #tpu.memory_space<semaphore_mem>>)
    %add3A_20 = arith.constant 2 : i32
    %add3A_21 = arith.addi %mul3A_2, %add3A_20 : i32
    %dma_start3A_22 = arith.constant 0 : i32
    %dma_start3A_23 = tpu.memref_slice %arg2[%add3A_21, %dma_start3A_22] : memref<4096x200xi32, #tpu.memory_space<hbm>> -> memref<1x200xi32, #tpu.memory_space<hbm>>
    %dma_start3A_24 = tpu.memref_squeeze %dma_start3A_23 : memref<1x200xi32, #tpu.memory_space<hbm>> -> memref<200xi32, #tpu.memory_space<hbm>>
    %dma_start3A_25 = arith.constant 0 : i32
    %dma_start3A_26 = tpu.memref_slice %arg2[%add3A_21, %dma_start3A_25] : memref<4096x200xi32, #tpu.memory_space<hbm>> -> memref<1x200xi32, #tpu.memory_space<hbm>>
    %dma_start3A_27 = tpu.memref_squeeze %dma_start3A_26 : memref<1x200xi32, #tpu.memory_space<hbm>> -> memref<200xi32, #tpu.memory_space<hbm>>
    tpu.enqueue_dma source(%dma_start3A_27 : memref<200xi32, #tpu.memory_space<hbm>>) target(%arg8 : memref<200xi32, #tpu.memory_space<vmem>>) target_semaphore(%arg29 : memref<!tpu.dma_semaphore, #tpu.memory_space<semaphore_mem>>)
    %dma_wait3A = arith.constant 0 : i32
    %dma_wait3A_28 = arith.constant 0 : i32
    %dma_wait3A_29 = tpu.memref_slice %arg2[%dma_wait3A, %dma_wait3A_28] : memref<4096x200xi32, #tpu.memory_space<hbm>> -> memref<1x200xi32, #tpu.memory_space<hbm>>
    %dma_wait3A_30 = tpu.memref_squeeze %dma_wait3A_29 : memref<1x200xi32, #tpu.memory_space<hbm>> -> memref<200xi32, #tpu.memory_space<hbm>>
    %dma_wait3A_31 = arith.constant 0 : i32
    %dma_wait3A_32 = tpu.memref_slice %arg2[%dma_wait3A, %dma_wait3A_31] : memref<4096x200xi32, #tpu.memory_space<hbm>> -> memref<1x200xi32, #tpu.memory_space<hbm>>
    %dma_wait3A_33 = tpu.memref_squeeze %dma_wait3A_32 : memref<1x200xi32, #tpu.memory_space<hbm>> -> memref<200xi32, #tpu.memory_space<hbm>>
    tpu.wait_dma2 semaphore(%arg27 : memref<!tpu.dma_semaphore, #tpu.memory_space<semaphore_mem>>) src(%dma_wait3A_33 : memref<200xi32, #tpu.memory_space<hbm>>) dst(%arg6 : memref<200xi32, #tpu.memory_space<vmem>>)
    %parallel_loop3A = arith.constant 0 : i32
    %parallel_loop3A_34 = arith.constant 12 : i32
    %parallel_loop3A_35 = arith.constant 1 : i32
    scf.for %parallel_loop3A_93 = %parallel_loop3A to %parallel_loop3A_34 step %parallel_loop3A_35  : i32 {
      %parallel_loop3A_94 = arith.constant 16 : i32
      %parallel_loop3A_95 = arith.muli %parallel_loop3A_93, %parallel_loop3A_94 : i32
      %parallel_loop3A_96 = arith.index_cast %parallel_loop3A_95 : i32 to index
      %parallel_loop3A_97 = tpu.vector_load %arg6[%parallel_loop3A_96] {strides = array<i32>} : memref<200xi32, #tpu.memory_space<vmem>>, vector<16xi32>,
      %parallel_loop3A_98 = vector.shape_cast %parallel_loop3A_97 : vector<16xi32> to vector<16xi32>
      %parallel_loop3A_99 = arith.constant 16 : i32
      %parallel_loop3A_100 = arith.muli %parallel_loop3A_93, %parallel_loop3A_99 : i32
      %parallel_loop3A_101 = arith.constant 0 : i32
      %parallel_loop3A_102 = tpu.memref_slice %arg10[%parallel_loop3A_100, %parallel_loop3A_101] : memref<200x64xf32, #tpu.memory_space<vmem>> -> memref<16x64xf32, #tpu.memory_space<vmem>>
      %parallel_loop3A_103 = arith.constant 0 : i32
      %parallel_loop3A_104 = arith.constant 0 : i32
      %parallel_loop3A_105 = tpu.memref_slice %arg3[%parallel_loop3A_103, %parallel_loop3A_104] : memref<1000000x64xf32, #tpu.memory_space<hbm>> -> memref<1000000x64xf32, #tpu.memory_space<hbm>>
      tpu.enqueue_indirect_dma source(%parallel_loop3A_105 : memref<1000000x64xf32, #tpu.memory_space<hbm>>) target(%parallel_loop3A_102 : memref<16x64xf32, #tpu.memory_space<vmem>>) offsets(%parallel_loop3A_98 : vector<16xi32>) semaphore(%arg19 : memref<!tpu.dma_semaphore, #tpu.memory_space<semaphore_mem>>)
    } {sc.loop_unroll_factor = 1 : i64, sc.parallel_access}
    %get3A = arith.constant 184 : index
    %get3A_36 = tpu.vector_load %arg6[%get3A] {strides = array<i32>} : memref<200xi32, #tpu.memory_space<vmem>>, vector<16xi32>,
    %get3A_37 = vector.shape_cast %get3A_36 : vector<16xi32> to vector<16xi32>
    %dma_start3A_38 = arith.constant 184 : i32
    %dma_start3A_39 = arith.constant 0 : i32
    %dma_start3A_40 = tpu.memref_slice %arg10[%dma_start3A_38, %dma_start3A_39] : memref<200x64xf32, #tpu.memory_space<vmem>> -> memref<16x64xf32, #tpu.memory_space<vmem>>
    %dma_start3A_41 = arith.constant 0 : i32
    %dma_start3A_42 = arith.constant 0 : i32
    %dma_start3A_43 = tpu.memref_slice %arg3[%dma_start3A_41, %dma_start3A_42] : memref<1000000x64xf32, #tpu.memory_space<hbm>> -> memref<1000000x64xf32, #tpu.memory_space<hbm>>
    tpu.enqueue_indirect_dma source(%dma_start3A_43 : memref<1000000x64xf32, #tpu.memory_space<hbm>>) target(%dma_start3A_40 : memref<16x64xf32, #tpu.memory_space<vmem>>) offsets(%get3A_37 : vector<16xi32>) semaphore(%arg19 : memref<!tpu.dma_semaphore, #tpu.memory_space<semaphore_mem>>)
    %dma_wait3A_44 = arith.constant 0 : i32
    %dma_wait3A_45 = arith.constant 0 : i32
    %dma_wait3A_46 = tpu.memref_slice %arg2[%dma_wait3A_44, %dma_wait3A_45] : memref<4096x200xi32, #tpu.memory_space<hbm>> -> memref<1x200xi32, #tpu.memory_space<hbm>>
    %dma_wait3A_47 = tpu.memref_squeeze %dma_wait3A_46 : memref<1x200xi32, #tpu.memory_space<hbm>> -> memref<200xi32, #tpu.memory_space<hbm>>
    %dma_wait3A_48 = arith.constant 0 : i32
    %dma_wait3A_49 = tpu.memref_slice %arg2[%dma_wait3A_44, %dma_wait3A_48] : memref<4096x200xi32, #tpu.memory_space<hbm>> -> memref<1x200xi32, #tpu.memory_space<hbm>>
    %dma_wait3A_50 = tpu.memref_squeeze %dma_wait3A_49 : memref<1x200xi32, #tpu.memory_space<hbm>> -> memref<200xi32, #tpu.memory_space<hbm>>
    tpu.wait_dma2 semaphore(%arg28 : memref<!tpu.dma_semaphore, #tpu.memory_space<semaphore_mem>>) src(%dma_wait3A_50 : memref<200xi32, #tpu.memory_space<hbm>>) dst(%arg7 : memref<200xi32, #tpu.memory_space<vmem>>)
    %parallel_loop3A_51 = arith.constant 0 : i32
    %parallel_loop3A_52 = arith.constant 12 : i32
    %parallel_loop3A_53 = arith.constant 1 : i32
    scf.for %parallel_loop3A_93 = %parallel_loop3A_51 to %parallel_loop3A_52 step %parallel_loop3A_53  : i32 {
      %parallel_loop3A_94 = arith.constant 16 : i32
      %parallel_loop3A_95 = arith.muli %parallel_loop3A_93, %parallel_loop3A_94 : i32
      %parallel_loop3A_96 = arith.index_cast %parallel_loop3A_95 : i32 to index
      %parallel_loop3A_97 = tpu.vector_load %arg7[%parallel_loop3A_96] {strides = array<i32>} : memref<200xi32, #tpu.memory_space<vmem>>, vector<16xi32>,
      %parallel_loop3A_98 = vector.shape_cast %parallel_loop3A_97 : vector<16xi32> to vector<16xi32>
      %parallel_loop3A_99 = arith.constant 16 : i32
      %parallel_loop3A_100 = arith.muli %parallel_loop3A_93, %parallel_loop3A_99 : i32
      %parallel_loop3A_101 = arith.constant 0 : i32
      %parallel_loop3A_102 = tpu.memref_slice %arg11[%parallel_loop3A_100, %parallel_loop3A_101] : memref<200x64xf32, #tpu.memory_space<vmem>> -> memref<16x64xf32, #tpu.memory_space<vmem>>
      %parallel_loop3A_103 = arith.constant 0 : i32
      %parallel_loop3A_104 = arith.constant 0 : i32
      %parallel_loop3A_105 = tpu.memref_slice %arg3[%parallel_loop3A_103, %parallel_loop3A_104] : memref<1000000x64xf32, #tpu.memory_space<hbm>> -> memref<1000000x64xf32, #tpu.memory_space<hbm>>
      tpu.enqueue_indirect_dma source(%parallel_loop3A_105 : memref<1000000x64xf32, #tpu.memory_space<hbm>>) target(%parallel_loop3A_102 : memref<16x64xf32, #tpu.memory_space<vmem>>) offsets(%parallel_loop3A_98 : vector<16xi32>) semaphore(%arg20 : memref<!tpu.dma_semaphore, #tpu.memory_space<semaphore_mem>>)
    } {sc.loop_unroll_factor = 1 : i64, sc.parallel_access}
    %get3A_54 = arith.constant 184 : index
    %get3A_55 = tpu.vector_load %arg7[%get3A_54] {strides = array<i32>} : memref<200xi32, #tpu.memory_space<vmem>>, vector<16xi32>,
    %get3A_56 = vector.shape_cast %get3A_55 : vector<16xi32> to vector<16xi32>
    %dma_start3A_57 = arith.constant 184 : i32
    %dma_start3A_58 = arith.constant 0 : i32
    %dma_start3A_59 = tpu.memref_slice %arg11[%dma_start3A_57, %dma_start3A_58] : memref<200x64xf32, #tpu.memory_space<vmem>> -> memref<16x64xf32, #tpu.memory_space<vmem>>
    %dma_start3A_60 = arith.constant 0 : i32
    %dma_start3A_61 = arith.constant 0 : i32
    %dma_start3A_62 = tpu.memref_slice %arg3[%dma_start3A_60, %dma_start3A_61] : memref<1000000x64xf32, #tpu.memory_space<hbm>> -> memref<1000000x64xf32, #tpu.memory_space<hbm>>
    tpu.enqueue_indirect_dma source(%dma_start3A_62 : memref<1000000x64xf32, #tpu.memory_space<hbm>>) target(%dma_start3A_59 : memref<16x64xf32, #tpu.memory_space<vmem>>) offsets(%get3A_56 : vector<16xi32>) semaphore(%arg20 : memref<!tpu.dma_semaphore, #tpu.memory_space<semaphore_mem>>)
    %scan3A = arith.constant 0 : i32
    %scan3A_63 = arith.constant 0 : i32
    %scan3A_64 = arith.constant 32 : i32
    %scan3A_65 = arith.addi %scan3A_63, %scan3A_64 : i32
    %scan3A_66 = arith.constant 1 : i32
    %scan3A_67 = scf.for %scan3A_93 = %scan3A_63 to %scan3A_65 step %scan3A_66 iter_args(%scan3A_94 = %scan3A) -> (i32)  : i32 {
      %mul3A_95 = arith.constant 4 : i32
      %mul3A_96 = arith.muli %scan3A_93, %mul3A_95 : i32
      %add3A_97 = arith.constant 0 : i32
      %add3A_98 = arith.addi %mul3A_96, %add3A_97 : i32
      %dma_wait3A_99 = arith.constant 0 : i32
      %dma_wait3A_100 = arith.constant 0 : i32
      %dma_wait3A_101 = tpu.memref_slice %arg3[%dma_wait3A_99, %dma_wait3A_100] : memref<1000000x64xf32, #tpu.memory_space<hbm>> -> memref<200x64xf32, #tpu.memory_space<hbm>>
      %dma_wait3A_102 = arith.constant 0 : i32
      %dma_wait3A_103 = arith.constant 0 : i32
      %dma_wait3A_104 = tpu.memref_slice %arg3[%dma_wait3A_102, %dma_wait3A_103] : memref<1000000x64xf32, #tpu.memory_space<hbm>> -> memref<200x64xf32, #tpu.memory_space<hbm>>
      tpu.wait_dma2 semaphore(%arg19 : memref<!tpu.dma_semaphore, #tpu.memory_space<semaphore_mem>>) src(%dma_wait3A_104 : memref<200x64xf32, #tpu.memory_space<hbm>>) dst(%arg10 : memref<200x64xf32, #tpu.memory_space<vmem>>)
      %dma_wait3A_105 = arith.constant 192 : i32
      %dma_wait3A_106 = arith.constant 0 : i32
      %dma_wait3A_107 = tpu.memref_slice %arg10[%dma_wait3A_105, %dma_wait3A_106] : memref<200x64xf32, #tpu.memory_space<vmem>> -> memref<8x64xf32, #tpu.memory_space<vmem>>
      %dma_wait3A_108 = arith.constant 0 : i32
      %dma_wait3A_109 = arith.constant 0 : i32
      %dma_wait3A_110 = tpu.memref_slice %arg3[%dma_wait3A_108, %dma_wait3A_109] : memref<1000000x64xf32, #tpu.memory_space<hbm>> -> memref<8x64xf32, #tpu.memory_space<hbm>>
      %dma_wait3A_111 = arith.constant 192 : i32
      %dma_wait3A_112 = arith.constant 0 : i32
      %dma_wait3A_113 = tpu.memref_slice %arg10[%dma_wait3A_111, %dma_wait3A_112] : memref<200x64xf32, #tpu.memory_space<vmem>> -> memref<8x64xf32, #tpu.memory_space<vmem>>
      %dma_wait3A_114 = arith.constant 0 : i32
      %dma_wait3A_115 = arith.constant 0 : i32
      %dma_wait3A_116 = tpu.memref_slice %arg3[%dma_wait3A_114, %dma_wait3A_115] : memref<1000000x64xf32, #tpu.memory_space<hbm>> -> memref<8x64xf32, #tpu.memory_space<hbm>>
      tpu.wait_dma2 semaphore(%arg19 : memref<!tpu.dma_semaphore, #tpu.memory_space<semaphore_mem>>) src(%dma_wait3A_116 : memref<8x64xf32, #tpu.memory_space<hbm>>) dst(%dma_wait3A_113 : memref<8x64xf32, #tpu.memory_space<vmem>>)
      %lt3A = arith.constant 125 : i32
      %lt3A_117 = arith.cmpi slt, %add3A_98, %lt3A : i32
      %convert_element_type3A = arith.extui %lt3A_117 : i1 to i32
      %cond3A = arith.constant 0 : i32
      %cond3A_118 = arith.cmpi ne, %convert_element_type3A, %cond3A : i32
      scf.if %cond3A_118 {
        %add3A_283 = arith.constant 3 : i32
        %add3A_284 = arith.addi %add3A_98, %add3A_283 : i32
        %add3A_285 = arith.addi %mul3A_2, %add3A_284 : i32
        %dma_start3A_286 = arith.constant 0 : i32
        %dma_start3A_287 = tpu.memref_slice %arg2[%add3A_285, %dma_start3A_286] : memref<4096x200xi32, #tpu.memory_space<hbm>> -> memref<1x200xi32, #tpu.memory_space<hbm>>
        %dma_start3A_288 = tpu.memref_squeeze %dma_start3A_287 : memref<1x200xi32, #tpu.memory_space<hbm>> -> memref<200xi32, #tpu.memory_space<hbm>>
        %dma_start3A_289 = arith.constant 0 : i32
        %dma_start3A_290 = tpu.memref_slice %arg2[%add3A_285, %dma_start3A_289] : memref<4096x200xi32, #tpu.memory_space<hbm>> -> memref<1x200xi32, #tpu.memory_space<hbm>>
        %dma_start3A_291 = tpu.memref_squeeze %dma_start3A_290 : memref<1x200xi32, #tpu.memory_space<hbm>> -> memref<200xi32, #tpu.memory_space<hbm>>
        tpu.enqueue_dma source(%dma_start3A_291 : memref<200xi32, #tpu.memory_space<hbm>>) target(%arg9 : memref<200xi32, #tpu.memory_space<vmem>>) target_semaphore(%arg30 : memref<!tpu.dma_semaphore, #tpu.memory_space<semaphore_mem>>)
      } else {
      }
      %lt3A_119 = arith.constant 126 : i32
      %lt3A_120 = arith.cmpi slt, %add3A_98, %lt3A_119 : i32
      %convert_element_type3A_121 = arith.extui %lt3A_120 : i1 to i32
      %cond3A_122 = arith.constant 0 : i32
      %cond3A_123 = arith.cmpi ne, %convert_element_type3A_121, %cond3A_122 : i32
      scf.if %cond3A_123 {
        %dma_wait3A_283 = arith.constant 0 : i32
        %dma_wait3A_284 = arith.constant 0 : i32
        %dma_wait3A_285 = tpu.memref_slice %arg2[%dma_wait3A_283, %dma_wait3A_284] : memref<4096x200xi32, #tpu.memory_space<hbm>> -> memref<1x200xi32, #tpu.memory_space<hbm>>
        %dma_wait3A_286 = tpu.memref_squeeze %dma_wait3A_285 : memref<1x200xi32, #tpu.memory_space<hbm>> -> memref<200xi32, #tpu.memory_space<hbm>>
        %dma_wait3A_287 = arith.constant 0 : i32
        %dma_wait3A_288 = tpu.memref_slice %arg2[%dma_wait3A_283, %dma_wait3A_287] : memref<4096x200xi32, #tpu.memory_space<hbm>> -> memref<1x200xi32, #tpu.memory_space<hbm>>
        %dma_wait3A_289 = tpu.memref_squeeze %dma_wait3A_288 : memref<1x200xi32, #tpu.memory_space<hbm>> -> memref<200xi32, #tpu.memory_space<hbm>>
        tpu.wait_dma2 semaphore(%arg29 : memref<!tpu.dma_semaphore, #tpu.memory_space<semaphore_mem>>) src(%dma_wait3A_289 : memref<200xi32, #tpu.memory_space<hbm>>) dst(%arg8 : memref<200xi32, #tpu.memory_space<vmem>>)
        %parallel_loop3A_290 = arith.constant 0 : i32
        %parallel_loop3A_291 = arith.constant 12 : i32
        %parallel_loop3A_292 = arith.constant 1 : i32
        scf.for %parallel_loop3A_302 = %parallel_loop3A_290 to %parallel_loop3A_291 step %parallel_loop3A_292  : i32 {
          %parallel_loop3A_303 = arith.constant 16 : i32
          %parallel_loop3A_304 = arith.muli %parallel_loop3A_302, %parallel_loop3A_303 : i32
          %parallel_loop3A_305 = arith.index_cast %parallel_loop3A_304 : i32 to index
          %parallel_loop3A_306 = tpu.vector_load %arg8[%parallel_loop3A_305] {strides = array<i32>} : memref<200xi32, #tpu.memory_space<vmem>>, vector<16xi32>,
          %parallel_loop3A_307 = vector.shape_cast %parallel_loop3A_306 : vector<16xi32> to vector<16xi32>
          %parallel_loop3A_308 = arith.constant 16 : i32
          %parallel_loop3A_309 = arith.muli %parallel_loop3A_302, %parallel_loop3A_308 : i32
          %parallel_loop3A_310 = arith.constant 0 : i32
          %parallel_loop3A_311 = tpu.memref_slice %arg12[%parallel_loop3A_309, %parallel_loop3A_310] : memref<200x64xf32, #tpu.memory_space<vmem>> -> memref<16x64xf32, #tpu.memory_space<vmem>>
          %parallel_loop3A_312 = arith.constant 0 : i32
          %parallel_loop3A_313 = arith.constant 0 : i32
          %parallel_loop3A_314 = tpu.memref_slice %arg3[%parallel_loop3A_312, %parallel_loop3A_313] : memref<1000000x64xf32, #tpu.memory_space<hbm>> -> memref<1000000x64xf32, #tpu.memory_space<hbm>>
          tpu.enqueue_indirect_dma source(%parallel_loop3A_314 : memref<1000000x64xf32, #tpu.memory_space<hbm>>) target(%parallel_loop3A_311 : memref<16x64xf32, #tpu.memory_space<vmem>>) offsets(%parallel_loop3A_307 : vector<16xi32>) semaphore(%arg21 : memref<!tpu.dma_semaphore, #tpu.memory_space<semaphore_mem>>)
        } {sc.loop_unroll_factor = 1 : i64, sc.parallel_access}
        %get3A_293 = arith.constant 184 : index
        %get3A_294 = tpu.vector_load %arg8[%get3A_293] {strides = array<i32>} : memref<200xi32, #tpu.memory_space<vmem>>, vector<16xi32>,
        %get3A_295 = vector.shape_cast %get3A_294 : vector<16xi32> to vector<16xi32>
        %dma_start3A_296 = arith.constant 184 : i32
        %dma_start3A_297 = arith.constant 0 : i32
        %dma_start3A_298 = tpu.memref_slice %arg12[%dma_start3A_296, %dma_start3A_297] : memref<200x64xf32, #tpu.memory_space<vmem>> -> memref<16x64xf32, #tpu.memory_space<vmem>>
        %dma_start3A_299 = arith.constant 0 : i32
        %dma_start3A_300 = arith.constant 0 : i32
        %dma_start3A_301 = tpu.memref_slice %arg3[%dma_start3A_299, %dma_start3A_300] : memref<1000000x64xf32, #tpu.memory_space<hbm>> -> memref<1000000x64xf32, #tpu.memory_space<hbm>>
        tpu.enqueue_indirect_dma source(%dma_start3A_301 : memref<1000000x64xf32, #tpu.memory_space<hbm>>) target(%dma_start3A_298 : memref<16x64xf32, #tpu.memory_space<vmem>>) offsets(%get3A_295 : vector<16xi32>) semaphore(%arg21 : memref<!tpu.dma_semaphore, #tpu.memory_space<semaphore_mem>>)
      } else {
      }
      %ge3A = arith.constant 4 : i32
      %ge3A_124 = arith.cmpi sge, %add3A_98, %ge3A : i32
      %convert_element_type3A_125 = arith.extui %ge3A_124 : i1 to i32
      %cond3A_126 = arith.constant 0 : i32
      %cond3A_127 = arith.cmpi ne, %convert_element_type3A_125, %cond3A_126 : i32
      scf.if %cond3A_127 {
        %dma_wait3A_283 = arith.constant 0 : i32
        %dma_wait3A_284 = arith.constant 0 : i32
        %dma_wait3A_285 = tpu.memref_slice %arg5[%dma_wait3A_283, %dma_wait3A_284] : memref<409600x128xf32, #tpu.memory_space<hbm>> -> memref<100x128xf32, #tpu.memory_space<hbm>>
        %dma_wait3A_286 = arith.constant 0 : i32
        %dma_wait3A_287 = arith.constant 0 : i32
        %dma_wait3A_288 = tpu.memref_slice %arg5[%dma_wait3A_286, %dma_wait3A_287] : memref<409600x128xf32, #tpu.memory_space<hbm>> -> memref<100x128xf32, #tpu.memory_space<hbm>>
        tpu.wait_dma2 semaphore(%arg23 : memref<!tpu.dma_semaphore, #tpu.memory_space<semaphore_mem>>) src(%arg14 : memref<100x128xf32, #tpu.memory_space<vmem>>) dst(%dma_wait3A_288 : memref<100x128xf32, #tpu.memory_space<hbm>>)
      } else {
      }
      %parallel_loop3A_128 = arith.constant 0 : i32
      %parallel_loop3A_129 = arith.constant 100 : i32
      %parallel_loop3A_130 = arith.constant 1 : i32
      scf.for %parallel_loop3A_283 = %parallel_loop3A_128 to %parallel_loop3A_129 step %parallel_loop3A_130  : i32 {
        %parallel_loop3A_284 = arith.constant 2 : i32
        %parallel_loop3A_285 = arith.muli %parallel_loop3A_283, %parallel_loop3A_284 : i32
        %parallel_loop3A_286 = arith.constant 0 : i32
        %parallel_loop3A_287 = arith.addi %parallel_loop3A_285, %parallel_loop3A_286 : i32
        %parallel_loop3A_288 = arith.constant 64 : i32
        %parallel_loop3A_289 = arith.muli %parallel_loop3A_287, %parallel_loop3A_288 : i32
        %parallel_loop3A_290 = arith.constant 0 : i32
        %parallel_loop3A_291 = arith.addi %parallel_loop3A_289, %parallel_loop3A_290 : i32
        %parallel_loop3A_292 = arith.index_cast %parallel_loop3A_291 : i32 to index
        %parallel_loop3A_293 = tpu.vector_load %arg18[%parallel_loop3A_292] {strides = array<i32>} : memref<12800xf32, #tpu.memory_space<vmem>>, vector<16xf32>,
        %parallel_loop3A_294 = vector.shape_cast %parallel_loop3A_293 : vector<16xf32> to vector<16xf32>
        %parallel_loop3A_295 = arith.index_cast %parallel_loop3A_287 : i32 to index
        %parallel_loop3A_296 = arith.constant 0 : index
        %parallel_loop3A_297 = tpu.vector_load %arg10[%parallel_loop3A_295, %parallel_loop3A_296] {strides = array<i32>} : memref<200x64xf32, #tpu.memory_space<vmem>>, vector<1x16xf32>,
        %parallel_loop3A_298 = vector.shape_cast %parallel_loop3A_297 : vector<1x16xf32> to vector<16xf32>
        %parallel_loop3A_299 = arith.constant 1.250000e-01 : f32
        %parallel_loop3A_300 = vector.broadcast %parallel_loop3A_299 : f32 to vector<16xf32>
        %parallel_loop3A_301 = arith.mulf %parallel_loop3A_298, %parallel_loop3A_300 : vector<16xf32>
        %parallel_loop3A_302 = arith.addf %parallel_loop3A_301, %parallel_loop3A_294 : vector<16xf32>
        %parallel_loop3A_303 = arith.index_cast %parallel_loop3A_283 : i32 to index
        %parallel_loop3A_304 = arith.constant 0 : index
        %parallel_loop3A_305 = tpu.vector_load %arg14[%parallel_loop3A_303, %parallel_loop3A_304] {strides = array<i32>} : memref<100x128xf32, #tpu.memory_space<vmem>>, vector<1x16xf32>,
        %parallel_loop3A_306 = vector.shape_cast %parallel_loop3A_305 : vector<1x16xf32> to vector<16xf32>
        %parallel_loop3A_307 = vector.shape_cast %parallel_loop3A_302 : vector<16xf32> to vector<1x16xf32>
        tpu.vector_store %arg14[%parallel_loop3A_303, %parallel_loop3A_304], %parallel_loop3A_307 {strides = array<i32>} : memref<100x128xf32, #tpu.memory_space<vmem>>, vector<1x16xf32>,
        %parallel_loop3A_308 = arith.constant 64 : i32
        %parallel_loop3A_309 = arith.muli %parallel_loop3A_287, %parallel_loop3A_308 : i32
        %parallel_loop3A_310 = arith.constant 16 : i32
        %parallel_loop3A_311 = arith.addi %parallel_loop3A_309, %parallel_loop3A_310 : i32
        %parallel_loop3A_312 = arith.index_cast %parallel_loop3A_311 : i32 to index
        %parallel_loop3A_313 = tpu.vector_load %arg18[%parallel_loop3A_312] {strides = array<i32>} : memref<12800xf32, #tpu.memory_space<vmem>>, vector<16xf32>,
        %parallel_loop3A_314 = vector.shape_cast %parallel_loop3A_313 : vector<16xf32> to vector<16xf32>
        %parallel_loop3A_315 = arith.index_cast %parallel_loop3A_287 : i32 to index
        %parallel_loop3A_316 = arith.constant 16 : index
        %parallel_loop3A_317 = tpu.vector_load %arg10[%parallel_loop3A_315, %parallel_loop3A_316] {strides = array<i32>} : memref<200x64xf32, #tpu.memory_space<vmem>>, vector<1x16xf32>,
        %parallel_loop3A_318 = vector.shape_cast %parallel_loop3A_317 : vector<1x16xf32> to vector<16xf32>
        %parallel_loop3A_319 = arith.constant 1.250000e-01 : f32
        %parallel_loop3A_320 = vector.broadcast %parallel_loop3A_319 : f32 to vector<16xf32>
        %parallel_loop3A_321 = arith.mulf %parallel_loop3A_318, %parallel_loop3A_320 : vector<16xf32>
        %parallel_loop3A_322 = arith.addf %parallel_loop3A_321, %parallel_loop3A_314 : vector<16xf32>
        %parallel_loop3A_323 = arith.index_cast %parallel_loop3A_283 : i32 to index
        %parallel_loop3A_324 = arith.constant 16 : index
        %parallel_loop3A_325 = tpu.vector_load %arg14[%parallel_loop3A_323, %parallel_loop3A_324] {strides = array<i32>} : memref<100x128xf32, #tpu.memory_space<vmem>>, vector<1x16xf32>,
        %parallel_loop3A_326 = vector.shape_cast %parallel_loop3A_325 : vector<1x16xf32> to vector<16xf32>
        %parallel_loop3A_327 = vector.shape_cast %parallel_loop3A_322 : vector<16xf32> to vector<1x16xf32>
        tpu.vector_store %arg14[%parallel_loop3A_323, %parallel_loop3A_324], %parallel_loop3A_327 {strides = array<i32>} : memref<100x128xf32, #tpu.memory_space<vmem>>, vector<1x16xf32>,
        %parallel_loop3A_328 = arith.constant 64 : i32
        %parallel_loop3A_329 = arith.muli %parallel_loop3A_287, %parallel_loop3A_328 : i32
        %parallel_loop3A_330 = arith.constant 32 : i32
        %parallel_loop3A_331 = arith.addi %parallel_loop3A_329, %parallel_loop3A_330 : i32
        %parallel_loop3A_332 = arith.index_cast %parallel_loop3A_331 : i32 to index
        %parallel_loop3A_333 = tpu.vector_load %arg18[%parallel_loop3A_332] {strides = array<i32>} : memref<12800xf32, #tpu.memory_space<vmem>>, vector<16xf32>,
        %parallel_loop3A_334 = vector.shape_cast %parallel_loop3A_333 : vector<16xf32> to vector<16xf32>
        %parallel_loop3A_335 = arith.index_cast %parallel_loop3A_287 : i32 to index
        %parallel_loop3A_336 = arith.constant 32 : index
        %parallel_loop3A_337 = tpu.vector_load %arg10[%parallel_loop3A_335, %parallel_loop3A_336] {strides = array<i32>} : memref<200x64xf32, #tpu.memory_space<vmem>>, vector<1x16xf32>,
        %parallel_loop3A_338 = vector.shape_cast %parallel_loop3A_337 : vector<1x16xf32> to vector<16xf32>
        %parallel_loop3A_339 = arith.constant 1.250000e-01 : f32
        %parallel_loop3A_340 = vector.broadcast %parallel_loop3A_339 : f32 to vector<16xf32>
        %parallel_loop3A_341 = arith.mulf %parallel_loop3A_338, %parallel_loop3A_340 : vector<16xf32>
        %parallel_loop3A_342 = arith.addf %parallel_loop3A_341, %parallel_loop3A_334 : vector<16xf32>
        %parallel_loop3A_343 = arith.index_cast %parallel_loop3A_283 : i32 to index
        %parallel_loop3A_344 = arith.constant 32 : index
        %parallel_loop3A_345 = tpu.vector_load %arg14[%parallel_loop3A_343, %parallel_loop3A_344] {strides = array<i32>} : memref<100x128xf32, #tpu.memory_space<vmem>>, vector<1x16xf32>,
        %parallel_loop3A_346 = vector.shape_cast %parallel_loop3A_345 : vector<1x16xf32> to vector<16xf32>
        %parallel_loop3A_347 = vector.shape_cast %parallel_loop3A_342 : vector<16xf32> to vector<1x16xf32>
        tpu.vector_store %arg14[%parallel_loop3A_343, %parallel_loop3A_344], %parallel_loop3A_347 {strides = array<i32>} : memref<100x128xf32, #tpu.memory_space<vmem>>, vector<1x16xf32>,
        %parallel_loop3A_348 = arith.constant 64 : i32
        %parallel_loop3A_349 = arith.muli %parallel_loop3A_287, %parallel_loop3A_348 : i32
        %parallel_loop3A_350 = arith.constant 48 : i32
        %parallel_loop3A_351 = arith.addi %parallel_loop3A_349, %parallel_loop3A_350 : i32
        %parallel_loop3A_352 = arith.index_cast %parallel_loop3A_351 : i32 to index
        %parallel_loop3A_353 = tpu.vector_load %arg18[%parallel_loop3A_352] {strides = array<i32>} : memref<12800xf32, #tpu.memory_space<vmem>>, vector<16xf32>,
        %parallel_loop3A_354 = vector.shape_cast %parallel_loop3A_353 : vector<16xf32> to vector<16xf32>
        %parallel_loop3A_355 = arith.index_cast %parallel_loop3A_287 : i32 to index
        %parallel_loop3A_356 = arith.constant 48 : index
        %parallel_loop3A_357 = tpu.vector_load %arg10[%parallel_loop3A_355, %parallel_loop3A_356] {strides = array<i32>} : memref<200x64xf32, #tpu.memory_space<vmem>>, vector<1x16xf32>,
        %parallel_loop3A_358 = vector.shape_cast %parallel_loop3A_357 : vector<1x16xf32> to vector<16xf32>
        %parallel_loop3A_359 = arith.constant 1.250000e-01 : f32
        %parallel_loop3A_360 = vector.broadcast %parallel_loop3A_359 : f32 to vector<16xf32>
        %parallel_loop3A_361 = arith.mulf %parallel_loop3A_358, %parallel_loop3A_360 : vector<16xf32>
        %parallel_loop3A_362 = arith.addf %parallel_loop3A_361, %parallel_loop3A_354 : vector<16xf32>
        %parallel_loop3A_363 = arith.index_cast %parallel_loop3A_283 : i32 to index
        %parallel_loop3A_364 = arith.constant 48 : index
        %parallel_loop3A_365 = tpu.vector_load %arg14[%parallel_loop3A_363, %parallel_loop3A_364] {strides = array<i32>} : memref<100x128xf32, #tpu.memory_space<vmem>>, vector<1x16xf32>,
        %parallel_loop3A_366 = vector.shape_cast %parallel_loop3A_365 : vector<1x16xf32> to vector<16xf32>
        %parallel_loop3A_367 = vector.shape_cast %parallel_loop3A_362 : vector<16xf32> to vector<1x16xf32>
        tpu.vector_store %arg14[%parallel_loop3A_363, %parallel_loop3A_364], %parallel_loop3A_367 {strides = array<i32>} : memref<100x128xf32, #tpu.memory_space<vmem>>, vector<1x16xf32>,
        %parallel_loop3A_368 = arith.constant 2 : i32
        %parallel_loop3A_369 = arith.muli %parallel_loop3A_283, %parallel_loop3A_368 : i32
        %parallel_loop3A_370 = arith.constant 1 : i32
        %parallel_loop3A_371 = arith.addi %parallel_loop3A_369, %parallel_loop3A_370 : i32
        %parallel_loop3A_372 = arith.constant 64 : i32
        %parallel_loop3A_373 = arith.muli %parallel_loop3A_371, %parallel_loop3A_372 : i32
        %parallel_loop3A_374 = arith.constant 0 : i32
        %parallel_loop3A_375 = arith.addi %parallel_loop3A_373, %parallel_loop3A_374 : i32
        %parallel_loop3A_376 = arith.index_cast %parallel_loop3A_375 : i32 to index
        %parallel_loop3A_377 = tpu.vector_load %arg18[%parallel_loop3A_376] {strides = array<i32>} : memref<12800xf32, #tpu.memory_space<vmem>>, vector<16xf32>,
        %parallel_loop3A_378 = vector.shape_cast %parallel_loop3A_377 : vector<16xf32> to vector<16xf32>
        %parallel_loop3A_379 = arith.index_cast %parallel_loop3A_371 : i32 to index
        %parallel_loop3A_380 = arith.constant 0 : index
        %parallel_loop3A_381 = tpu.vector_load %arg10[%parallel_loop3A_379, %parallel_loop3A_380] {strides = array<i32>} : memref<200x64xf32, #tpu.memory_space<vmem>>, vector<1x16xf32>,
        %parallel_loop3A_382 = vector.shape_cast %parallel_loop3A_381 : vector<1x16xf32> to vector<16xf32>
        %parallel_loop3A_383 = arith.constant 1.250000e-01 : f32
        %parallel_loop3A_384 = vector.broadcast %parallel_loop3A_383 : f32 to vector<16xf32>
        %parallel_loop3A_385 = arith.mulf %parallel_loop3A_382, %parallel_loop3A_384 : vector<16xf32>
        %parallel_loop3A_386 = arith.addf %parallel_loop3A_385, %parallel_loop3A_378 : vector<16xf32>
        %parallel_loop3A_387 = arith.index_cast %parallel_loop3A_283 : i32 to index
        %parallel_loop3A_388 = arith.constant 64 : index
        %parallel_loop3A_389 = tpu.vector_load %arg14[%parallel_loop3A_387, %parallel_loop3A_388] {strides = array<i32>} : memref<100x128xf32, #tpu.memory_space<vmem>>, vector<1x16xf32>,
        %parallel_loop3A_390 = vector.shape_cast %parallel_loop3A_389 : vector<1x16xf32> to vector<16xf32>
        %parallel_loop3A_391 = vector.shape_cast %parallel_loop3A_386 : vector<16xf32> to vector<1x16xf32>
        tpu.vector_store %arg14[%parallel_loop3A_387, %parallel_loop3A_388], %parallel_loop3A_391 {strides = array<i32>} : memref<100x128xf32, #tpu.memory_space<vmem>>, vector<1x16xf32>,
        %parallel_loop3A_392 = arith.constant 64 : i32
        %parallel_loop3A_393 = arith.muli %parallel_loop3A_371, %parallel_loop3A_392 : i32
        %parallel_loop3A_394 = arith.constant 16 : i32
        %parallel_loop3A_395 = arith.addi %parallel_loop3A_393, %parallel_loop3A_394 : i32
        %parallel_loop3A_396 = arith.index_cast %parallel_loop3A_395 : i32 to index
        %parallel_loop3A_397 = tpu.vector_load %arg18[%parallel_loop3A_396] {strides = array<i32>} : memref<12800xf32, #tpu.memory_space<vmem>>, vector<16xf32>,
        %parallel_loop3A_398 = vector.shape_cast %parallel_loop3A_397 : vector<16xf32> to vector<16xf32>
        %parallel_loop3A_399 = arith.index_cast %parallel_loop3A_371 : i32 to index
        %parallel_loop3A_400 = arith.constant 16 : index
        %parallel_loop3A_401 = tpu.vector_load %arg10[%parallel_loop3A_399, %parallel_loop3A_400] {strides = array<i32>} : memref<200x64xf32, #tpu.memory_space<vmem>>, vector<1x16xf32>,
        %parallel_loop3A_402 = vector.shape_cast %parallel_loop3A_401 : vector<1x16xf32> to vector<16xf32>
        %parallel_loop3A_403 = arith.constant 1.250000e-01 : f32
        %parallel_loop3A_404 = vector.broadcast %parallel_loop3A_403 : f32 to vector<16xf32>
        %parallel_loop3A_405 = arith.mulf %parallel_loop3A_402, %parallel_loop3A_404 : vector<16xf32>
        %parallel_loop3A_406 = arith.addf %parallel_loop3A_405, %parallel_loop3A_398 : vector<16xf32>
        %parallel_loop3A_407 = arith.index_cast %parallel_loop3A_283 : i32 to index
        %parallel_loop3A_408 = arith.constant 80 : index
        %parallel_loop3A_409 = tpu.vector_load %arg14[%parallel_loop3A_407, %parallel_loop3A_408] {strides = array<i32>} : memref<100x128xf32, #tpu.memory_space<vmem>>, vector<1x16xf32>,
        %parallel_loop3A_410 = vector.shape_cast %parallel_loop3A_409 : vector<1x16xf32> to vector<16xf32>
        %parallel_loop3A_411 = vector.shape_cast %parallel_loop3A_406 : vector<16xf32> to vector<1x16xf32>
        tpu.vector_store %arg14[%parallel_loop3A_407, %parallel_loop3A_408], %parallel_loop3A_411 {strides = array<i32>} : memref<100x128xf32, #tpu.memory_space<vmem>>, vector<1x16xf32>,
        %parallel_loop3A_412 = arith.constant 64 : i32
        %parallel_loop3A_413 = arith.muli %parallel_loop3A_371, %parallel_loop3A_412 : i32
        %parallel_loop3A_414 = arith.constant 32 : i32
        %parallel_loop3A_415 = arith.addi %parallel_loop3A_413, %parallel_loop3A_414 : i32
        %parallel_loop3A_416 = arith.index_cast %parallel_loop3A_415 : i32 to index
        %parallel_loop3A_417 = tpu.vector_load %arg18[%parallel_loop3A_416] {strides = array<i32>} : memref<12800xf32, #tpu.memory_space<vmem>>, vector<16xf32>,
        %parallel_loop3A_418 = vector.shape_cast %parallel_loop3A_417 : vector<16xf32> to vector<16xf32>
        %parallel_loop3A_419 = arith.index_cast %parallel_loop3A_371 : i32 to index
        %parallel_loop3A_420 = arith.constant 32 : index
        %parallel_loop3A_421 = tpu.vector_load %arg10[%parallel_loop3A_419, %parallel_loop3A_420] {strides = array<i32>} : memref<200x64xf32, #tpu.memory_space<vmem>>, vector<1x16xf32>,
        %parallel_loop3A_422 = vector.shape_cast %parallel_loop3A_421 : vector<1x16xf32> to vector<16xf32>
        %parallel_loop3A_423 = arith.constant 1.250000e-01 : f32
        %parallel_loop3A_424 = vector.broadcast %parallel_loop3A_423 : f32 to vector<16xf32>
        %parallel_loop3A_425 = arith.mulf %parallel_loop3A_422, %parallel_loop3A_424 : vector<16xf32>
        %parallel_loop3A_426 = arith.addf %parallel_loop3A_425, %parallel_loop3A_418 : vector<16xf32>
        %parallel_loop3A_427 = arith.index_cast %parallel_loop3A_283 : i32 to index
        %parallel_loop3A_428 = arith.constant 96 : index
        %parallel_loop3A_429 = tpu.vector_load %arg14[%parallel_loop3A_427, %parallel_loop3A_428] {strides = array<i32>} : memref<100x128xf32, #tpu.memory_space<vmem>>, vector<1x16xf32>,
        %parallel_loop3A_430 = vector.shape_cast %parallel_loop3A_429 : vector<1x16xf32> to vector<16xf32>
        %parallel_loop3A_431 = vector.shape_cast %parallel_loop3A_426 : vector<16xf32> to vector<1x16xf32>
        tpu.vector_store %arg14[%parallel_loop3A_427, %parallel_loop3A_428], %parallel_loop3A_431 {strides = array<i32>} : memref<100x128xf32, #tpu.memory_space<vmem>>, vector<1x16xf32>,
        %parallel_loop3A_432 = arith.constant 64 : i32
        %parallel_loop3A_433 = arith.muli %parallel_loop3A_371, %parallel_loop3A_432 : i32
        %parallel_loop3A_434 = arith.constant 48 : i32
        %parallel_loop3A_435 = arith.addi %parallel_loop3A_433, %parallel_loop3A_434 : i32
        %parallel_loop3A_436 = arith.index_cast %parallel_loop3A_435 : i32 to index
        %parallel_loop3A_437 = tpu.vector_load %arg18[%parallel_loop3A_436] {strides = array<i32>} : memref<12800xf32, #tpu.memory_space<vmem>>, vector<16xf32>,
        %parallel_loop3A_438 = vector.shape_cast %parallel_loop3A_437 : vector<16xf32> to vector<16xf32>
        %parallel_loop3A_439 = arith.index_cast %parallel_loop3A_371 : i32 to index
        %parallel_loop3A_440 = arith.constant 48 : index
        %parallel_loop3A_441 = tpu.vector_load %arg10[%parallel_loop3A_439, %parallel_loop3A_440] {strides = array<i32>} : memref<200x64xf32, #tpu.memory_space<vmem>>, vector<1x16xf32>,
        %parallel_loop3A_442 = vector.shape_cast %parallel_loop3A_441 : vector<1x16xf32> to vector<16xf32>
        %parallel_loop3A_443 = arith.constant 1.250000e-01 : f32
        %parallel_loop3A_444 = vector.broadcast %parallel_loop3A_443 : f32 to vector<16xf32>
        %parallel_loop3A_445 = arith.mulf %parallel_loop3A_442, %parallel_loop3A_444 : vector<16xf32>
        %parallel_loop3A_446 = arith.addf %parallel_loop3A_445, %parallel_loop3A_438 : vector<16xf32>
        %parallel_loop3A_447 = arith.index_cast %parallel_loop3A_283 : i32 to index
        %parallel_loop3A_448 = arith.constant 112 : index
        %parallel_loop3A_449 = tpu.vector_load %arg14[%parallel_loop3A_447, %parallel_loop3A_448] {strides = array<i32>} : memref<100x128xf32, #tpu.memory_space<vmem>>, vector<1x16xf32>,
        %parallel_loop3A_450 = vector.shape_cast %parallel_loop3A_449 : vector<1x16xf32> to vector<16xf32>
        %parallel_loop3A_451 = vector.shape_cast %parallel_loop3A_446 : vector<16xf32> to vector<1x16xf32>
        tpu.vector_store %arg14[%parallel_loop3A_447, %parallel_loop3A_448], %parallel_loop3A_451 {strides = array<i32>} : memref<100x128xf32, #tpu.memory_space<vmem>>, vector<1x16xf32>,
      } {sc.loop_unroll_factor = 2 : i64, sc.parallel_access}
      %mul3A_131 = arith.constant 100 : i32
      %mul3A_132 = arith.muli %add3A_98, %mul3A_131 : i32
      %add3A_133 = arith.addi %mul3A_4, %mul3A_132 : i32
      %multiple_of3A = tpu.assume_multiple %add3A_133, 4 : i32
      %dma_start3A_134 = arith.constant 0 : i32
      %dma_start3A_135 = tpu.memref_slice %arg5[%multiple_of3A, %dma_start3A_134] : memref<409600x128xf32, #tpu.memory_space<hbm>> -> memref<100x128xf32, #tpu.memory_space<hbm>>
      %dma_start3A_136 = arith.constant 0 : i32
      %dma_start3A_137 = tpu.memref_slice %arg5[%multiple_of3A, %dma_start3A_136] : memref<409600x128xf32, #tpu.memory_space<hbm>> -> memref<100x128xf32, #tpu.memory_space<hbm>>
      tpu.enqueue_dma source(%arg14 : memref<100x128xf32, #tpu.memory_space<vmem>>) target(%dma_start3A_137 : memref<100x128xf32, #tpu.memory_space<hbm>>) target_semaphore(%arg23 : memref<!tpu.dma_semaphore, #tpu.memory_space<semaphore_mem>>)
      %mul3A_138 = arith.constant 4 : i32
      %mul3A_139 = arith.muli %scan3A_93, %mul3A_138 : i32
      %add3A_140 = arith.constant 1 : i32
      %add3A_141 = arith.addi %mul3A_139, %add3A_140 : i32
      %dma_wait3A_142 = arith.constant 0 : i32
      %dma_wait3A_143 = arith.constant 0 : i32
      %dma_wait3A_144 = tpu.memref_slice %arg3[%dma_wait3A_142, %dma_wait3A_143] : memref<1000000x64xf32, #tpu.memory_space<hbm>> -> memref<200x64xf32, #tpu.memory_space<hbm>>
      %dma_wait3A_145 = arith.constant 0 : i32
      %dma_wait3A_146 = arith.constant 0 : i32
      %dma_wait3A_147 = tpu.memref_slice %arg3[%dma_wait3A_145, %dma_wait3A_146] : memref<1000000x64xf32, #tpu.memory_space<hbm>> -> memref<200x64xf32, #tpu.memory_space<hbm>>
      tpu.wait_dma2 semaphore(%arg20 : memref<!tpu.dma_semaphore, #tpu.memory_space<semaphore_mem>>) src(%dma_wait3A_147 : memref<200x64xf32, #tpu.memory_space<hbm>>) dst(%arg11 : memref<200x64xf32, #tpu.memory_space<vmem>>)
      %dma_wait3A_148 = arith.constant 192 : i32
      %dma_wait3A_149 = arith.constant 0 : i32
      %dma_wait3A_150 = tpu.memref_slice %arg11[%dma_wait3A_148, %dma_wait3A_149] : memref<200x64xf32, #tpu.memory_space<vmem>> -> memref<8x64xf32, #tpu.memory_space<vmem>>
      %dma_wait3A_151 = arith.constant 0 : i32
      %dma_wait3A_152 = arith.constant 0 : i32
      %dma_wait3A_153 = tpu.memref_slice %arg3[%dma_wait3A_151, %dma_wait3A_152] : memref<1000000x64xf32, #tpu.memory_space<hbm>> -> memref<8x64xf32, #tpu.memory_space<hbm>>
      %dma_wait3A_154 = arith.constant 192 : i32
      %dma_wait3A_155 = arith.constant 0 : i32
      %dma_wait3A_156 = tpu.memref_slice %arg11[%dma_wait3A_154, %dma_wait3A_155] : memref<200x64xf32, #tpu.memory_space<vmem>> -> memref<8x64xf32, #tpu.memory_space<vmem>>
      %dma_wait3A_157 = arith.constant 0 : i32
      %dma_wait3A_158 = arith.constant 0 : i32
      %dma_wait3A_159 = tpu.memref_slice %arg3[%dma_wait3A_157, %dma_wait3A_158] : memref<1000000x64xf32, #tpu.memory_space<hbm>> -> memref<8x64xf32, #tpu.memory_space<hbm>>
      tpu.wait_dma2 semaphore(%arg20 : memref<!tpu.dma_semaphore, #tpu.memory_space<semaphore_mem>>) src(%dma_wait3A_159 : memref<8x64xf32, #tpu.memory_space<hbm>>) dst(%dma_wait3A_156 : memref<8x64xf32, #tpu.memory_space<vmem>>)
      %lt3A_160 = arith.constant 125 : i32
      %lt3A_161 = arith.cmpi slt, %add3A_141, %lt3A_160 : i32
      %convert_element_type3A_162 = arith.extui %lt3A_161 : i1 to i32
      %cond3A_163 = arith.constant 0 : i32
      %cond3A_164 = arith.cmpi ne, %convert_element_type3A_162, %cond3A_163 : i32
      scf.if %cond3A_164 {
        %add3A_283 = arith.constant 3 : i32
        %add3A_284 = arith.addi %add3A_141, %add3A_283 : i32
        %add3A_285 = arith.addi %mul3A_2, %add3A_284 : i32
        %dma_start3A_286 = arith.constant 0 : i32
        %dma_start3A_287 = tpu.memref_slice %arg2[%add3A_285, %dma_start3A_286] : memref<4096x200xi32, #tpu.memory_space<hbm>> -> memref<1x200xi32, #tpu.memory_space<hbm>>
        %dma_start3A_288 = tpu.memref_squeeze %dma_start3A_287 : memref<1x200xi32, #tpu.memory_space<hbm>> -> memref<200xi32, #tpu.memory_space<hbm>>
        %dma_start3A_289 = arith.constant 0 : i32
        %dma_start3A_290 = tpu.memref_slice %arg2[%add3A_285, %dma_start3A_289] : memref<4096x200xi32, #tpu.memory_space<hbm>> -> memref<1x200xi32, #tpu.memory_space<hbm>>
        %dma_start3A_291 = tpu.memref_squeeze %dma_start3A_290 : memref<1x200xi32, #tpu.memory_space<hbm>> -> memref<200xi32, #tpu.memory_space<hbm>>
        tpu.enqueue_dma source(%dma_start3A_291 : memref<200xi32, #tpu.memory_space<hbm>>) target(%arg6 : memref<200xi32, #tpu.memory_space<vmem>>) target_semaphore(%arg27 : memref<!tpu.dma_semaphore, #tpu.memory_space<semaphore_mem>>)
      } else {
      }
      %lt3A_165 = arith.constant 126 : i32
      %lt3A_166 = arith.cmpi slt, %add3A_141, %lt3A_165 : i32
      %convert_element_type3A_167 = arith.extui %lt3A_166 : i1 to i32
      %cond3A_168 = arith.constant 0 : i32
      %cond3A_169 = arith.cmpi ne, %convert_element_type3A_167, %cond3A_168 : i32
      scf.if %cond3A_169 {
        %dma_wait3A_283 = arith.constant 0 : i32
        %dma_wait3A_284 = arith.constant 0 : i32
        %dma_wait3A_285 = tpu.memref_slice %arg2[%dma_wait3A_283, %dma_wait3A_284] : memref<4096x200xi32, #tpu.memory_space<hbm>> -> memref<1x200xi32, #tpu.memory_space<hbm>>
        %dma_wait3A_286 = tpu.memref_squeeze %dma_wait3A_285 : memref<1x200xi32, #tpu.memory_space<hbm>> -> memref<200xi32, #tpu.memory_space<hbm>>
        %dma_wait3A_287 = arith.constant 0 : i32
        %dma_wait3A_288 = tpu.memref_slice %arg2[%dma_wait3A_283, %dma_wait3A_287] : memref<4096x200xi32, #tpu.memory_space<hbm>> -> memref<1x200xi32, #tpu.memory_space<hbm>>
        %dma_wait3A_289 = tpu.memref_squeeze %dma_wait3A_288 : memref<1x200xi32, #tpu.memory_space<hbm>> -> memref<200xi32, #tpu.memory_space<hbm>>
        tpu.wait_dma2 semaphore(%arg30 : memref<!tpu.dma_semaphore, #tpu.memory_space<semaphore_mem>>) src(%dma_wait3A_289 : memref<200xi32, #tpu.memory_space<hbm>>) dst(%arg9 : memref<200xi32, #tpu.memory_space<vmem>>)
        %parallel_loop3A_290 = arith.constant 0 : i32
        %parallel_loop3A_291 = arith.constant 12 : i32
        %parallel_loop3A_292 = arith.constant 1 : i32
        scf.for %parallel_loop3A_302 = %parallel_loop3A_290 to %parallel_loop3A_291 step %parallel_loop3A_292  : i32 {
          %parallel_loop3A_303 = arith.constant 16 : i32
          %parallel_loop3A_304 = arith.muli %parallel_loop3A_302, %parallel_loop3A_303 : i32
          %parallel_loop3A_305 = arith.index_cast %parallel_loop3A_304 : i32 to index
          %parallel_loop3A_306 = tpu.vector_load %arg9[%parallel_loop3A_305] {strides = array<i32>} : memref<200xi32, #tpu.memory_space<vmem>>, vector<16xi32>,
          %parallel_loop3A_307 = vector.shape_cast %parallel_loop3A_306 : vector<16xi32> to vector<16xi32>
          %parallel_loop3A_308 = arith.constant 16 : i32
          %parallel_loop3A_309 = arith.muli %parallel_loop3A_302, %parallel_loop3A_308 : i32
          %parallel_loop3A_310 = arith.constant 0 : i32
          %parallel_loop3A_311 = tpu.memref_slice %arg13[%parallel_loop3A_309, %parallel_loop3A_310] : memref<200x64xf32, #tpu.memory_space<vmem>> -> memref<16x64xf32, #tpu.memory_space<vmem>>
          %parallel_loop3A_312 = arith.constant 0 : i32
          %parallel_loop3A_313 = arith.constant 0 : i32
          %parallel_loop3A_314 = tpu.memref_slice %arg3[%parallel_loop3A_312, %parallel_loop3A_313] : memref<1000000x64xf32, #tpu.memory_space<hbm>> -> memref<1000000x64xf32, #tpu.memory_space<hbm>>
          tpu.enqueue_indirect_dma source(%parallel_loop3A_314 : memref<1000000x64xf32, #tpu.memory_space<hbm>>) target(%parallel_loop3A_311 : memref<16x64xf32, #tpu.memory_space<vmem>>) offsets(%parallel_loop3A_307 : vector<16xi32>) semaphore(%arg22 : memref<!tpu.dma_semaphore, #tpu.memory_space<semaphore_mem>>)
        } {sc.loop_unroll_factor = 1 : i64, sc.parallel_access}
        %get3A_293 = arith.constant 184 : index
        %get3A_294 = tpu.vector_load %arg9[%get3A_293] {strides = array<i32>} : memref<200xi32, #tpu.memory_space<vmem>>, vector<16xi32>,
        %get3A_295 = vector.shape_cast %get3A_294 : vector<16xi32> to vector<16xi32>
        %dma_start3A_296 = arith.constant 184 : i32
        %dma_start3A_297 = arith.constant 0 : i32
        %dma_start3A_298 = tpu.memref_slice %arg13[%dma_start3A_296, %dma_start3A_297] : memref<200x64xf32, #tpu.memory_space<vmem>> -> memref<16x64xf32, #tpu.memory_space<vmem>>
        %dma_start3A_299 = arith.constant 0 : i32
        %dma_start3A_300 = arith.constant 0 : i32
        %dma_start3A_301 = tpu.memref_slice %arg3[%dma_start3A_299, %dma_start3A_300] : memref<1000000x64xf32, #tpu.memory_space<hbm>> -> memref<1000000x64xf32, #tpu.memory_space<hbm>>
        tpu.enqueue_indirect_dma source(%dma_start3A_301 : memref<1000000x64xf32, #tpu.memory_space<hbm>>) target(%dma_start3A_298 : memref<16x64xf32, #tpu.memory_space<vmem>>) offsets(%get3A_295 : vector<16xi32>) semaphore(%arg22 : memref<!tpu.dma_semaphore, #tpu.memory_space<semaphore_mem>>)
      } else {
      }
      %ge3A_170 = arith.constant 4 : i32
      %ge3A_171 = arith.cmpi sge, %add3A_141, %ge3A_170 : i32
      %convert_element_type3A_172 = arith.extui %ge3A_171 : i1 to i32
      %cond3A_173 = arith.constant 0 : i32
      %cond3A_174 = arith.cmpi ne, %convert_element_type3A_172, %cond3A_173 : i32
      scf.if %cond3A_174 {
        %dma_wait3A_283 = arith.constant 0 : i32
        %dma_wait3A_284 = arith.constant 0 : i32
        %dma_wait3A_285 = tpu.memref_slice %arg5[%dma_wait3A_283, %dma_wait3A_284] : memref<409600x128xf32, #tpu.memory_space<hbm>> -> memref<100x128xf32, #tpu.memory_space<hbm>>
        %dma_wait3A_286 = arith.constant 0 : i32
        %dma_wait3A_287 = arith.constant 0 : i32
        %dma_wait3A_288 = tpu.memref_slice %arg5[%dma_wait3A_286, %dma_wait3A_287] : memref<409600x128xf32, #tpu.memory_space<hbm>> -> memref<100x128xf32, #tpu.memory_space<hbm>>
        tpu.wait_dma2 semaphore(%arg24 : memref<!tpu.dma_semaphore, #tpu.memory_space<semaphore_mem>>) src(%arg15 : memref<100x128xf32, #tpu.memory_space<vmem>>) dst(%dma_wait3A_288 : memref<100x128xf32, #tpu.memory_space<hbm>>)
      } else {
      }
      %parallel_loop3A_175 = arith.constant 0 : i32
      %parallel_loop3A_176 = arith.constant 100 : i32
      %parallel_loop3A_177 = arith.constant 1 : i32
      scf.for %parallel_loop3A_283 = %parallel_loop3A_175 to %parallel_loop3A_176 step %parallel_loop3A_177  : i32 {
        %parallel_loop3A_284 = arith.constant 2 : i32
        %parallel_loop3A_285 = arith.muli %parallel_loop3A_283, %parallel_loop3A_284 : i32
        %parallel_loop3A_286 = arith.constant 0 : i32
        %parallel_loop3A_287 = arith.addi %parallel_loop3A_285, %parallel_loop3A_286 : i32
        %parallel_loop3A_288 = arith.constant 64 : i32
        %parallel_loop3A_289 = arith.muli %parallel_loop3A_287, %parallel_loop3A_288 : i32
        %parallel_loop3A_290 = arith.constant 0 : i32
        %parallel_loop3A_291 = arith.addi %parallel_loop3A_289, %parallel_loop3A_290 : i32
        %parallel_loop3A_292 = arith.index_cast %parallel_loop3A_291 : i32 to index
        %parallel_loop3A_293 = tpu.vector_load %arg18[%parallel_loop3A_292] {strides = array<i32>} : memref<12800xf32, #tpu.memory_space<vmem>>, vector<16xf32>,
        %parallel_loop3A_294 = vector.shape_cast %parallel_loop3A_293 : vector<16xf32> to vector<16xf32>
        %parallel_loop3A_295 = arith.index_cast %parallel_loop3A_287 : i32 to index
        %parallel_loop3A_296 = arith.constant 0 : index
        %parallel_loop3A_297 = tpu.vector_load %arg11[%parallel_loop3A_295, %parallel_loop3A_296] {strides = array<i32>} : memref<200x64xf32, #tpu.memory_space<vmem>>, vector<1x16xf32>,
        %parallel_loop3A_298 = vector.shape_cast %parallel_loop3A_297 : vector<1x16xf32> to vector<16xf32>
        %parallel_loop3A_299 = arith.constant 1.250000e-01 : f32
        %parallel_loop3A_300 = vector.broadcast %parallel_loop3A_299 : f32 to vector<16xf32>
        %parallel_loop3A_301 = arith.mulf %parallel_loop3A_298, %parallel_loop3A_300 : vector<16xf32>
        %parallel_loop3A_302 = arith.addf %parallel_loop3A_301, %parallel_loop3A_294 : vector<16xf32>
        %parallel_loop3A_303 = arith.index_cast %parallel_loop3A_283 : i32 to index
        %parallel_loop3A_304 = arith.constant 0 : index
        %parallel_loop3A_305 = tpu.vector_load %arg15[%parallel_loop3A_303, %parallel_loop3A_304] {strides = array<i32>} : memref<100x128xf32, #tpu.memory_space<vmem>>, vector<1x16xf32>,
        %parallel_loop3A_306 = vector.shape_cast %parallel_loop3A_305 : vector<1x16xf32> to vector<16xf32>
        %parallel_loop3A_307 = vector.shape_cast %parallel_loop3A_302 : vector<16xf32> to vector<1x16xf32>
        tpu.vector_store %arg15[%parallel_loop3A_303, %parallel_loop3A_304], %parallel_loop3A_307 {strides = array<i32>} : memref<100x128xf32, #tpu.memory_space<vmem>>, vector<1x16xf32>,
        %parallel_loop3A_308 = arith.constant 64 : i32
        %parallel_loop3A_309 = arith.muli %parallel_loop3A_287, %parallel_loop3A_308 : i32
        %parallel_loop3A_310 = arith.constant 16 : i32
        %parallel_loop3A_311 = arith.addi %parallel_loop3A_309, %parallel_loop3A_310 : i32
        %parallel_loop3A_312 = arith.index_cast %parallel_loop3A_311 : i32 to index
        %parallel_loop3A_313 = tpu.vector_load %arg18[%parallel_loop3A_312] {strides = array<i32>} : memref<12800xf32, #tpu.memory_space<vmem>>, vector<16xf32>,
        %parallel_loop3A_314 = vector.shape_cast %parallel_loop3A_313 : vector<16xf32> to vector<16xf32>
        %parallel_loop3A_315 = arith.index_cast %parallel_loop3A_287 : i32 to index
        %parallel_loop3A_316 = arith.constant 16 : index
        %parallel_loop3A_317 = tpu.vector_load %arg11[%parallel_loop3A_315, %parallel_loop3A_316] {strides = array<i32>} : memref<200x64xf32, #tpu.memory_space<vmem>>, vector<1x16xf32>,
        %parallel_loop3A_318 = vector.shape_cast %parallel_loop3A_317 : vector<1x16xf32> to vector<16xf32>
        %parallel_loop3A_319 = arith.constant 1.250000e-01 : f32
        %parallel_loop3A_320 = vector.broadcast %parallel_loop3A_319 : f32 to vector<16xf32>
        %parallel_loop3A_321 = arith.mulf %parallel_loop3A_318, %parallel_loop3A_320 : vector<16xf32>
        %parallel_loop3A_322 = arith.addf %parallel_loop3A_321, %parallel_loop3A_314 : vector<16xf32>
        %parallel_loop3A_323 = arith.index_cast %parallel_loop3A_283 : i32 to index
        %parallel_loop3A_324 = arith.constant 16 : index
        %parallel_loop3A_325 = tpu.vector_load %arg15[%parallel_loop3A_323, %parallel_loop3A_324] {strides = array<i32>} : memref<100x128xf32, #tpu.memory_space<vmem>>, vector<1x16xf32>,
        %parallel_loop3A_326 = vector.shape_cast %parallel_loop3A_325 : vector<1x16xf32> to vector<16xf32>
        %parallel_loop3A_327 = vector.shape_cast %parallel_loop3A_322 : vector<16xf32> to vector<1x16xf32>
        tpu.vector_store %arg15[%parallel_loop3A_323, %parallel_loop3A_324], %parallel_loop3A_327 {strides = array<i32>} : memref<100x128xf32, #tpu.memory_space<vmem>>, vector<1x16xf32>,
        %parallel_loop3A_328 = arith.constant 64 : i32
        %parallel_loop3A_329 = arith.muli %parallel_loop3A_287, %parallel_loop3A_328 : i32
        %parallel_loop3A_330 = arith.constant 32 : i32
        %parallel_loop3A_331 = arith.addi %parallel_loop3A_329, %parallel_loop3A_330 : i32
        %parallel_loop3A_332 = arith.index_cast %parallel_loop3A_331 : i32 to index
        %parallel_loop3A_333 = tpu.vector_load %arg18[%parallel_loop3A_332] {strides = array<i32>} : memref<12800xf32, #tpu.memory_space<vmem>>, vector<16xf32>,
        %parallel_loop3A_334 = vector.shape_cast %parallel_loop3A_333 : vector<16xf32> to vector<16xf32>
        %parallel_loop3A_335 = arith.index_cast %parallel_loop3A_287 : i32 to index
        %parallel_loop3A_336 = arith.constant 32 : index
        %parallel_loop3A_337 = tpu.vector_load %arg11[%parallel_loop3A_335, %parallel_loop3A_336] {strides = array<i32>} : memref<200x64xf32, #tpu.memory_space<vmem>>, vector<1x16xf32>,
        %parallel_loop3A_338 = vector.shape_cast %parallel_loop3A_337 : vector<1x16xf32> to vector<16xf32>
        %parallel_loop3A_339 = arith.constant 1.250000e-01 : f32
        %parallel_loop3A_340 = vector.broadcast %parallel_loop3A_339 : f32 to vector<16xf32>
        %parallel_loop3A_341 = arith.mulf %parallel_loop3A_338, %parallel_loop3A_340 : vector<16xf32>
        %parallel_loop3A_342 = arith.addf %parallel_loop3A_341, %parallel_loop3A_334 : vector<16xf32>
        %parallel_loop3A_343 = arith.index_cast %parallel_loop3A_283 : i32 to index
        %parallel_loop3A_344 = arith.constant 32 : index
        %parallel_loop3A_345 = tpu.vector_load %arg15[%parallel_loop3A_343, %parallel_loop3A_344] {strides = array<i32>} : memref<100x128xf32, #tpu.memory_space<vmem>>, vector<1x16xf32>,
        %parallel_loop3A_346 = vector.shape_cast %parallel_loop3A_345 : vector<1x16xf32> to vector<16xf32>
        %parallel_loop3A_347 = vector.shape_cast %parallel_loop3A_342 : vector<16xf32> to vector<1x16xf32>
        tpu.vector_store %arg15[%parallel_loop3A_343, %parallel_loop3A_344], %parallel_loop3A_347 {strides = array<i32>} : memref<100x128xf32, #tpu.memory_space<vmem>>, vector<1x16xf32>,
        %parallel_loop3A_348 = arith.constant 64 : i32
        %parallel_loop3A_349 = arith.muli %parallel_loop3A_287, %parallel_loop3A_348 : i32
        %parallel_loop3A_350 = arith.constant 48 : i32
        %parallel_loop3A_351 = arith.addi %parallel_loop3A_349, %parallel_loop3A_350 : i32
        %parallel_loop3A_352 = arith.index_cast %parallel_loop3A_351 : i32 to index
        %parallel_loop3A_353 = tpu.vector_load %arg18[%parallel_loop3A_352] {strides = array<i32>} : memref<12800xf32, #tpu.memory_space<vmem>>, vector<16xf32>,
        %parallel_loop3A_354 = vector.shape_cast %parallel_loop3A_353 : vector<16xf32> to vector<16xf32>
        %parallel_loop3A_355 = arith.index_cast %parallel_loop3A_287 : i32 to index
        %parallel_loop3A_356 = arith.constant 48 : index
        %parallel_loop3A_357 = tpu.vector_load %arg11[%parallel_loop3A_355, %parallel_loop3A_356] {strides = array<i32>} : memref<200x64xf32, #tpu.memory_space<vmem>>, vector<1x16xf32>,
        %parallel_loop3A_358 = vector.shape_cast %parallel_loop3A_357 : vector<1x16xf32> to vector<16xf32>
        %parallel_loop3A_359 = arith.constant 1.250000e-01 : f32
        %parallel_loop3A_360 = vector.broadcast %parallel_loop3A_359 : f32 to vector<16xf32>
        %parallel_loop3A_361 = arith.mulf %parallel_loop3A_358, %parallel_loop3A_360 : vector<16xf32>
        %parallel_loop3A_362 = arith.addf %parallel_loop3A_361, %parallel_loop3A_354 : vector<16xf32>
        %parallel_loop3A_363 = arith.index_cast %parallel_loop3A_283 : i32 to index
        %parallel_loop3A_364 = arith.constant 48 : index
        %parallel_loop3A_365 = tpu.vector_load %arg15[%parallel_loop3A_363, %parallel_loop3A_364] {strides = array<i32>} : memref<100x128xf32, #tpu.memory_space<vmem>>, vector<1x16xf32>,
        %parallel_loop3A_366 = vector.shape_cast %parallel_loop3A_365 : vector<1x16xf32> to vector<16xf32>
        %parallel_loop3A_367 = vector.shape_cast %parallel_loop3A_362 : vector<16xf32> to vector<1x16xf32>
        tpu.vector_store %arg15[%parallel_loop3A_363, %parallel_loop3A_364], %parallel_loop3A_367 {strides = array<i32>} : memref<100x128xf32, #tpu.memory_space<vmem>>, vector<1x16xf32>,
        %parallel_loop3A_368 = arith.constant 2 : i32
        %parallel_loop3A_369 = arith.muli %parallel_loop3A_283, %parallel_loop3A_368 : i32
        %parallel_loop3A_370 = arith.constant 1 : i32
        %parallel_loop3A_371 = arith.addi %parallel_loop3A_369, %parallel_loop3A_370 : i32
        %parallel_loop3A_372 = arith.constant 64 : i32
        %parallel_loop3A_373 = arith.muli %parallel_loop3A_371, %parallel_loop3A_372 : i32
        %parallel_loop3A_374 = arith.constant 0 : i32
        %parallel_loop3A_375 = arith.addi %parallel_loop3A_373, %parallel_loop3A_374 : i32
        %parallel_loop3A_376 = arith.index_cast %parallel_loop3A_375 : i32 to index
        %parallel_loop3A_377 = tpu.vector_load %arg18[%parallel_loop3A_376] {strides = array<i32>} : memref<12800xf32, #tpu.memory_space<vmem>>, vector<16xf32>,
        %parallel_loop3A_378 = vector.shape_cast %parallel_loop3A_377 : vector<16xf32> to vector<16xf32>
        %parallel_loop3A_379 = arith.index_cast %parallel_loop3A_371 : i32 to index
        %parallel_loop3A_380 = arith.constant 0 : index
        %parallel_loop3A_381 = tpu.vector_load %arg11[%parallel_loop3A_379, %parallel_loop3A_380] {strides = array<i32>} : memref<200x64xf32, #tpu.memory_space<vmem>>, vector<1x16xf32>,
        %parallel_loop3A_382 = vector.shape_cast %parallel_loop3A_381 : vector<1x16xf32> to vector<16xf32>
        %parallel_loop3A_383 = arith.constant 1.250000e-01 : f32
        %parallel_loop3A_384 = vector.broadcast %parallel_loop3A_383 : f32 to vector<16xf32>
        %parallel_loop3A_385 = arith.mulf %parallel_loop3A_382, %parallel_loop3A_384 : vector<16xf32>
        %parallel_loop3A_386 = arith.addf %parallel_loop3A_385, %parallel_loop3A_378 : vector<16xf32>
        %parallel_loop3A_387 = arith.index_cast %parallel_loop3A_283 : i32 to index
        %parallel_loop3A_388 = arith.constant 64 : index
        %parallel_loop3A_389 = tpu.vector_load %arg15[%parallel_loop3A_387, %parallel_loop3A_388] {strides = array<i32>} : memref<100x128xf32, #tpu.memory_space<vmem>>, vector<1x16xf32>,
        %parallel_loop3A_390 = vector.shape_cast %parallel_loop3A_389 : vector<1x16xf32> to vector<16xf32>
        %parallel_loop3A_391 = vector.shape_cast %parallel_loop3A_386 : vector<16xf32> to vector<1x16xf32>
        tpu.vector_store %arg15[%parallel_loop3A_387, %parallel_loop3A_388], %parallel_loop3A_391 {strides = array<i32>} : memref<100x128xf32, #tpu.memory_space<vmem>>, vector<1x16xf32>,
        %parallel_loop3A_392 = arith.constant 64 : i32
        %parallel_loop3A_393 = arith.muli %parallel_loop3A_371, %parallel_loop3A_392 : i32
        %parallel_loop3A_394 = arith.constant 16 : i32
        %parallel_loop3A_395 = arith.addi %parallel_loop3A_393, %parallel_loop3A_394 : i32
        %parallel_loop3A_396 = arith.index_cast %parallel_loop3A_395 : i32 to index
        %parallel_loop3A_397 = tpu.vector_load %arg18[%parallel_loop3A_396] {strides = array<i32>} : memref<12800xf32, #tpu.memory_space<vmem>>, vector<16xf32>,
        %parallel_loop3A_398 = vector.shape_cast %parallel_loop3A_397 : vector<16xf32> to vector<16xf32>
        %parallel_loop3A_399 = arith.index_cast %parallel_loop3A_371 : i32 to index
        %parallel_loop3A_400 = arith.constant 16 : index
        %parallel_loop3A_401 = tpu.vector_load %arg11[%parallel_loop3A_399, %parallel_loop3A_400] {strides = array<i32>} : memref<200x64xf32, #tpu.memory_space<vmem>>, vector<1x16xf32>,
        %parallel_loop3A_402 = vector.shape_cast %parallel_loop3A_401 : vector<1x16xf32> to vector<16xf32>
        %parallel_loop3A_403 = arith.constant 1.250000e-01 : f32
        %parallel_loop3A_404 = vector.broadcast %parallel_loop3A_403 : f32 to vector<16xf32>
        %parallel_loop3A_405 = arith.mulf %parallel_loop3A_402, %parallel_loop3A_404 : vector<16xf32>
        %parallel_loop3A_406 = arith.addf %parallel_loop3A_405, %parallel_loop3A_398 : vector<16xf32>
        %parallel_loop3A_407 = arith.index_cast %parallel_loop3A_283 : i32 to index
        %parallel_loop3A_408 = arith.constant 80 : index
        %parallel_loop3A_409 = tpu.vector_load %arg15[%parallel_loop3A_407, %parallel_loop3A_408] {strides = array<i32>} : memref<100x128xf32, #tpu.memory_space<vmem>>, vector<1x16xf32>,
        %parallel_loop3A_410 = vector.shape_cast %parallel_loop3A_409 : vector<1x16xf32> to vector<16xf32>
        %parallel_loop3A_411 = vector.shape_cast %parallel_loop3A_406 : vector<16xf32> to vector<1x16xf32>
        tpu.vector_store %arg15[%parallel_loop3A_407, %parallel_loop3A_408], %parallel_loop3A_411 {strides = array<i32>} : memref<100x128xf32, #tpu.memory_space<vmem>>, vector<1x16xf32>,
        %parallel_loop3A_412 = arith.constant 64 : i32
        %parallel_loop3A_413 = arith.muli %parallel_loop3A_371, %parallel_loop3A_412 : i32
        %parallel_loop3A_414 = arith.constant 32 : i32
        %parallel_loop3A_415 = arith.addi %parallel_loop3A_413, %parallel_loop3A_414 : i32
        %parallel_loop3A_416 = arith.index_cast %parallel_loop3A_415 : i32 to index
        %parallel_loop3A_417 = tpu.vector_load %arg18[%parallel_loop3A_416] {strides = array<i32>} : memref<12800xf32, #tpu.memory_space<vmem>>, vector<16xf32>,
        %parallel_loop3A_418 = vector.shape_cast %parallel_loop3A_417 : vector<16xf32> to vector<16xf32>
        %parallel_loop3A_419 = arith.index_cast %parallel_loop3A_371 : i32 to index
        %parallel_loop3A_420 = arith.constant 32 : index
        %parallel_loop3A_421 = tpu.vector_load %arg11[%parallel_loop3A_419, %parallel_loop3A_420] {strides = array<i32>} : memref<200x64xf32, #tpu.memory_space<vmem>>, vector<1x16xf32>,
        %parallel_loop3A_422 = vector.shape_cast %parallel_loop3A_421 : vector<1x16xf32> to vector<16xf32>
        %parallel_loop3A_423 = arith.constant 1.250000e-01 : f32
        %parallel_loop3A_424 = vector.broadcast %parallel_loop3A_423 : f32 to vector<16xf32>
        %parallel_loop3A_425 = arith.mulf %parallel_loop3A_422, %parallel_loop3A_424 : vector<16xf32>
        %parallel_loop3A_426 = arith.addf %parallel_loop3A_425, %parallel_loop3A_418 : vector<16xf32>
        %parallel_loop3A_427 = arith.index_cast %parallel_loop3A_283 : i32 to index
        %parallel_loop3A_428 = arith.constant 96 : index
        %parallel_loop3A_429 = tpu.vector_load %arg15[%parallel_loop3A_427, %parallel_loop3A_428] {strides = array<i32>} : memref<100x128xf32, #tpu.memory_space<vmem>>, vector<1x16xf32>,
        %parallel_loop3A_430 = vector.shape_cast %parallel_loop3A_429 : vector<1x16xf32> to vector<16xf32>
        %parallel_loop3A_431 = vector.shape_cast %parallel_loop3A_426 : vector<16xf32> to vector<1x16xf32>
        tpu.vector_store %arg15[%parallel_loop3A_427, %parallel_loop3A_428], %parallel_loop3A_431 {strides = array<i32>} : memref<100x128xf32, #tpu.memory_space<vmem>>, vector<1x16xf32>,
        %parallel_loop3A_432 = arith.constant 64 : i32
        %parallel_loop3A_433 = arith.muli %parallel_loop3A_371, %parallel_loop3A_432 : i32
        %parallel_loop3A_434 = arith.constant 48 : i32
        %parallel_loop3A_435 = arith.addi %parallel_loop3A_433, %parallel_loop3A_434 : i32
        %parallel_loop3A_436 = arith.index_cast %parallel_loop3A_435 : i32 to index
        %parallel_loop3A_437 = tpu.vector_load %arg18[%parallel_loop3A_436] {strides = array<i32>} : memref<12800xf32, #tpu.memory_space<vmem>>, vector<16xf32>,
        %parallel_loop3A_438 = vector.shape_cast %parallel_loop3A_437 : vector<16xf32> to vector<16xf32>
        %parallel_loop3A_439 = arith.index_cast %parallel_loop3A_371 : i32 to index
        %parallel_loop3A_440 = arith.constant 48 : index
        %parallel_loop3A_441 = tpu.vector_load %arg11[%parallel_loop3A_439, %parallel_loop3A_440] {strides = array<i32>} : memref<200x64xf32, #tpu.memory_space<vmem>>, vector<1x16xf32>,
        %parallel_loop3A_442 = vector.shape_cast %parallel_loop3A_441 : vector<1x16xf32> to vector<16xf32>
        %parallel_loop3A_443 = arith.constant 1.250000e-01 : f32
        %parallel_loop3A_444 = vector.broadcast %parallel_loop3A_443 : f32 to vector<16xf32>
        %parallel_loop3A_445 = arith.mulf %parallel_loop3A_442, %parallel_loop3A_444 : vector<16xf32>
        %parallel_loop3A_446 = arith.addf %parallel_loop3A_445, %parallel_loop3A_438 : vector<16xf32>
        %parallel_loop3A_447 = arith.index_cast %parallel_loop3A_283 : i32 to index
        %parallel_loop3A_448 = arith.constant 112 : index
        %parallel_loop3A_449 = tpu.vector_load %arg15[%parallel_loop3A_447, %parallel_loop3A_448] {strides = array<i32>} : memref<100x128xf32, #tpu.memory_space<vmem>>, vector<1x16xf32>,
        %parallel_loop3A_450 = vector.shape_cast %parallel_loop3A_449 : vector<1x16xf32> to vector<16xf32>
        %parallel_loop3A_451 = vector.shape_cast %parallel_loop3A_446 : vector<16xf32> to vector<1x16xf32>
        tpu.vector_store %arg15[%parallel_loop3A_447, %parallel_loop3A_448], %parallel_loop3A_451 {strides = array<i32>} : memref<100x128xf32, #tpu.memory_space<vmem>>, vector<1x16xf32>,
      } {sc.loop_unroll_factor = 2 : i64, sc.parallel_access}
      %mul3A_178 = arith.constant 100 : i32
      %mul3A_179 = arith.muli %add3A_141, %mul3A_178 : i32
      %add3A_180 = arith.addi %mul3A_4, %mul3A_179 : i32
      %multiple_of3A_181 = tpu.assume_multiple %add3A_180, 4 : i32
      %dma_start3A_182 = arith.constant 0 : i32
      %dma_start3A_183 = tpu.memref_slice %arg5[%multiple_of3A_181, %dma_start3A_182] : memref<409600x128xf32, #tpu.memory_space<hbm>> -> memref<100x128xf32, #tpu.memory_space<hbm>>
      %dma_start3A_184 = arith.constant 0 : i32
      %dma_start3A_185 = tpu.memref_slice %arg5[%multiple_of3A_181, %dma_start3A_184] : memref<409600x128xf32, #tpu.memory_space<hbm>> -> memref<100x128xf32, #tpu.memory_space<hbm>>
      tpu.enqueue_dma source(%arg15 : memref<100x128xf32, #tpu.memory_space<vmem>>) target(%dma_start3A_185 : memref<100x128xf32, #tpu.memory_space<hbm>>) target_semaphore(%arg24 : memref<!tpu.dma_semaphore, #tpu.memory_space<semaphore_mem>>)
      %mul3A_186 = arith.constant 4 : i32
      %mul3A_187 = arith.muli %scan3A_93, %mul3A_186 : i32
      %add3A_188 = arith.constant 2 : i32
      %add3A_189 = arith.addi %mul3A_187, %add3A_188 : i32
      %dma_wait3A_190 = arith.constant 0 : i32
      %dma_wait3A_191 = arith.constant 0 : i32
      %dma_wait3A_192 = tpu.memref_slice %arg3[%dma_wait3A_190, %dma_wait3A_191] : memref<1000000x64xf32, #tpu.memory_space<hbm>> -> memref<200x64xf32, #tpu.memory_space<hbm>>
      %dma_wait3A_193 = arith.constant 0 : i32
      %dma_wait3A_194 = arith.constant 0 : i32
      %dma_wait3A_195 = tpu.memref_slice %arg3[%dma_wait3A_193, %dma_wait3A_194] : memref<1000000x64xf32, #tpu.memory_space<hbm>> -> memref<200x64xf32, #tpu.memory_space<hbm>>
      tpu.wait_dma2 semaphore(%arg21 : memref<!tpu.dma_semaphore, #tpu.memory_space<semaphore_mem>>) src(%dma_wait3A_195 : memref<200x64xf32, #tpu.memory_space<hbm>>) dst(%arg12 : memref<200x64xf32, #tpu.memory_space<vmem>>)
      %dma_wait3A_196 = arith.constant 192 : i32
      %dma_wait3A_197 = arith.constant 0 : i32
      %dma_wait3A_198 = tpu.memref_slice %arg12[%dma_wait3A_196, %dma_wait3A_197] : memref<200x64xf32, #tpu.memory_space<vmem>> -> memref<8x64xf32, #tpu.memory_space<vmem>>
      %dma_wait3A_199 = arith.constant 0 : i32
      %dma_wait3A_200 = arith.constant 0 : i32
      %dma_wait3A_201 = tpu.memref_slice %arg3[%dma_wait3A_199, %dma_wait3A_200] : memref<1000000x64xf32, #tpu.memory_space<hbm>> -> memref<8x64xf32, #tpu.memory_space<hbm>>
      %dma_wait3A_202 = arith.constant 192 : i32
      %dma_wait3A_203 = arith.constant 0 : i32
      %dma_wait3A_204 = tpu.memref_slice %arg12[%dma_wait3A_202, %dma_wait3A_203] : memref<200x64xf32, #tpu.memory_space<vmem>> -> memref<8x64xf32, #tpu.memory_space<vmem>>
      %dma_wait3A_205 = arith.constant 0 : i32
      %dma_wait3A_206 = arith.constant 0 : i32
      %dma_wait3A_207 = tpu.memref_slice %arg3[%dma_wait3A_205, %dma_wait3A_206] : memref<1000000x64xf32, #tpu.memory_space<hbm>> -> memref<8x64xf32, #tpu.memory_space<hbm>>
      tpu.wait_dma2 semaphore(%arg21 : memref<!tpu.dma_semaphore, #tpu.memory_space<semaphore_mem>>) src(%dma_wait3A_207 : memref<8x64xf32, #tpu.memory_space<hbm>>) dst(%dma_wait3A_204 : memref<8x64xf32, #tpu.memory_space<vmem>>)
      %lt3A_208 = arith.constant 125 : i32
      %lt3A_209 = arith.cmpi slt, %add3A_189, %lt3A_208 : i32
      %convert_element_type3A_210 = arith.extui %lt3A_209 : i1 to i32
      %cond3A_211 = arith.constant 0 : i32
      %cond3A_212 = arith.cmpi ne, %convert_element_type3A_210, %cond3A_211 : i32
      scf.if %cond3A_212 {
        %add3A_283 = arith.constant 3 : i32
        %add3A_284 = arith.addi %add3A_189, %add3A_283 : i32
        %add3A_285 = arith.addi %mul3A_2, %add3A_284 : i32
        %dma_start3A_286 = arith.constant 0 : i32
        %dma_start3A_287 = tpu.memref_slice %arg2[%add3A_285, %dma_start3A_286] : memref<4096x200xi32, #tpu.memory_space<hbm>> -> memref<1x200xi32, #tpu.memory_space<hbm>>
        %dma_start3A_288 = tpu.memref_squeeze %dma_start3A_287 : memref<1x200xi32, #tpu.memory_space<hbm>> -> memref<200xi32, #tpu.memory_space<hbm>>
        %dma_start3A_289 = arith.constant 0 : i32
        %dma_start3A_290 = tpu.memref_slice %arg2[%add3A_285, %dma_start3A_289] : memref<4096x200xi32, #tpu.memory_space<hbm>> -> memref<1x200xi32, #tpu.memory_space<hbm>>
        %dma_start3A_291 = tpu.memref_squeeze %dma_start3A_290 : memref<1x200xi32, #tpu.memory_space<hbm>> -> memref<200xi32, #tpu.memory_space<hbm>>
        tpu.enqueue_dma source(%dma_start3A_291 : memref<200xi32, #tpu.memory_space<hbm>>) target(%arg7 : memref<200xi32, #tpu.memory_space<vmem>>) target_semaphore(%arg28 : memref<!tpu.dma_semaphore, #tpu.memory_space<semaphore_mem>>)
      } else {
      }
      %lt3A_213 = arith.constant 126 : i32
      %lt3A_214 = arith.cmpi slt, %add3A_189, %lt3A_213 : i32
      %convert_element_type3A_215 = arith.extui %lt3A_214 : i1 to i32
      %cond3A_216 = arith.constant 0 : i32
      %cond3A_217 = arith.cmpi ne, %convert_element_type3A_215, %cond3A_216 : i32
      scf.if %cond3A_217 {
        %dma_wait3A_283 = arith.constant 0 : i32
        %dma_wait3A_284 = arith.constant 0 : i32
        %dma_wait3A_285 = tpu.memref_slice %arg2[%dma_wait3A_283, %dma_wait3A_284] : memref<4096x200xi32, #tpu.memory_space<hbm>> -> memref<1x200xi32, #tpu.memory_space<hbm>>
        %dma_wait3A_286 = tpu.memref_squeeze %dma_wait3A_285 : memref<1x200xi32, #tpu.memory_space<hbm>> -> memref<200xi32, #tpu.memory_space<hbm>>
        %dma_wait3A_287 = arith.constant 0 : i32
        %dma_wait3A_288 = tpu.memref_slice %arg2[%dma_wait3A_283, %dma_wait3A_287] : memref<4096x200xi32, #tpu.memory_space<hbm>> -> memref<1x200xi32, #tpu.memory_space<hbm>>
        %dma_wait3A_289 = tpu.memref_squeeze %dma_wait3A_288 : memref<1x200xi32, #tpu.memory_space<hbm>> -> memref<200xi32, #tpu.memory_space<hbm>>
        tpu.wait_dma2 semaphore(%arg27 : memref<!tpu.dma_semaphore, #tpu.memory_space<semaphore_mem>>) src(%dma_wait3A_289 : memref<200xi32, #tpu.memory_space<hbm>>) dst(%arg6 : memref<200xi32, #tpu.memory_space<vmem>>)
        %parallel_loop3A_290 = arith.constant 0 : i32
        %parallel_loop3A_291 = arith.constant 12 : i32
        %parallel_loop3A_292 = arith.constant 1 : i32
        scf.for %parallel_loop3A_302 = %parallel_loop3A_290 to %parallel_loop3A_291 step %parallel_loop3A_292  : i32 {
          %parallel_loop3A_303 = arith.constant 16 : i32
          %parallel_loop3A_304 = arith.muli %parallel_loop3A_302, %parallel_loop3A_303 : i32
          %parallel_loop3A_305 = arith.index_cast %parallel_loop3A_304 : i32 to index
          %parallel_loop3A_306 = tpu.vector_load %arg6[%parallel_loop3A_305] {strides = array<i32>} : memref<200xi32, #tpu.memory_space<vmem>>, vector<16xi32>,
          %parallel_loop3A_307 = vector.shape_cast %parallel_loop3A_306 : vector<16xi32> to vector<16xi32>
          %parallel_loop3A_308 = arith.constant 16 : i32
          %parallel_loop3A_309 = arith.muli %parallel_loop3A_302, %parallel_loop3A_308 : i32
          %parallel_loop3A_310 = arith.constant 0 : i32
          %parallel_loop3A_311 = tpu.memref_slice %arg10[%parallel_loop3A_309, %parallel_loop3A_310] : memref<200x64xf32, #tpu.memory_space<vmem>> -> memref<16x64xf32, #tpu.memory_space<vmem>>
          %parallel_loop3A_312 = arith.constant 0 : i32
          %parallel_loop3A_313 = arith.constant 0 : i32
          %parallel_loop3A_314 = tpu.memref_slice %arg3[%parallel_loop3A_312, %parallel_loop3A_313] : memref<1000000x64xf32, #tpu.memory_space<hbm>> -> memref<1000000x64xf32, #tpu.memory_space<hbm>>
          tpu.enqueue_indirect_dma source(%parallel_loop3A_314 : memref<1000000x64xf32, #tpu.memory_space<hbm>>) target(%parallel_loop3A_311 : memref<16x64xf32, #tpu.memory_space<vmem>>) offsets(%parallel_loop3A_307 : vector<16xi32>) semaphore(%arg19 : memref<!tpu.dma_semaphore, #tpu.memory_space<semaphore_mem>>)
        } {sc.loop_unroll_factor = 1 : i64, sc.parallel_access}
        %get3A_293 = arith.constant 184 : index
        %get3A_294 = tpu.vector_load %arg6[%get3A_293] {strides = array<i32>} : memref<200xi32, #tpu.memory_space<vmem>>, vector<16xi32>,
        %get3A_295 = vector.shape_cast %get3A_294 : vector<16xi32> to vector<16xi32>
        %dma_start3A_296 = arith.constant 184 : i32
        %dma_start3A_297 = arith.constant 0 : i32
        %dma_start3A_298 = tpu.memref_slice %arg10[%dma_start3A_296, %dma_start3A_297] : memref<200x64xf32, #tpu.memory_space<vmem>> -> memref<16x64xf32, #tpu.memory_space<vmem>>
        %dma_start3A_299 = arith.constant 0 : i32
        %dma_start3A_300 = arith.constant 0 : i32
        %dma_start3A_301 = tpu.memref_slice %arg3[%dma_start3A_299, %dma_start3A_300] : memref<1000000x64xf32, #tpu.memory_space<hbm>> -> memref<1000000x64xf32, #tpu.memory_space<hbm>>
        tpu.enqueue_indirect_dma source(%dma_start3A_301 : memref<1000000x64xf32, #tpu.memory_space<hbm>>) target(%dma_start3A_298 : memref<16x64xf32, #tpu.memory_space<vmem>>) offsets(%get3A_295 : vector<16xi32>) semaphore(%arg19 : memref<!tpu.dma_semaphore, #tpu.memory_space<semaphore_mem>>)
      } else {
      }
      %ge3A_218 = arith.constant 4 : i32
      %ge3A_219 = arith.cmpi sge, %add3A_189, %ge3A_218 : i32
      %convert_element_type3A_220 = arith.extui %ge3A_219 : i1 to i32
      %cond3A_221 = arith.constant 0 : i32
      %cond3A_222 = arith.cmpi ne, %convert_element_type3A_220, %cond3A_221 : i32
      scf.if %cond3A_222 {
        %dma_wait3A_283 = arith.constant 0 : i32
        %dma_wait3A_284 = arith.constant 0 : i32
        %dma_wait3A_285 = tpu.memref_slice %arg5[%dma_wait3A_283, %dma_wait3A_284] : memref<409600x128xf32, #tpu.memory_space<hbm>> -> memref<100x128xf32, #tpu.memory_space<hbm>>
        %dma_wait3A_286 = arith.constant 0 : i32
        %dma_wait3A_287 = arith.constant 0 : i32
        %dma_wait3A_288 = tpu.memref_slice %arg5[%dma_wait3A_286, %dma_wait3A_287] : memref<409600x128xf32, #tpu.memory_space<hbm>> -> memref<100x128xf32, #tpu.memory_space<hbm>>
        tpu.wait_dma2 semaphore(%arg25 : memref<!tpu.dma_semaphore, #tpu.memory_space<semaphore_mem>>) src(%arg16 : memref<100x128xf32, #tpu.memory_space<vmem>>) dst(%dma_wait3A_288 : memref<100x128xf32, #tpu.memory_space<hbm>>)
      } else {
      }
      %parallel_loop3A_223 = arith.constant 0 : i32
      %parallel_loop3A_224 = arith.constant 100 : i32
      %parallel_loop3A_225 = arith.constant 1 : i32
      scf.for %parallel_loop3A_283 = %parallel_loop3A_223 to %parallel_loop3A_224 step %parallel_loop3A_225  : i32 {
        %parallel_loop3A_284 = arith.constant 2 : i32
        %parallel_loop3A_285 = arith.muli %parallel_loop3A_283, %parallel_loop3A_284 : i32
        %parallel_loop3A_286 = arith.constant 0 : i32
        %parallel_loop3A_287 = arith.addi %parallel_loop3A_285, %parallel_loop3A_286 : i32
        %parallel_loop3A_288 = arith.constant 64 : i32
        %parallel_loop3A_289 = arith.muli %parallel_loop3A_287, %parallel_loop3A_288 : i32
        %parallel_loop3A_290 = arith.constant 0 : i32
        %parallel_loop3A_291 = arith.addi %parallel_loop3A_289, %parallel_loop3A_290 : i32
        %parallel_loop3A_292 = arith.index_cast %parallel_loop3A_291 : i32 to index
        %parallel_loop3A_293 = tpu.vector_load %arg18[%parallel_loop3A_292] {strides = array<i32>} : memref<12800xf32, #tpu.memory_space<vmem>>, vector<16xf32>,
        %parallel_loop3A_294 = vector.shape_cast %parallel_loop3A_293 : vector<16xf32> to vector<16xf32>
        %parallel_loop3A_295 = arith.index_cast %parallel_loop3A_287 : i32 to index
        %parallel_loop3A_296 = arith.constant 0 : index
        %parallel_loop3A_297 = tpu.vector_load %arg12[%parallel_loop3A_295, %parallel_loop3A_296] {strides = array<i32>} : memref<200x64xf32, #tpu.memory_space<vmem>>, vector<1x16xf32>,
        %parallel_loop3A_298 = vector.shape_cast %parallel_loop3A_297 : vector<1x16xf32> to vector<16xf32>
        %parallel_loop3A_299 = arith.constant 1.250000e-01 : f32
        %parallel_loop3A_300 = vector.broadcast %parallel_loop3A_299 : f32 to vector<16xf32>
        %parallel_loop3A_301 = arith.mulf %parallel_loop3A_298, %parallel_loop3A_300 : vector<16xf32>
        %parallel_loop3A_302 = arith.addf %parallel_loop3A_301, %parallel_loop3A_294 : vector<16xf32>
        %parallel_loop3A_303 = arith.index_cast %parallel_loop3A_283 : i32 to index
        %parallel_loop3A_304 = arith.constant 0 : index
        %parallel_loop3A_305 = tpu.vector_load %arg16[%parallel_loop3A_303, %parallel_loop3A_304] {strides = array<i32>} : memref<100x128xf32, #tpu.memory_space<vmem>>, vector<1x16xf32>,
        %parallel_loop3A_306 = vector.shape_cast %parallel_loop3A_305 : vector<1x16xf32> to vector<16xf32>
        %parallel_loop3A_307 = vector.shape_cast %parallel_loop3A_302 : vector<16xf32> to vector<1x16xf32>
        tpu.vector_store %arg16[%parallel_loop3A_303, %parallel_loop3A_304], %parallel_loop3A_307 {strides = array<i32>} : memref<100x128xf32, #tpu.memory_space<vmem>>, vector<1x16xf32>,
        %parallel_loop3A_308 = arith.constant 64 : i32
        %parallel_loop3A_309 = arith.muli %parallel_loop3A_287, %parallel_loop3A_308 : i32
        %parallel_loop3A_310 = arith.constant 16 : i32
        %parallel_loop3A_311 = arith.addi %parallel_loop3A_309, %parallel_loop3A_310 : i32
        %parallel_loop3A_312 = arith.index_cast %parallel_loop3A_311 : i32 to index
        %parallel_loop3A_313 = tpu.vector_load %arg18[%parallel_loop3A_312] {strides = array<i32>} : memref<12800xf32, #tpu.memory_space<vmem>>, vector<16xf32>,
        %parallel_loop3A_314 = vector.shape_cast %parallel_loop3A_313 : vector<16xf32> to vector<16xf32>
        %parallel_loop3A_315 = arith.index_cast %parallel_loop3A_287 : i32 to index
        %parallel_loop3A_316 = arith.constant 16 : index
        %parallel_loop3A_317 = tpu.vector_load %arg12[%parallel_loop3A_315, %parallel_loop3A_316] {strides = array<i32>} : memref<200x64xf32, #tpu.memory_space<vmem>>, vector<1x16xf32>,
        %parallel_loop3A_318 = vector.shape_cast %parallel_loop3A_317 : vector<1x16xf32> to vector<16xf32>
        %parallel_loop3A_319 = arith.constant 1.250000e-01 : f32
        %parallel_loop3A_320 = vector.broadcast %parallel_loop3A_319 : f32 to vector<16xf32>
        %parallel_loop3A_321 = arith.mulf %parallel_loop3A_318, %parallel_loop3A_320 : vector<16xf32>
        %parallel_loop3A_322 = arith.addf %parallel_loop3A_321, %parallel_loop3A_314 : vector<16xf32>
        %parallel_loop3A_323 = arith.index_cast %parallel_loop3A_283 : i32 to index
        %parallel_loop3A_324 = arith.constant 16 : index
        %parallel_loop3A_325 = tpu.vector_load %arg16[%parallel_loop3A_323, %parallel_loop3A_324] {strides = array<i32>} : memref<100x128xf32, #tpu.memory_space<vmem>>, vector<1x16xf32>,
        %parallel_loop3A_326 = vector.shape_cast %parallel_loop3A_325 : vector<1x16xf32> to vector<16xf32>
        %parallel_loop3A_327 = vector.shape_cast %parallel_loop3A_322 : vector<16xf32> to vector<1x16xf32>
        tpu.vector_store %arg16[%parallel_loop3A_323, %parallel_loop3A_324], %parallel_loop3A_327 {strides = array<i32>} : memref<100x128xf32, #tpu.memory_space<vmem>>, vector<1x16xf32>,
        %parallel_loop3A_328 = arith.constant 64 : i32
        %parallel_loop3A_329 = arith.muli %parallel_loop3A_287, %parallel_loop3A_328 : i32
        %parallel_loop3A_330 = arith.constant 32 : i32
        %parallel_loop3A_331 = arith.addi %parallel_loop3A_329, %parallel_loop3A_330 : i32
        %parallel_loop3A_332 = arith.index_cast %parallel_loop3A_331 : i32 to index
        %parallel_loop3A_333 = tpu.vector_load %arg18[%parallel_loop3A_332] {strides = array<i32>} : memref<12800xf32, #tpu.memory_space<vmem>>, vector<16xf32>,
        %parallel_loop3A_334 = vector.shape_cast %parallel_loop3A_333 : vector<16xf32> to vector<16xf32>
        %parallel_loop3A_335 = arith.index_cast %parallel_loop3A_287 : i32 to index
        %parallel_loop3A_336 = arith.constant 32 : index
        %parallel_loop3A_337 = tpu.vector_load %arg12[%parallel_loop3A_335, %parallel_loop3A_336] {strides = array<i32>} : memref<200x64xf32, #tpu.memory_space<vmem>>, vector<1x16xf32>,
        %parallel_loop3A_338 = vector.shape_cast %parallel_loop3A_337 : vector<1x16xf32> to vector<16xf32>
        %parallel_loop3A_339 = arith.constant 1.250000e-01 : f32
        %parallel_loop3A_340 = vector.broadcast %parallel_loop3A_339 : f32 to vector<16xf32>
        %parallel_loop3A_341 = arith.mulf %parallel_loop3A_338, %parallel_loop3A_340 : vector<16xf32>
        %parallel_loop3A_342 = arith.addf %parallel_loop3A_341, %parallel_loop3A_334 : vector<16xf32>
        %parallel_loop3A_343 = arith.index_cast %parallel_loop3A_283 : i32 to index
        %parallel_loop3A_344 = arith.constant 32 : index
        %parallel_loop3A_345 = tpu.vector_load %arg16[%parallel_loop3A_343, %parallel_loop3A_344] {strides = array<i32>} : memref<100x128xf32, #tpu.memory_space<vmem>>, vector<1x16xf32>,
        %parallel_loop3A_346 = vector.shape_cast %parallel_loop3A_345 : vector<1x16xf32> to vector<16xf32>
        %parallel_loop3A_347 = vector.shape_cast %parallel_loop3A_342 : vector<16xf32> to vector<1x16xf32>
        tpu.vector_store %arg16[%parallel_loop3A_343, %parallel_loop3A_344], %parallel_loop3A_347 {strides = array<i32>} : memref<100x128xf32, #tpu.memory_space<vmem>>, vector<1x16xf32>,
        %parallel_loop3A_348 = arith.constant 64 : i32
        %parallel_loop3A_349 = arith.muli %parallel_loop3A_287, %parallel_loop3A_348 : i32
        %parallel_loop3A_350 = arith.constant 48 : i32
        %parallel_loop3A_351 = arith.addi %parallel_loop3A_349, %parallel_loop3A_350 : i32
        %parallel_loop3A_352 = arith.index_cast %parallel_loop3A_351 : i32 to index
        %parallel_loop3A_353 = tpu.vector_load %arg18[%parallel_loop3A_352] {strides = array<i32>} : memref<12800xf32, #tpu.memory_space<vmem>>, vector<16xf32>,
        %parallel_loop3A_354 = vector.shape_cast %parallel_loop3A_353 : vector<16xf32> to vector<16xf32>
        %parallel_loop3A_355 = arith.index_cast %parallel_loop3A_287 : i32 to index
        %parallel_loop3A_356 = arith.constant 48 : index
        %parallel_loop3A_357 = tpu.vector_load %arg12[%parallel_loop3A_355, %parallel_loop3A_356] {strides = array<i32>} : memref<200x64xf32, #tpu.memory_space<vmem>>, vector<1x16xf32>,
        %parallel_loop3A_358 = vector.shape_cast %parallel_loop3A_357 : vector<1x16xf32> to vector<16xf32>
        %parallel_loop3A_359 = arith.constant 1.250000e-01 : f32
        %parallel_loop3A_360 = vector.broadcast %parallel_loop3A_359 : f32 to vector<16xf32>
        %parallel_loop3A_361 = arith.mulf %parallel_loop3A_358, %parallel_loop3A_360 : vector<16xf32>
        %parallel_loop3A_362 = arith.addf %parallel_loop3A_361, %parallel_loop3A_354 : vector<16xf32>
        %parallel_loop3A_363 = arith.index_cast %parallel_loop3A_283 : i32 to index
        %parallel_loop3A_364 = arith.constant 48 : index
        %parallel_loop3A_365 = tpu.vector_load %arg16[%parallel_loop3A_363, %parallel_loop3A_364] {strides = array<i32>} : memref<100x128xf32, #tpu.memory_space<vmem>>, vector<1x16xf32>,
        %parallel_loop3A_366 = vector.shape_cast %parallel_loop3A_365 : vector<1x16xf32> to vector<16xf32>
        %parallel_loop3A_367 = vector.shape_cast %parallel_loop3A_362 : vector<16xf32> to vector<1x16xf32>
        tpu.vector_store %arg16[%parallel_loop3A_363, %parallel_loop3A_364], %parallel_loop3A_367 {strides = array<i32>} : memref<100x128xf32, #tpu.memory_space<vmem>>, vector<1x16xf32>,
        %parallel_loop3A_368 = arith.constant 2 : i32
        %parallel_loop3A_369 = arith.muli %parallel_loop3A_283, %parallel_loop3A_368 : i32
        %parallel_loop3A_370 = arith.constant 1 : i32
        %parallel_loop3A_371 = arith.addi %parallel_loop3A_369, %parallel_loop3A_370 : i32
        %parallel_loop3A_372 = arith.constant 64 : i32
        %parallel_loop3A_373 = arith.muli %parallel_loop3A_371, %parallel_loop3A_372 : i32
        %parallel_loop3A_374 = arith.constant 0 : i32
        %parallel_loop3A_375 = arith.addi %parallel_loop3A_373, %parallel_loop3A_374 : i32
        %parallel_loop3A_376 = arith.index_cast %parallel_loop3A_375 : i32 to index
        %parallel_loop3A_377 = tpu.vector_load %arg18[%parallel_loop3A_376] {strides = array<i32>} : memref<12800xf32, #tpu.memory_space<vmem>>, vector<16xf32>,
        %parallel_loop3A_378 = vector.shape_cast %parallel_loop3A_377 : vector<16xf32> to vector<16xf32>
        %parallel_loop3A_379 = arith.index_cast %parallel_loop3A_371 : i32 to index
        %parallel_loop3A_380 = arith.constant 0 : index
        %parallel_loop3A_381 = tpu.vector_load %arg12[%parallel_loop3A_379, %parallel_loop3A_380] {strides = array<i32>} : memref<200x64xf32, #tpu.memory_space<vmem>>, vector<1x16xf32>,
        %parallel_loop3A_382 = vector.shape_cast %parallel_loop3A_381 : vector<1x16xf32> to vector<16xf32>
        %parallel_loop3A_383 = arith.constant 1.250000e-01 : f32
        %parallel_loop3A_384 = vector.broadcast %parallel_loop3A_383 : f32 to vector<16xf32>
        %parallel_loop3A_385 = arith.mulf %parallel_loop3A_382, %parallel_loop3A_384 : vector<16xf32>
        %parallel_loop3A_386 = arith.addf %parallel_loop3A_385, %parallel_loop3A_378 : vector<16xf32>
        %parallel_loop3A_387 = arith.index_cast %parallel_loop3A_283 : i32 to index
        %parallel_loop3A_388 = arith.constant 64 : index
        %parallel_loop3A_389 = tpu.vector_load %arg16[%parallel_loop3A_387, %parallel_loop3A_388] {strides = array<i32>} : memref<100x128xf32, #tpu.memory_space<vmem>>, vector<1x16xf32>,
        %parallel_loop3A_390 = vector.shape_cast %parallel_loop3A_389 : vector<1x16xf32> to vector<16xf32>
        %parallel_loop3A_391 = vector.shape_cast %parallel_loop3A_386 : vector<16xf32> to vector<1x16xf32>
        tpu.vector_store %arg16[%parallel_loop3A_387, %parallel_loop3A_388], %parallel_loop3A_391 {strides = array<i32>} : memref<100x128xf32, #tpu.memory_space<vmem>>, vector<1x16xf32>,
        %parallel_loop3A_392 = arith.constant 64 : i32
        %parallel_loop3A_393 = arith.muli %parallel_loop3A_371, %parallel_loop3A_392 : i32
        %parallel_loop3A_394 = arith.constant 16 : i32
        %parallel_loop3A_395 = arith.addi %parallel_loop3A_393, %parallel_loop3A_394 : i32
        %parallel_loop3A_396 = arith.index_cast %parallel_loop3A_395 : i32 to index
        %parallel_loop3A_397 = tpu.vector_load %arg18[%parallel_loop3A_396] {strides = array<i32>} : memref<12800xf32, #tpu.memory_space<vmem>>, vector<16xf32>,
        %parallel_loop3A_398 = vector.shape_cast %parallel_loop3A_397 : vector<16xf32> to vector<16xf32>
        %parallel_loop3A_399 = arith.index_cast %parallel_loop3A_371 : i32 to index
        %parallel_loop3A_400 = arith.constant 16 : index
        %parallel_loop3A_401 = tpu.vector_load %arg12[%parallel_loop3A_399, %parallel_loop3A_400] {strides = array<i32>} : memref<200x64xf32, #tpu.memory_space<vmem>>, vector<1x16xf32>,
        %parallel_loop3A_402 = vector.shape_cast %parallel_loop3A_401 : vector<1x16xf32> to vector<16xf32>
        %parallel_loop3A_403 = arith.constant 1.250000e-01 : f32
        %parallel_loop3A_404 = vector.broadcast %parallel_loop3A_403 : f32 to vector<16xf32>
        %parallel_loop3A_405 = arith.mulf %parallel_loop3A_402, %parallel_loop3A_404 : vector<16xf32>
        %parallel_loop3A_406 = arith.addf %parallel_loop3A_405, %parallel_loop3A_398 : vector<16xf32>
        %parallel_loop3A_407 = arith.index_cast %parallel_loop3A_283 : i32 to index
        %parallel_loop3A_408 = arith.constant 80 : index
        %parallel_loop3A_409 = tpu.vector_load %arg16[%parallel_loop3A_407, %parallel_loop3A_408] {strides = array<i32>} : memref<100x128xf32, #tpu.memory_space<vmem>>, vector<1x16xf32>,
        %parallel_loop3A_410 = vector.shape_cast %parallel_loop3A_409 : vector<1x16xf32> to vector<16xf32>
        %parallel_loop3A_411 = vector.shape_cast %parallel_loop3A_406 : vector<16xf32> to vector<1x16xf32>
        tpu.vector_store %arg16[%parallel_loop3A_407, %parallel_loop3A_408], %parallel_loop3A_411 {strides = array<i32>} : memref<100x128xf32, #tpu.memory_space<vmem>>, vector<1x16xf32>,
        %parallel_loop3A_412 = arith.constant 64 : i32
        %parallel_loop3A_413 = arith.muli %parallel_loop3A_371, %parallel_loop3A_412 : i32
        %parallel_loop3A_414 = arith.constant 32 : i32
        %parallel_loop3A_415 = arith.addi %parallel_loop3A_413, %parallel_loop3A_414 : i32
        %parallel_loop3A_416 = arith.index_cast %parallel_loop3A_415 : i32 to index
        %parallel_loop3A_417 = tpu.vector_load %arg18[%parallel_loop3A_416] {strides = array<i32>} : memref<12800xf32, #tpu.memory_space<vmem>>, vector<16xf32>,
        %parallel_loop3A_418 = vector.shape_cast %parallel_loop3A_417 : vector<16xf32> to vector<16xf32>
        %parallel_loop3A_419 = arith.index_cast %parallel_loop3A_371 : i32 to index
        %parallel_loop3A_420 = arith.constant 32 : index
        %parallel_loop3A_421 = tpu.vector_load %arg12[%parallel_loop3A_419, %parallel_loop3A_420] {strides = array<i32>} : memref<200x64xf32, #tpu.memory_space<vmem>>, vector<1x16xf32>,
        %parallel_loop3A_422 = vector.shape_cast %parallel_loop3A_421 : vector<1x16xf32> to vector<16xf32>
        %parallel_loop3A_423 = arith.constant 1.250000e-01 : f32
        %parallel_loop3A_424 = vector.broadcast %parallel_loop3A_423 : f32 to vector<16xf32>
        %parallel_loop3A_425 = arith.mulf %parallel_loop3A_422, %parallel_loop3A_424 : vector<16xf32>
        %parallel_loop3A_426 = arith.addf %parallel_loop3A_425, %parallel_loop3A_418 : vector<16xf32>
        %parallel_loop3A_427 = arith.index_cast %parallel_loop3A_283 : i32 to index
        %parallel_loop3A_428 = arith.constant 96 : index
        %parallel_loop3A_429 = tpu.vector_load %arg16[%parallel_loop3A_427, %parallel_loop3A_428] {strides = array<i32>} : memref<100x128xf32, #tpu.memory_space<vmem>>, vector<1x16xf32>,
        %parallel_loop3A_430 = vector.shape_cast %parallel_loop3A_429 : vector<1x16xf32> to vector<16xf32>
        %parallel_loop3A_431 = vector.shape_cast %parallel_loop3A_426 : vector<16xf32> to vector<1x16xf32>
        tpu.vector_store %arg16[%parallel_loop3A_427, %parallel_loop3A_428], %parallel_loop3A_431 {strides = array<i32>} : memref<100x128xf32, #tpu.memory_space<vmem>>, vector<1x16xf32>,
        %parallel_loop3A_432 = arith.constant 64 : i32
        %parallel_loop3A_433 = arith.muli %parallel_loop3A_371, %parallel_loop3A_432 : i32
        %parallel_loop3A_434 = arith.constant 48 : i32
        %parallel_loop3A_435 = arith.addi %parallel_loop3A_433, %parallel_loop3A_434 : i32
        %parallel_loop3A_436 = arith.index_cast %parallel_loop3A_435 : i32 to index
        %parallel_loop3A_437 = tpu.vector_load %arg18[%parallel_loop3A_436] {strides = array<i32>} : memref<12800xf32, #tpu.memory_space<vmem>>, vector<16xf32>,
        %parallel_loop3A_438 = vector.shape_cast %parallel_loop3A_437 : vector<16xf32> to vector<16xf32>
        %parallel_loop3A_439 = arith.index_cast %parallel_loop3A_371 : i32 to index
        %parallel_loop3A_440 = arith.constant 48 : index
        %parallel_loop3A_441 = tpu.vector_load %arg12[%parallel_loop3A_439, %parallel_loop3A_440] {strides = array<i32>} : memref<200x64xf32, #tpu.memory_space<vmem>>, vector<1x16xf32>,
        %parallel_loop3A_442 = vector.shape_cast %parallel_loop3A_441 : vector<1x16xf32> to vector<16xf32>
        %parallel_loop3A_443 = arith.constant 1.250000e-01 : f32
        %parallel_loop3A_444 = vector.broadcast %parallel_loop3A_443 : f32 to vector<16xf32>
        %parallel_loop3A_445 = arith.mulf %parallel_loop3A_442, %parallel_loop3A_444 : vector<16xf32>
        %parallel_loop3A_446 = arith.addf %parallel_loop3A_445, %parallel_loop3A_438 : vector<16xf32>
        %parallel_loop3A_447 = arith.index_cast %parallel_loop3A_283 : i32 to index
        %parallel_loop3A_448 = arith.constant 112 : index
        %parallel_loop3A_449 = tpu.vector_load %arg16[%parallel_loop3A_447, %parallel_loop3A_448] {strides = array<i32>} : memref<100x128xf32, #tpu.memory_space<vmem>>, vector<1x16xf32>,
        %parallel_loop3A_450 = vector.shape_cast %parallel_loop3A_449 : vector<1x16xf32> to vector<16xf32>
        %parallel_loop3A_451 = vector.shape_cast %parallel_loop3A_446 : vector<16xf32> to vector<1x16xf32>
        tpu.vector_store %arg16[%parallel_loop3A_447, %parallel_loop3A_448], %parallel_loop3A_451 {strides = array<i32>} : memref<100x128xf32, #tpu.memory_space<vmem>>, vector<1x16xf32>,
      } {sc.loop_unroll_factor = 2 : i64, sc.parallel_access}
      %mul3A_226 = arith.constant 100 : i32
      %mul3A_227 = arith.muli %add3A_189, %mul3A_226 : i32
      %add3A_228 = arith.addi %mul3A_4, %mul3A_227 : i32
      %multiple_of3A_229 = tpu.assume_multiple %add3A_228, 4 : i32
      %dma_start3A_230 = arith.constant 0 : i32
      %dma_start3A_231 = tpu.memref_slice %arg5[%multiple_of3A_229, %dma_start3A_230] : memref<409600x128xf32, #tpu.memory_space<hbm>> -> memref<100x128xf32, #tpu.memory_space<hbm>>
      %dma_start3A_232 = arith.constant 0 : i32
      %dma_start3A_233 = tpu.memref_slice %arg5[%multiple_of3A_229, %dma_start3A_232] : memref<409600x128xf32, #tpu.memory_space<hbm>> -> memref<100x128xf32, #tpu.memory_space<hbm>>
      tpu.enqueue_dma source(%arg16 : memref<100x128xf32, #tpu.memory_space<vmem>>) target(%dma_start3A_233 : memref<100x128xf32, #tpu.memory_space<hbm>>) target_semaphore(%arg25 : memref<!tpu.dma_semaphore, #tpu.memory_space<semaphore_mem>>)
      %mul3A_234 = arith.constant 4 : i32
      %mul3A_235 = arith.muli %scan3A_93, %mul3A_234 : i32
      %add3A_236 = arith.constant 3 : i32
      %add3A_237 = arith.addi %mul3A_235, %add3A_236 : i32
      %dma_wait3A_238 = arith.constant 0 : i32
      %dma_wait3A_239 = arith.constant 0 : i32
      %dma_wait3A_240 = tpu.memref_slice %arg3[%dma_wait3A_238, %dma_wait3A_239] : memref<1000000x64xf32, #tpu.memory_space<hbm>> -> memref<200x64xf32, #tpu.memory_space<hbm>>
      %dma_wait3A_241 = arith.constant 0 : i32
      %dma_wait3A_242 = arith.constant 0 : i32
      %dma_wait3A_243 = tpu.memref_slice %arg3[%dma_wait3A_241, %dma_wait3A_242] : memref<1000000x64xf32, #tpu.memory_space<hbm>> -> memref<200x64xf32, #tpu.memory_space<hbm>>
      tpu.wait_dma2 semaphore(%arg22 : memref<!tpu.dma_semaphore, #tpu.memory_space<semaphore_mem>>) src(%dma_wait3A_243 : memref<200x64xf32, #tpu.memory_space<hbm>>) dst(%arg13 : memref<200x64xf32, #tpu.memory_space<vmem>>)
      %dma_wait3A_244 = arith.constant 192 : i32
      %dma_wait3A_245 = arith.constant 0 : i32
      %dma_wait3A_246 = tpu.memref_slice %arg13[%dma_wait3A_244, %dma_wait3A_245] : memref<200x64xf32, #tpu.memory_space<vmem>> -> memref<8x64xf32, #tpu.memory_space<vmem>>
      %dma_wait3A_247 = arith.constant 0 : i32
      %dma_wait3A_248 = arith.constant 0 : i32
      %dma_wait3A_249 = tpu.memref_slice %arg3[%dma_wait3A_247, %dma_wait3A_248] : memref<1000000x64xf32, #tpu.memory_space<hbm>> -> memref<8x64xf32, #tpu.memory_space<hbm>>
      %dma_wait3A_250 = arith.constant 192 : i32
      %dma_wait3A_251 = arith.constant 0 : i32
      %dma_wait3A_252 = tpu.memref_slice %arg13[%dma_wait3A_250, %dma_wait3A_251] : memref<200x64xf32, #tpu.memory_space<vmem>> -> memref<8x64xf32, #tpu.memory_space<vmem>>
      %dma_wait3A_253 = arith.constant 0 : i32
      %dma_wait3A_254 = arith.constant 0 : i32
      %dma_wait3A_255 = tpu.memref_slice %arg3[%dma_wait3A_253, %dma_wait3A_254] : memref<1000000x64xf32, #tpu.memory_space<hbm>> -> memref<8x64xf32, #tpu.memory_space<hbm>>
      tpu.wait_dma2 semaphore(%arg22 : memref<!tpu.dma_semaphore, #tpu.memory_space<semaphore_mem>>) src(%dma_wait3A_255 : memref<8x64xf32, #tpu.memory_space<hbm>>) dst(%dma_wait3A_252 : memref<8x64xf32, #tpu.memory_space<vmem>>)
      %lt3A_256 = arith.constant 125 : i32
      %lt3A_257 = arith.cmpi slt, %add3A_237, %lt3A_256 : i32
      %convert_element_type3A_258 = arith.extui %lt3A_257 : i1 to i32
      %cond3A_259 = arith.constant 0 : i32
      %cond3A_260 = arith.cmpi ne, %convert_element_type3A_258, %cond3A_259 : i32
      scf.if %cond3A_260 {
        %add3A_283 = arith.constant 3 : i32
        %add3A_284 = arith.addi %add3A_237, %add3A_283 : i32
        %add3A_285 = arith.addi %mul3A_2, %add3A_284 : i32
        %dma_start3A_286 = arith.constant 0 : i32
        %dma_start3A_287 = tpu.memref_slice %arg2[%add3A_285, %dma_start3A_286] : memref<4096x200xi32, #tpu.memory_space<hbm>> -> memref<1x200xi32, #tpu.memory_space<hbm>>
        %dma_start3A_288 = tpu.memref_squeeze %dma_start3A_287 : memref<1x200xi32, #tpu.memory_space<hbm>> -> memref<200xi32, #tpu.memory_space<hbm>>
        %dma_start3A_289 = arith.constant 0 : i32
        %dma_start3A_290 = tpu.memref_slice %arg2[%add3A_285, %dma_start3A_289] : memref<4096x200xi32, #tpu.memory_space<hbm>> -> memref<1x200xi32, #tpu.memory_space<hbm>>
        %dma_start3A_291 = tpu.memref_squeeze %dma_start3A_290 : memref<1x200xi32, #tpu.memory_space<hbm>> -> memref<200xi32, #tpu.memory_space<hbm>>
        tpu.enqueue_dma source(%dma_start3A_291 : memref<200xi32, #tpu.memory_space<hbm>>) target(%arg8 : memref<200xi32, #tpu.memory_space<vmem>>) target_semaphore(%arg29 : memref<!tpu.dma_semaphore, #tpu.memory_space<semaphore_mem>>)
      } else {
      }
      %lt3A_261 = arith.constant 126 : i32
      %lt3A_262 = arith.cmpi slt, %add3A_237, %lt3A_261 : i32
      %convert_element_type3A_263 = arith.extui %lt3A_262 : i1 to i32
      %cond3A_264 = arith.constant 0 : i32
      %cond3A_265 = arith.cmpi ne, %convert_element_type3A_263, %cond3A_264 : i32
      scf.if %cond3A_265 {
        %dma_wait3A_283 = arith.constant 0 : i32
        %dma_wait3A_284 = arith.constant 0 : i32
        %dma_wait3A_285 = tpu.memref_slice %arg2[%dma_wait3A_283, %dma_wait3A_284] : memref<4096x200xi32, #tpu.memory_space<hbm>> -> memref<1x200xi32, #tpu.memory_space<hbm>>
        %dma_wait3A_286 = tpu.memref_squeeze %dma_wait3A_285 : memref<1x200xi32, #tpu.memory_space<hbm>> -> memref<200xi32, #tpu.memory_space<hbm>>
        %dma_wait3A_287 = arith.constant 0 : i32
        %dma_wait3A_288 = tpu.memref_slice %arg2[%dma_wait3A_283, %dma_wait3A_287] : memref<4096x200xi32, #tpu.memory_space<hbm>> -> memref<1x200xi32, #tpu.memory_space<hbm>>
        %dma_wait3A_289 = tpu.memref_squeeze %dma_wait3A_288 : memref<1x200xi32, #tpu.memory_space<hbm>> -> memref<200xi32, #tpu.memory_space<hbm>>
        tpu.wait_dma2 semaphore(%arg28 : memref<!tpu.dma_semaphore, #tpu.memory_space<semaphore_mem>>) src(%dma_wait3A_289 : memref<200xi32, #tpu.memory_space<hbm>>) dst(%arg7 : memref<200xi32, #tpu.memory_space<vmem>>)
        %parallel_loop3A_290 = arith.constant 0 : i32
        %parallel_loop3A_291 = arith.constant 12 : i32
        %parallel_loop3A_292 = arith.constant 1 : i32
        scf.for %parallel_loop3A_302 = %parallel_loop3A_290 to %parallel_loop3A_291 step %parallel_loop3A_292  : i32 {
          %parallel_loop3A_303 = arith.constant 16 : i32
          %parallel_loop3A_304 = arith.muli %parallel_loop3A_302, %parallel_loop3A_303 : i32
          %parallel_loop3A_305 = arith.index_cast %parallel_loop3A_304 : i32 to index
          %parallel_loop3A_306 = tpu.vector_load %arg7[%parallel_loop3A_305] {strides = array<i32>} : memref<200xi32, #tpu.memory_space<vmem>>, vector<16xi32>,
          %parallel_loop3A_307 = vector.shape_cast %parallel_loop3A_306 : vector<16xi32> to vector<16xi32>
          %parallel_loop3A_308 = arith.constant 16 : i32
          %parallel_loop3A_309 = arith.muli %parallel_loop3A_302, %parallel_loop3A_308 : i32
          %parallel_loop3A_310 = arith.constant 0 : i32
          %parallel_loop3A_311 = tpu.memref_slice %arg11[%parallel_loop3A_309, %parallel_loop3A_310] : memref<200x64xf32, #tpu.memory_space<vmem>> -> memref<16x64xf32, #tpu.memory_space<vmem>>
          %parallel_loop3A_312 = arith.constant 0 : i32
          %parallel_loop3A_313 = arith.constant 0 : i32
          %parallel_loop3A_314 = tpu.memref_slice %arg3[%parallel_loop3A_312, %parallel_loop3A_313] : memref<1000000x64xf32, #tpu.memory_space<hbm>> -> memref<1000000x64xf32, #tpu.memory_space<hbm>>
          tpu.enqueue_indirect_dma source(%parallel_loop3A_314 : memref<1000000x64xf32, #tpu.memory_space<hbm>>) target(%parallel_loop3A_311 : memref<16x64xf32, #tpu.memory_space<vmem>>) offsets(%parallel_loop3A_307 : vector<16xi32>) semaphore(%arg20 : memref<!tpu.dma_semaphore, #tpu.memory_space<semaphore_mem>>)
        } {sc.loop_unroll_factor = 1 : i64, sc.parallel_access}
        %get3A_293 = arith.constant 184 : index
        %get3A_294 = tpu.vector_load %arg7[%get3A_293] {strides = array<i32>} : memref<200xi32, #tpu.memory_space<vmem>>, vector<16xi32>,
        %get3A_295 = vector.shape_cast %get3A_294 : vector<16xi32> to vector<16xi32>
        %dma_start3A_296 = arith.constant 184 : i32
        %dma_start3A_297 = arith.constant 0 : i32
        %dma_start3A_298 = tpu.memref_slice %arg11[%dma_start3A_296, %dma_start3A_297] : memref<200x64xf32, #tpu.memory_space<vmem>> -> memref<16x64xf32, #tpu.memory_space<vmem>>
        %dma_start3A_299 = arith.constant 0 : i32
        %dma_start3A_300 = arith.constant 0 : i32
        %dma_start3A_301 = tpu.memref_slice %arg3[%dma_start3A_299, %dma_start3A_300] : memref<1000000x64xf32, #tpu.memory_space<hbm>> -> memref<1000000x64xf32, #tpu.memory_space<hbm>>
        tpu.enqueue_indirect_dma source(%dma_start3A_301 : memref<1000000x64xf32, #tpu.memory_space<hbm>>) target(%dma_start3A_298 : memref<16x64xf32, #tpu.memory_space<vmem>>) offsets(%get3A_295 : vector<16xi32>) semaphore(%arg20 : memref<!tpu.dma_semaphore, #tpu.memory_space<semaphore_mem>>)
      } else {
      }
      %ge3A_266 = arith.constant 4 : i32
      %ge3A_267 = arith.cmpi sge, %add3A_237, %ge3A_266 : i32
      %convert_element_type3A_268 = arith.extui %ge3A_267 : i1 to i32
      %cond3A_269 = arith.constant 0 : i32
      %cond3A_270 = arith.cmpi ne, %convert_element_type3A_268, %cond3A_269 : i32
      scf.if %cond3A_270 {
        %dma_wait3A_283 = arith.constant 0 : i32
        %dma_wait3A_284 = arith.constant 0 : i32
        %dma_wait3A_285 = tpu.memref_slice %arg5[%dma_wait3A_283, %dma_wait3A_284] : memref<409600x128xf32, #tpu.memory_space<hbm>> -> memref<100x128xf32, #tpu.memory_space<hbm>>
        %dma_wait3A_286 = arith.constant 0 : i32
        %dma_wait3A_287 = arith.constant 0 : i32
        %dma_wait3A_288 = tpu.memref_slice %arg5[%dma_wait3A_286, %dma_wait3A_287] : memref<409600x128xf32, #tpu.memory_space<hbm>> -> memref<100x128xf32, #tpu.memory_space<hbm>>
        tpu.wait_dma2 semaphore(%arg26 : memref<!tpu.dma_semaphore, #tpu.memory_space<semaphore_mem>>) src(%arg17 : memref<100x128xf32, #tpu.memory_space<vmem>>) dst(%dma_wait3A_288 : memref<100x128xf32, #tpu.memory_space<hbm>>)
      } else {
      }
      %parallel_loop3A_271 = arith.constant 0 : i32
      %parallel_loop3A_272 = arith.constant 100 : i32
      %parallel_loop3A_273 = arith.constant 1 : i32
      scf.for %parallel_loop3A_283 = %parallel_loop3A_271 to %parallel_loop3A_272 step %parallel_loop3A_273  : i32 {
        %parallel_loop3A_284 = arith.constant 2 : i32
        %parallel_loop3A_285 = arith.muli %parallel_loop3A_283, %parallel_loop3A_284 : i32
        %parallel_loop3A_286 = arith.constant 0 : i32
        %parallel_loop3A_287 = arith.addi %parallel_loop3A_285, %parallel_loop3A_286 : i32
        %parallel_loop3A_288 = arith.constant 64 : i32
        %parallel_loop3A_289 = arith.muli %parallel_loop3A_287, %parallel_loop3A_288 : i32
        %parallel_loop3A_290 = arith.constant 0 : i32
        %parallel_loop3A_291 = arith.addi %parallel_loop3A_289, %parallel_loop3A_290 : i32
        %parallel_loop3A_292 = arith.index_cast %parallel_loop3A_291 : i32 to index
        %parallel_loop3A_293 = tpu.vector_load %arg18[%parallel_loop3A_292] {strides = array<i32>} : memref<12800xf32, #tpu.memory_space<vmem>>, vector<16xf32>,
        %parallel_loop3A_294 = vector.shape_cast %parallel_loop3A_293 : vector<16xf32> to vector<16xf32>
        %parallel_loop3A_295 = arith.index_cast %parallel_loop3A_287 : i32 to index
        %parallel_loop3A_296 = arith.constant 0 : index
        %parallel_loop3A_297 = tpu.vector_load %arg13[%parallel_loop3A_295, %parallel_loop3A_296] {strides = array<i32>} : memref<200x64xf32, #tpu.memory_space<vmem>>, vector<1x16xf32>,
        %parallel_loop3A_298 = vector.shape_cast %parallel_loop3A_297 : vector<1x16xf32> to vector<16xf32>
        %parallel_loop3A_299 = arith.constant 1.250000e-01 : f32
        %parallel_loop3A_300 = vector.broadcast %parallel_loop3A_299 : f32 to vector<16xf32>
        %parallel_loop3A_301 = arith.mulf %parallel_loop3A_298, %parallel_loop3A_300 : vector<16xf32>
        %parallel_loop3A_302 = arith.addf %parallel_loop3A_301, %parallel_loop3A_294 : vector<16xf32>
        %parallel_loop3A_303 = arith.index_cast %parallel_loop3A_283 : i32 to index
        %parallel_loop3A_304 = arith.constant 0 : index
        %parallel_loop3A_305 = tpu.vector_load %arg17[%parallel_loop3A_303, %parallel_loop3A_304] {strides = array<i32>} : memref<100x128xf32, #tpu.memory_space<vmem>>, vector<1x16xf32>,
        %parallel_loop3A_306 = vector.shape_cast %parallel_loop3A_305 : vector<1x16xf32> to vector<16xf32>
        %parallel_loop3A_307 = vector.shape_cast %parallel_loop3A_302 : vector<16xf32> to vector<1x16xf32>
        tpu.vector_store %arg17[%parallel_loop3A_303, %parallel_loop3A_304], %parallel_loop3A_307 {strides = array<i32>} : memref<100x128xf32, #tpu.memory_space<vmem>>, vector<1x16xf32>,
        %parallel_loop3A_308 = arith.constant 64 : i32
        %parallel_loop3A_309 = arith.muli %parallel_loop3A_287, %parallel_loop3A_308 : i32
        %parallel_loop3A_310 = arith.constant 16 : i32
        %parallel_loop3A_311 = arith.addi %parallel_loop3A_309, %parallel_loop3A_310 : i32
        %parallel_loop3A_312 = arith.index_cast %parallel_loop3A_311 : i32 to index
        %parallel_loop3A_313 = tpu.vector_load %arg18[%parallel_loop3A_312] {strides = array<i32>} : memref<12800xf32, #tpu.memory_space<vmem>>, vector<16xf32>,
        %parallel_loop3A_314 = vector.shape_cast %parallel_loop3A_313 : vector<16xf32> to vector<16xf32>
        %parallel_loop3A_315 = arith.index_cast %parallel_loop3A_287 : i32 to index
        %parallel_loop3A_316 = arith.constant 16 : index
        %parallel_loop3A_317 = tpu.vector_load %arg13[%parallel_loop3A_315, %parallel_loop3A_316] {strides = array<i32>} : memref<200x64xf32, #tpu.memory_space<vmem>>, vector<1x16xf32>,
        %parallel_loop3A_318 = vector.shape_cast %parallel_loop3A_317 : vector<1x16xf32> to vector<16xf32>
        %parallel_loop3A_319 = arith.constant 1.250000e-01 : f32
        %parallel_loop3A_320 = vector.broadcast %parallel_loop3A_319 : f32 to vector<16xf32>
        %parallel_loop3A_321 = arith.mulf %parallel_loop3A_318, %parallel_loop3A_320 : vector<16xf32>
        %parallel_loop3A_322 = arith.addf %parallel_loop3A_321, %parallel_loop3A_314 : vector<16xf32>
        %parallel_loop3A_323 = arith.index_cast %parallel_loop3A_283 : i32 to index
        %parallel_loop3A_324 = arith.constant 16 : index
        %parallel_loop3A_325 = tpu.vector_load %arg17[%parallel_loop3A_323, %parallel_loop3A_324] {strides = array<i32>} : memref<100x128xf32, #tpu.memory_space<vmem>>, vector<1x16xf32>,
        %parallel_loop3A_326 = vector.shape_cast %parallel_loop3A_325 : vector<1x16xf32> to vector<16xf32>
        %parallel_loop3A_327 = vector.shape_cast %parallel_loop3A_322 : vector<16xf32> to vector<1x16xf32>
        tpu.vector_store %arg17[%parallel_loop3A_323, %parallel_loop3A_324], %parallel_loop3A_327 {strides = array<i32>} : memref<100x128xf32, #tpu.memory_space<vmem>>, vector<1x16xf32>,
        %parallel_loop3A_328 = arith.constant 64 : i32
        %parallel_loop3A_329 = arith.muli %parallel_loop3A_287, %parallel_loop3A_328 : i32
        %parallel_loop3A_330 = arith.constant 32 : i32
        %parallel_loop3A_331 = arith.addi %parallel_loop3A_329, %parallel_loop3A_330 : i32
        %parallel_loop3A_332 = arith.index_cast %parallel_loop3A_331 : i32 to index
        %parallel_loop3A_333 = tpu.vector_load %arg18[%parallel_loop3A_332] {strides = array<i32>} : memref<12800xf32, #tpu.memory_space<vmem>>, vector<16xf32>,
        %parallel_loop3A_334 = vector.shape_cast %parallel_loop3A_333 : vector<16xf32> to vector<16xf32>
        %parallel_loop3A_335 = arith.index_cast %parallel_loop3A_287 : i32 to index
        %parallel_loop3A_336 = arith.constant 32 : index
        %parallel_loop3A_337 = tpu.vector_load %arg13[%parallel_loop3A_335, %parallel_loop3A_336] {strides = array<i32>} : memref<200x64xf32, #tpu.memory_space<vmem>>, vector<1x16xf32>,
        %parallel_loop3A_338 = vector.shape_cast %parallel_loop3A_337 : vector<1x16xf32> to vector<16xf32>
        %parallel_loop3A_339 = arith.constant 1.250000e-01 : f32
        %parallel_loop3A_340 = vector.broadcast %parallel_loop3A_339 : f32 to vector<16xf32>
        %parallel_loop3A_341 = arith.mulf %parallel_loop3A_338, %parallel_loop3A_340 : vector<16xf32>
        %parallel_loop3A_342 = arith.addf %parallel_loop3A_341, %parallel_loop3A_334 : vector<16xf32>
        %parallel_loop3A_343 = arith.index_cast %parallel_loop3A_283 : i32 to index
        %parallel_loop3A_344 = arith.constant 32 : index
        %parallel_loop3A_345 = tpu.vector_load %arg17[%parallel_loop3A_343, %parallel_loop3A_344] {strides = array<i32>} : memref<100x128xf32, #tpu.memory_space<vmem>>, vector<1x16xf32>,
        %parallel_loop3A_346 = vector.shape_cast %parallel_loop3A_345 : vector<1x16xf32> to vector<16xf32>
        %parallel_loop3A_347 = vector.shape_cast %parallel_loop3A_342 : vector<16xf32> to vector<1x16xf32>
        tpu.vector_store %arg17[%parallel_loop3A_343, %parallel_loop3A_344], %parallel_loop3A_347 {strides = array<i32>} : memref<100x128xf32, #tpu.memory_space<vmem>>, vector<1x16xf32>,
        %parallel_loop3A_348 = arith.constant 64 : i32
        %parallel_loop3A_349 = arith.muli %parallel_loop3A_287, %parallel_loop3A_348 : i32
        %parallel_loop3A_350 = arith.constant 48 : i32
        %parallel_loop3A_351 = arith.addi %parallel_loop3A_349, %parallel_loop3A_350 : i32
        %parallel_loop3A_352 = arith.index_cast %parallel_loop3A_351 : i32 to index
        %parallel_loop3A_353 = tpu.vector_load %arg18[%parallel_loop3A_352] {strides = array<i32>} : memref<12800xf32, #tpu.memory_space<vmem>>, vector<16xf32>,
        %parallel_loop3A_354 = vector.shape_cast %parallel_loop3A_353 : vector<16xf32> to vector<16xf32>
        %parallel_loop3A_355 = arith.index_cast %parallel_loop3A_287 : i32 to index
        %parallel_loop3A_356 = arith.constant 48 : index
        %parallel_loop3A_357 = tpu.vector_load %arg13[%parallel_loop3A_355, %parallel_loop3A_356] {strides = array<i32>} : memref<200x64xf32, #tpu.memory_space<vmem>>, vector<1x16xf32>,
        %parallel_loop3A_358 = vector.shape_cast %parallel_loop3A_357 : vector<1x16xf32> to vector<16xf32>
        %parallel_loop3A_359 = arith.constant 1.250000e-01 : f32
        %parallel_loop3A_360 = vector.broadcast %parallel_loop3A_359 : f32 to vector<16xf32>
        %parallel_loop3A_361 = arith.mulf %parallel_loop3A_358, %parallel_loop3A_360 : vector<16xf32>
        %parallel_loop3A_362 = arith.addf %parallel_loop3A_361, %parallel_loop3A_354 : vector<16xf32>
        %parallel_loop3A_363 = arith.index_cast %parallel_loop3A_283 : i32 to index
        %parallel_loop3A_364 = arith.constant 48 : index
        %parallel_loop3A_365 = tpu.vector_load %arg17[%parallel_loop3A_363, %parallel_loop3A_364] {strides = array<i32>} : memref<100x128xf32, #tpu.memory_space<vmem>>, vector<1x16xf32>,
        %parallel_loop3A_366 = vector.shape_cast %parallel_loop3A_365 : vector<1x16xf32> to vector<16xf32>
        %parallel_loop3A_367 = vector.shape_cast %parallel_loop3A_362 : vector<16xf32> to vector<1x16xf32>
        tpu.vector_store %arg17[%parallel_loop3A_363, %parallel_loop3A_364], %parallel_loop3A_367 {strides = array<i32>} : memref<100x128xf32, #tpu.memory_space<vmem>>, vector<1x16xf32>,
        %parallel_loop3A_368 = arith.constant 2 : i32
        %parallel_loop3A_369 = arith.muli %parallel_loop3A_283, %parallel_loop3A_368 : i32
        %parallel_loop3A_370 = arith.constant 1 : i32
        %parallel_loop3A_371 = arith.addi %parallel_loop3A_369, %parallel_loop3A_370 : i32
        %parallel_loop3A_372 = arith.constant 64 : i32
        %parallel_loop3A_373 = arith.muli %parallel_loop3A_371, %parallel_loop3A_372 : i32
        %parallel_loop3A_374 = arith.constant 0 : i32
        %parallel_loop3A_375 = arith.addi %parallel_loop3A_373, %parallel_loop3A_374 : i32
        %parallel_loop3A_376 = arith.index_cast %parallel_loop3A_375 : i32 to index
        %parallel_loop3A_377 = tpu.vector_load %arg18[%parallel_loop3A_376] {strides = array<i32>} : memref<12800xf32, #tpu.memory_space<vmem>>, vector<16xf32>,
        %parallel_loop3A_378 = vector.shape_cast %parallel_loop3A_377 : vector<16xf32> to vector<16xf32>
        %parallel_loop3A_379 = arith.index_cast %parallel_loop3A_371 : i32 to index
        %parallel_loop3A_380 = arith.constant 0 : index
        %parallel_loop3A_381 = tpu.vector_load %arg13[%parallel_loop3A_379, %parallel_loop3A_380] {strides = array<i32>} : memref<200x64xf32, #tpu.memory_space<vmem>>, vector<1x16xf32>,
        %parallel_loop3A_382 = vector.shape_cast %parallel_loop3A_381 : vector<1x16xf32> to vector<16xf32>
        %parallel_loop3A_383 = arith.constant 1.250000e-01 : f32
        %parallel_loop3A_384 = vector.broadcast %parallel_loop3A_383 : f32 to vector<16xf32>
        %parallel_loop3A_385 = arith.mulf %parallel_loop3A_382, %parallel_loop3A_384 : vector<16xf32>
        %parallel_loop3A_386 = arith.addf %parallel_loop3A_385, %parallel_loop3A_378 : vector<16xf32>
        %parallel_loop3A_387 = arith.index_cast %parallel_loop3A_283 : i32 to index
        %parallel_loop3A_388 = arith.constant 64 : index
        %parallel_loop3A_389 = tpu.vector_load %arg17[%parallel_loop3A_387, %parallel_loop3A_388] {strides = array<i32>} : memref<100x128xf32, #tpu.memory_space<vmem>>, vector<1x16xf32>,
        %parallel_loop3A_390 = vector.shape_cast %parallel_loop3A_389 : vector<1x16xf32> to vector<16xf32>
        %parallel_loop3A_391 = vector.shape_cast %parallel_loop3A_386 : vector<16xf32> to vector<1x16xf32>
        tpu.vector_store %arg17[%parallel_loop3A_387, %parallel_loop3A_388], %parallel_loop3A_391 {strides = array<i32>} : memref<100x128xf32, #tpu.memory_space<vmem>>, vector<1x16xf32>,
        %parallel_loop3A_392 = arith.constant 64 : i32
        %parallel_loop3A_393 = arith.muli %parallel_loop3A_371, %parallel_loop3A_392 : i32
        %parallel_loop3A_394 = arith.constant 16 : i32
        %parallel_loop3A_395 = arith.addi %parallel_loop3A_393, %parallel_loop3A_394 : i32
        %parallel_loop3A_396 = arith.index_cast %parallel_loop3A_395 : i32 to index
        %parallel_loop3A_397 = tpu.vector_load %arg18[%parallel_loop3A_396] {strides = array<i32>} : memref<12800xf32, #tpu.memory_space<vmem>>, vector<16xf32>,
        %parallel_loop3A_398 = vector.shape_cast %parallel_loop3A_397 : vector<16xf32> to vector<16xf32>
        %parallel_loop3A_399 = arith.index_cast %parallel_loop3A_371 : i32 to index
        %parallel_loop3A_400 = arith.constant 16 : index
        %parallel_loop3A_401 = tpu.vector_load %arg13[%parallel_loop3A_399, %parallel_loop3A_400] {strides = array<i32>} : memref<200x64xf32, #tpu.memory_space<vmem>>, vector<1x16xf32>,
        %parallel_loop3A_402 = vector.shape_cast %parallel_loop3A_401 : vector<1x16xf32> to vector<16xf32>
        %parallel_loop3A_403 = arith.constant 1.250000e-01 : f32
        %parallel_loop3A_404 = vector.broadcast %parallel_loop3A_403 : f32 to vector<16xf32>
        %parallel_loop3A_405 = arith.mulf %parallel_loop3A_402, %parallel_loop3A_404 : vector<16xf32>
        %parallel_loop3A_406 = arith.addf %parallel_loop3A_405, %parallel_loop3A_398 : vector<16xf32>
        %parallel_loop3A_407 = arith.index_cast %parallel_loop3A_283 : i32 to index
        %parallel_loop3A_408 = arith.constant 80 : index
        %parallel_loop3A_409 = tpu.vector_load %arg17[%parallel_loop3A_407, %parallel_loop3A_408] {strides = array<i32>} : memref<100x128xf32, #tpu.memory_space<vmem>>, vector<1x16xf32>,
        %parallel_loop3A_410 = vector.shape_cast %parallel_loop3A_409 : vector<1x16xf32> to vector<16xf32>
        %parallel_loop3A_411 = vector.shape_cast %parallel_loop3A_406 : vector<16xf32> to vector<1x16xf32>
        tpu.vector_store %arg17[%parallel_loop3A_407, %parallel_loop3A_408], %parallel_loop3A_411 {strides = array<i32>} : memref<100x128xf32, #tpu.memory_space<vmem>>, vector<1x16xf32>,
        %parallel_loop3A_412 = arith.constant 64 : i32
        %parallel_loop3A_413 = arith.muli %parallel_loop3A_371, %parallel_loop3A_412 : i32
        %parallel_loop3A_414 = arith.constant 32 : i32
        %parallel_loop3A_415 = arith.addi %parallel_loop3A_413, %parallel_loop3A_414 : i32
        %parallel_loop3A_416 = arith.index_cast %parallel_loop3A_415 : i32 to index
        %parallel_loop3A_417 = tpu.vector_load %arg18[%parallel_loop3A_416] {strides = array<i32>} : memref<12800xf32, #tpu.memory_space<vmem>>, vector<16xf32>,
        %parallel_loop3A_418 = vector.shape_cast %parallel_loop3A_417 : vector<16xf32> to vector<16xf32>
        %parallel_loop3A_419 = arith.index_cast %parallel_loop3A_371 : i32 to index
        %parallel_loop3A_420 = arith.constant 32 : index
        %parallel_loop3A_421 = tpu.vector_load %arg13[%parallel_loop3A_419, %parallel_loop3A_420] {strides = array<i32>} : memref<200x64xf32, #tpu.memory_space<vmem>>, vector<1x16xf32>,
        %parallel_loop3A_422 = vector.shape_cast %parallel_loop3A_421 : vector<1x16xf32> to vector<16xf32>
        %parallel_loop3A_423 = arith.constant 1.250000e-01 : f32
        %parallel_loop3A_424 = vector.broadcast %parallel_loop3A_423 : f32 to vector<16xf32>
        %parallel_loop3A_425 = arith.mulf %parallel_loop3A_422, %parallel_loop3A_424 : vector<16xf32>
        %parallel_loop3A_426 = arith.addf %parallel_loop3A_425, %parallel_loop3A_418 : vector<16xf32>
        %parallel_loop3A_427 = arith.index_cast %parallel_loop3A_283 : i32 to index
        %parallel_loop3A_428 = arith.constant 96 : index
        %parallel_loop3A_429 = tpu.vector_load %arg17[%parallel_loop3A_427, %parallel_loop3A_428] {strides = array<i32>} : memref<100x128xf32, #tpu.memory_space<vmem>>, vector<1x16xf32>,
        %parallel_loop3A_430 = vector.shape_cast %parallel_loop3A_429 : vector<1x16xf32> to vector<16xf32>
        %parallel_loop3A_431 = vector.shape_cast %parallel_loop3A_426 : vector<16xf32> to vector<1x16xf32>
        tpu.vector_store %arg17[%parallel_loop3A_427, %parallel_loop3A_428], %parallel_loop3A_431 {strides = array<i32>} : memref<100x128xf32, #tpu.memory_space<vmem>>, vector<1x16xf32>,
        %parallel_loop3A_432 = arith.constant 64 : i32
        %parallel_loop3A_433 = arith.muli %parallel_loop3A_371, %parallel_loop3A_432 : i32
        %parallel_loop3A_434 = arith.constant 48 : i32
        %parallel_loop3A_435 = arith.addi %parallel_loop3A_433, %parallel_loop3A_434 : i32
        %parallel_loop3A_436 = arith.index_cast %parallel_loop3A_435 : i32 to index
        %parallel_loop3A_437 = tpu.vector_load %arg18[%parallel_loop3A_436] {strides = array<i32>} : memref<12800xf32, #tpu.memory_space<vmem>>, vector<16xf32>,
        %parallel_loop3A_438 = vector.shape_cast %parallel_loop3A_437 : vector<16xf32> to vector<16xf32>
        %parallel_loop3A_439 = arith.index_cast %parallel_loop3A_371 : i32 to index
        %parallel_loop3A_440 = arith.constant 48 : index
        %parallel_loop3A_441 = tpu.vector_load %arg13[%parallel_loop3A_439, %parallel_loop3A_440] {strides = array<i32>} : memref<200x64xf32, #tpu.memory_space<vmem>>, vector<1x16xf32>,
        %parallel_loop3A_442 = vector.shape_cast %parallel_loop3A_441 : vector<1x16xf32> to vector<16xf32>
        %parallel_loop3A_443 = arith.constant 1.250000e-01 : f32
        %parallel_loop3A_444 = vector.broadcast %parallel_loop3A_443 : f32 to vector<16xf32>
        %parallel_loop3A_445 = arith.mulf %parallel_loop3A_442, %parallel_loop3A_444 : vector<16xf32>
        %parallel_loop3A_446 = arith.addf %parallel_loop3A_445, %parallel_loop3A_438 : vector<16xf32>
        %parallel_loop3A_447 = arith.index_cast %parallel_loop3A_283 : i32 to index
        %parallel_loop3A_448 = arith.constant 112 : index
        %parallel_loop3A_449 = tpu.vector_load %arg17[%parallel_loop3A_447, %parallel_loop3A_448] {strides = array<i32>} : memref<100x128xf32, #tpu.memory_space<vmem>>, vector<1x16xf32>,
        %parallel_loop3A_450 = vector.shape_cast %parallel_loop3A_449 : vector<1x16xf32> to vector<16xf32>
        %parallel_loop3A_451 = vector.shape_cast %parallel_loop3A_446 : vector<16xf32> to vector<1x16xf32>
        tpu.vector_store %arg17[%parallel_loop3A_447, %parallel_loop3A_448], %parallel_loop3A_451 {strides = array<i32>} : memref<100x128xf32, #tpu.memory_space<vmem>>, vector<1x16xf32>,
      } {sc.loop_unroll_factor = 2 : i64, sc.parallel_access}
      %mul3A_274 = arith.constant 100 : i32
      %mul3A_275 = arith.muli %add3A_237, %mul3A_274 : i32
      %add3A_276 = arith.addi %mul3A_4, %mul3A_275 : i32
      %multiple_of3A_277 = tpu.assume_multiple %add3A_276, 4 : i32
      %dma_start3A_278 = arith.constant 0 : i32
      %dma_start3A_279 = tpu.memref_slice %arg5[%multiple_of3A_277, %dma_start3A_278] : memref<409600x128xf32, #tpu.memory_space<hbm>> -> memref<100x128xf32, #tpu.memory_space<hbm>>
      %dma_start3A_280 = arith.constant 0 : i32
      %dma_start3A_281 = tpu.memref_slice %arg5[%multiple_of3A_277, %dma_start3A_280] : memref<409600x128xf32, #tpu.memory_space<hbm>> -> memref<100x128xf32, #tpu.memory_space<hbm>>
      tpu.enqueue_dma source(%arg17 : memref<100x128xf32, #tpu.memory_space<vmem>>) target(%dma_start3A_281 : memref<100x128xf32, #tpu.memory_space<hbm>>) target_semaphore(%arg26 : memref<!tpu.dma_semaphore, #tpu.memory_space<semaphore_mem>>)
      %scan3A_282 = arith.constant 0 : i32
      scf.yield %scan3A_282 : i32
    }
    %scan3A_68 = arith.constant 32 : i32
    %dma_wait3A_69 = arith.constant 0 : i32
    %dma_wait3A_70 = arith.constant 0 : i32
    %dma_wait3A_71 = tpu.memref_slice %arg5[%dma_wait3A_69, %dma_wait3A_70] : memref<409600x128xf32, #tpu.memory_space<hbm>> -> memref<100x128xf32, #tpu.memory_space<hbm>>
    %dma_wait3A_72 = arith.constant 0 : i32
    %dma_wait3A_73 = arith.constant 0 : i32
    %dma_wait3A_74 = tpu.memref_slice %arg5[%dma_wait3A_72, %dma_wait3A_73] : memref<409600x128xf32, #tpu.memory_space<hbm>> -> memref<100x128xf32, #tpu.memory_space<hbm>>
    tpu.wait_dma2 semaphore(%arg23 : memref<!tpu.dma_semaphore, #tpu.memory_space<semaphore_mem>>) src(%arg14 : memref<100x128xf32, #tpu.memory_space<vmem>>) dst(%dma_wait3A_74 : memref<100x128xf32, #tpu.memory_space<hbm>>)
    %dma_wait3A_75 = arith.constant 0 : i32
    %dma_wait3A_76 = arith.constant 0 : i32
    %dma_wait3A_77 = tpu.memref_slice %arg5[%dma_wait3A_75, %dma_wait3A_76] : memref<409600x128xf32, #tpu.memory_space<hbm>> -> memref<100x128xf32, #tpu.memory_space<hbm>>
    %dma_wait3A_78 = arith.constant 0 : i32
    %dma_wait3A_79 = arith.constant 0 : i32
    %dma_wait3A_80 = tpu.memref_slice %arg5[%dma_wait3A_78, %dma_wait3A_79] : memref<409600x128xf32, #tpu.memory_space<hbm>> -> memref<100x128xf32, #tpu.memory_space<hbm>>
    tpu.wait_dma2 semaphore(%arg24 : memref<!tpu.dma_semaphore, #tpu.memory_space<semaphore_mem>>) src(%arg15 : memref<100x128xf32, #tpu.memory_space<vmem>>) dst(%dma_wait3A_80 : memref<100x128xf32, #tpu.memory_space<hbm>>)
    %dma_wait3A_81 = arith.constant 0 : i32
    %dma_wait3A_82 = arith.constant 0 : i32
    %dma_wait3A_83 = tpu.memref_slice %arg5[%dma_wait3A_81, %dma_wait3A_82] : memref<409600x128xf32, #tpu.memory_space<hbm>> -> memref<100x128xf32, #tpu.memory_space<hbm>>
    %dma_wait3A_84 = arith.constant 0 : i32
    %dma_wait3A_85 = arith.constant 0 : i32
    %dma_wait3A_86 = tpu.memref_slice %arg5[%dma_wait3A_84, %dma_wait3A_85] : memref<409600x128xf32, #tpu.memory_space<hbm>> -> memref<100x128xf32, #tpu.memory_space<hbm>>
    tpu.wait_dma2 semaphore(%arg25 : memref<!tpu.dma_semaphore, #tpu.memory_space<semaphore_mem>>) src(%arg16 : memref<100x128xf32, #tpu.memory_space<vmem>>) dst(%dma_wait3A_86 : memref<100x128xf32, #tpu.memory_space<hbm>>)
    %dma_wait3A_87 = arith.constant 0 : i32
    %dma_wait3A_88 = arith.constant 0 : i32
    %dma_wait3A_89 = tpu.memref_slice %arg5[%dma_wait3A_87, %dma_wait3A_88] : memref<409600x128xf32, #tpu.memory_space<hbm>> -> memref<100x128xf32, #tpu.memory_space<hbm>>
    %dma_wait3A_90 = arith.constant 0 : i32
    %dma_wait3A_91 = arith.constant 0 : i32
    %dma_wait3A_92 = tpu.memref_slice %arg5[%dma_wait3A_90, %dma_wait3A_91] : memref<409600x128xf32, #tpu.memory_space<hbm>> -> memref<100x128xf32, #tpu.memory_space<hbm>>
    tpu.wait_dma2 semaphore(%arg26 : memref<!tpu.dma_semaphore, #tpu.memory_space<semaphore_mem>>) src(%arg17 : memref<100x128xf32, #tpu.memory_space<vmem>>) dst(%dma_wait3A_92 : memref<100x128xf32, #tpu.memory_space<hbm>>)
    return
  }
}

</mosaic_0001>

<sc_bundles>
// kernel: kernel.3.cloned.1.call-start
scs
__scs_entry_jumppad:
0x0: {  	(pc) =	sbr.rel $0x88, $3  }
0x1: {  	(tag) =	ssettag $0x0;
	lr =	simm.s32 $0x1  }
0x2: {  	[smem:$0x3F9E] =	sst lr;
	_ =	strace $0xD0000000  }
0x3: {  	_ = 	snop  }
0x4: {  	_ = 	snop  }
0x5: {  	_ = 	snop  }
0x6: {  	_ = 	snop  }
0x7: {  	_ = 	snop  }
__scs_overlays_trampoline_lowered:
0x8: {  	[smem:$0x3FAD] =	sst s0  }
0x9: {  	[smem:$0x3FAE] =	sst s1  }
0xa: {  	[smem:$0x3FAF] =	sst s2  }
0xb: {  	[smem:$0x3FB0] =	sst s3  }
0xc: {  	[smem:$0x3FB1] =	sst s4  }
0xd: {  	[smem:$0x3FB2] =	sst s5  }
0xe: {  	[smem:$0x3FB3] =	sst s6  }
0xf: {  	[smem:$0x3FB4] =	sst s7  }
0x10: {  	[smem:$0x3FB5] =	sst s8  }
0x11: {  	[smem:$0x3FB6] =	sst s9;
	s0 =	simm.s32 @!p0 $0x0  }
0x12: {  	s1 =	sld [smem:$0x3F9C];
	s0 =	simm.s32 @p0 $0x1  }
0x13: {  	[smem:$0x3FB7] =	sst s0;
	s0 =	simm.s32 @!p1 $0x0  }
0x14: {  	s2 =	sld [smem:$0x3F9B];
	s0 =	simm.s32 @p1 $0x1  }
0x15: {  	[smem:$0x3FB8] =	sst s0;
	s0 =	simm.s32 @!p2 $0x0  }
0x16: {  	s3 =	sld [smem:$0x3FDB];
	s0 =	simm.s32 @p2 $0x1  }
0x17: {  	s4 =	simm.s32 $0x1BF5;
	[smem:$0x3FBA] =	sst s0  }
0x18: {  	s0 =	sld [smem:$0x3F9D];
	_ =	swait.ge [sflag:s4], $0x0  }
0x19: {  	s7 =	sld [smem:$0x3F9E]  }
0x1a: {  	s8 =	sadd.s32 $0xFFFFE003, lr  }
0x1b: {  	s9 =	sadd.s32 $0xFFFFFEF7, lr;
	s5 =	simm.s32 $0xFFFFFFFF;
	p2 =	slt.u32 s8, $0xFFFFF086  }
0x1c: {  	p1 =	slt.u32 s9, $0xF7A;
	s5 =	simm.s32 @!p2 $0x0  }
0x1d: {  	s5 =	simm.s32 @p1 $0x1;
	p0 =	seq.s32 s7, s2  }
0x1e: {  	s7 =	smul.u32 @!p0 $0xF7A, s2;
	p2 =	seq.s32 @!p0 s5, $0x0  }
0x1f: {  	s9 =	smul.u32 $0xF7A, s1;
	s8 =	simm.s32 @!p0 $0x1BF5;
	p2 =	por !p2, p0  }
0x20: {  	[sflag:s8] =	ssyncset.s32 @!p0 $0xFFFFF086;
	s6 =	sadd.s32 @!p0 s3, s7;
	s7 =	simm.s32 @!p0 $0x108  }
0x21: {  	s3 =	sadd.s32 s3, s9;
	s6 =	sadd.s32 @!p0 $0x88, s6;
	s7 =	simm.s32 @p2 $0x1082  }
0x22: {  	[simem:s7], [sflag:s8] =	dma.local @!p0 [hbm:s6], $0xF7A  }
0x23: {  	s9 =	sor.u32 $0xD0000000, s2;
	s6 =	simm.s32 $0x108;
	_ =	swait.ge @!p0 [sflag:s8], $0x0  }
0x24: {  	s3 =	sadd.s32 $0x88, s3;
	s6 =	simm.s32 @!p1 $0x1082;
	[sflag:s4] =	ssyncset.s32 $0xFFFFF086  }
0x25: {  	[simem:s6], [sflag:s4] =	dma.local [hbm:s3], $0xF7A  }
0x26: {  	[smem:$0x3F9E] =	sst s1;
	(tag) =	ssettag s2;
	_ =	strace s9  }
0x27: {  	s1 =	sld [smem:$0x3FAE]  }
0x28: {  	s2 =	sld [smem:$0x3FAF]  }
0x29: {  	s4 =	sld [smem:$0x3FB1]  }
0x2a: {  	p0 =	seq.s32 s5, $0x0;
	s5 =	sld [smem:$0x3FB2]  }
0x2b: {  	s6 =	sld [smem:$0x3FB3]  }
0x2c: {  	s7 =	sld [smem:$0x3FB4]  }
0x2d: {  	s3 =	simm.s32 $0x108;
	s8 =	sld [smem:$0x3FB5]  }
0x2e: {  	s3 =	simm.s32 @!p0 $0x1082;
	s9 =	sld [smem:$0x3FB6]  }
0x2f: {  	lr =	sadd.s32 s0, s3;
	s0 =	sld [smem:$0x3FAD]  }
0x30: {  	s3 =	sld [smem:$0x3FB0]  }
0x31: {  	[smem:$0x3FB9] =	sst s10  }
0x32: {  	s10 =	sld [smem:$0x3FB7];
	_ =	sdelay $0x3  }
0x33: {  	p0 =	seq.s32 s10, $0x1;
	s10 =	sld [smem:$0x3FB9];
	_ =	sdelay $0x3  }
0x34: {  	[smem:$0x3FB9] =	sst s10  }
0x35: {  	s10 =	sld [smem:$0x3FB8];
	_ =	sdelay $0x3  }
0x36: {  	p1 =	seq.s32 s10, $0x1;
	s10 =	sld [smem:$0x3FB9];
	_ =	sdelay $0x3  }
0x37: {  	[smem:$0x3FB9] =	sst s10  }
0x38: {  	s10 =	sld [smem:$0x3FBA]  }
0x39: {  	_ = 	snop;
	(pc) =	sbr.ind lr, $3  }
0x3a: {  	_ = 	snop  }
0x3b: {  	_ = 	snop  }
0x3c: {  	p2 =	seq.s32 s10, $0x1;
	s10 =	sld [smem:$0x3FB9]  }
0x3d: {  	_ =	shalt  }
0x3e: {  	_ =	shalt  }
0x3f: {  	_ =	shalt  }
0x40: {  	_ =	shalt  }
0x41: {  	_ =	shalt  }
0x42: {  	_ =	shalt  }
0x43: {  	_ =	shalt  }
0x44: {  	_ =	shalt  }
0x45: {  	_ =	shalt  }
0x46: {  	_ =	shalt  }
0x47: {  	_ =	shalt  }
0x48: {  	_ =	shalt  }
0x49: {  	_ =	shalt  }
0x4a: {  	_ =	shalt  }
0x4b: {  	_ =	shalt  }
0x4c: {  	_ =	shalt  }
0x4d: {  	_ =	shalt  }
0x4e: {  	_ =	shalt  }
0x4f: {  	_ =	shalt  }
0x50: {  	_ =	shalt  }
0x51: {  	_ =	shalt  }
0x52: {  	_ =	shalt  }
0x53: {  	_ =	shalt  }
0x54: {  	_ =	shalt  }
0x55: {  	_ =	shalt  }
0x56: {  	_ =	shalt  }
0x57: {  	_ =	shalt  }
0x58: {  	_ =	shalt  }
0x59: {  	_ =	shalt  }
0x5a: {  	_ =	shalt  }
0x5b: {  	_ =	shalt  }
0x5c: {  	_ =	shalt  }
0x5d: {  	_ =	shalt  }
0x5e: {  	_ =	shalt  }
0x5f: {  	_ =	shalt  }
0x60: {  	_ =	shalt  }
0x61: {  	_ =	shalt  }
0x62: {  	_ =	shalt  }
0x63: {  	_ =	shalt  }
0x64: {  	_ =	shalt  }
0x65: {  	_ =	shalt  }
0x66: {  	_ =	shalt  }
0x67: {  	_ =	shalt  }
0x68: {  	_ =	shalt  }
0x69: {  	_ =	shalt  }
0x6a: {  	_ =	shalt  }
0x6b: {  	_ =	shalt  }
0x6c: {  	_ =	shalt  }
0x6d: {  	_ =	shalt  }
0x6e: {  	_ =	shalt  }
0x6f: {  	_ =	shalt  }
0x70: {  	_ =	shalt  }
0x71: {  	_ =	shalt  }
0x72: {  	_ =	shalt  }
0x73: {  	_ =	shalt  }
0x74: {  	_ =	shalt  }
0x75: {  	_ =	shalt  }
0x76: {  	_ =	shalt  }
0x77: {  	_ =	shalt  }
0x78: {  	_ =	shalt  }
0x79: {  	_ =	shalt  }
0x7a: {  	_ =	shalt  }
0x7b: {  	_ =	shalt  }
0x7c: {  	_ =	shalt  }
0x7d: {  	_ =	shalt  }
0x7e: {  	_ =	shalt  }
0x7f: {  	_ =	shalt  }
0x80: {  	_ =	shalt  }
0x81: {  	_ =	shalt  }
0x82: {  	_ =	shalt  }
0x83: {  	_ =	shalt  }
0x84: {  	_ =	shalt  }
0x85: {  	_ =	shalt  }
0x86: {  	_ =	shalt  }
0x87: {  	_ =	shalt  }
.Lfunc_end0:
.L_simem_size_0:
called_computation.1_lowered:
.L_overlay_start_0:
0x88: {  	s2 =	sld [smem:$0x3FD9]  }
0x89: {  	s3 =	sld [smem:$0x3FFE];
	_ =	sdelay $0x1  }
0x8a: {  	s1 =	srdreg.scid  }
0x8b: {  	s0 =	sand.u32 $0x1, s1  }
0x8c: {  	s17 =	sshll.u32 s0, $0xA;
	s2 =	sadd.s32 s3, s2  }
0x8d: {  	s2 =	sadd.s32 s2, s17  }
0x8e: {  	[smem:$0x3FC5] =	sst s2  }
0x8f: {  	_ = 	snop  }
0x90: {  	s2 =	sld [smem:$0x3FD0];
	(tm) =	ssettm $0x1  }
0x91: {  	s18 =	sld [smem:$0x3FFB];
	_ =	sdelay $0x3  }
0x92: {  	_ =	strace s18  }
0x93: {  	s3 =	sld [smem:$0x3FFC];
	_ =	sdelay $0x3  }
0x94: {  	_ =	strace s3  }
0x95: {  	s3 =	sld [smem:$0x3FFD];
	_ =	sdelay $0x3  }
0x96: {  	_ =	strace s3  }
0x97: {  	_ =	strace $0x8FFFFFFF  }
0x98: {  	s19 =	sld [smem:$0x3FDB];
	_ =	sdelay $0x1  }
0x99: {  	s4 =	simm.s32 $_scs_section_size  }
0x9a: {  	s5 =	simm.s32 $_size__tile_overlayer_lowered;
	s6 =	simm.s32 $_tile_overlayer_lowered  }
0x9b: {  	s22 =	simm.s32 $0x1BFF;
	s21 =	sshll.u32 s6, $0x1;
	s3 =	sadd.s32 s4, s19  }
0x9c: {  	s7 =	simm.s32 $0x0;
	s20 =	sshll.u32 s5, $0x1;
	s5 =	sadd.s32 s21, s3  }
0x9d: {  	[timem:s7], [sflag:s22] =	dma.local [hbm:s5], s20  }
0x9e: {  	_ =	swait.ge [sflag:s22], s20  }
0x9f: {  	s4 =	ssub.s32 $0x0, s20;
	[sflag:s22] =	ssyncset.done $0x0  }
0xa0: {  	[sflag:s22] =	ssyncadd.s32 s4;
	_ =	sdelay $0x1  }
0xa1: {  	s23 =	simm.s32 $0x1B8B  }
0xa2: {  	_ =	swait.ge [sflag:s23], $0x1  }
0xa3: {  	[sflag:s23] =	ssyncset.done $0x0  }
0xa4: {  	s25 =	simm.s32 $0x1B8E;
	s24 =	sld [smem:$0x3FFE];
	[sflag:s23] =	ssyncadd.s32 $0xFFFFFFFF  }
0xa5: {  	s26 =	simm.s32 $execute0_lowered;
	[smem:$0x3FD2] =	sst s25  }
0xa6: {  	s5 =	sshll.u32 s26, $0x1;
	_ =	strace $0x80000046;
	[dreg:$0x1] =	wrdreg $0xFFFFFFFF  }
0xa7: {  	s28 =	simm.s32 $_size_execute0_lowered;
	s3 =	sadd.s32 s3, s5;
	[dreg:$0x0] =	wrdreg $0x0  }
0xa8: {  	s5 =	sshll.u32 s28, $0x1;
	[dreg:$0x2] =	wrdreg s3  }
0xa9: {  	[dreg:$0x3] =	wrdreg s5  }
0xaa: {  	[dreg:$0x4] =	wrdreg $0xC0  }
0xab: {  	_ =	task [dreg:s7], $0x5FFFF  }
0xac: {  	[dreg:$0x1] =	wrdreg $0xFFFFFFFF  }
0xad: {  	[dreg:$0x0] =	wrdreg $0x60  }
0xae: {  	[dreg:$0x2] =	wrdreg s24  }
0xaf: {  	[dreg:$0x3] =	wrdreg s2  }
0xb0: {  	[dreg:$0x4] =	wrdreg $0x9  }
0xb1: {  	_ =	task.clear_ibuf [dreg:s7], $0x5FFFF;
	_ =	strace $0x90000046  }
0xb2: {  	s29 =	simm.s32 $0x9;
	_ =	strace $0x80000048  }
0xb3: {  	_ =	swait.ge [sflag:s29], $0x1  }
0xb4: {  	[sflag:s29] =	ssyncadd.s32 $0xFFFFFFFF  }
0xb5: {  	_ =	strace $0x90000048  }
0xb6: {  	_ =	sfence  }
0xb7: {  	s30 =	sld [smem:$0x0];
	_ =	sdelay $0x2  }
0xb8: {  	s31 =	sshll.u32 s1, $0xD;
	s1 =	sshrl.u32 s1, $0x2  }
0xb9: {  	s3 =	sand.u32 $0x4000, s31;
	s1 =	sadd.s32 s1, s30  }
0xba: {  	s0 =	sor.u32 s3, s0;
	s1 =	sshll.u32 s1, $0x11  }
0xbb: {  	s0 =	sor.u32 s1, s0  }
0xbc: {  	s0 =	sadd.s32 $0x8F2B, s0  }
0xbd: {  	[sflag:s0] =	ssyncadd.remote.s32 $0x1  }
0xbe: {  	_ =	sfence.sel $0xFFFF  }
0xbf: {  	[dreg:$0x0] =	wrdreg $0xFFFFFFFF;
	(pc) =	sbr.abs _section_cstart, $3  }
0xc0: {  	[dreg:$0x1] =	wrdreg $0xFFFFFFFF  }
0xc1: {  	_ =	task.clear_ibuf [dreg:s7], $0x2FFFF;
	_ =	strace $0x9FFFFFFF  }
0xc2: {  	(tm) =	ssettm $0x7FFFFFFF  }
0xc3: {  	_ =	shalt  }
tec
execute0_lowered:
.L_overlay_start_1:
0x0: {  	(tag) =	ssettag $0x1  }
0x1: {  	s0 =	rddreg [dreg:$0x0]  }
0x2: {  	s2 =	rddreg [dreg:$0x1];
	s3 =	simm.s32 $0x0  }
0x3: {  	s1 =	srdreg.scid;
	s4 =	stileid.u32;
	s20 =	simm.s32 $0x9  }
0x4: {  	s22 =	simm.s32 $0xA;
	s30 =	simm.s32 $0x2;
	s31 =	simm.s32 $0xC  }
0x5: {  	s16 =	simm.s32 $0x3;
	s10 =	simm.s32 $0x4;
	[smem:$0x7FF] =	sst s3  }
0x6: {  	s1 =	sand.u32 $0x1, s1;
	s4 =	sshll.u32 s4, $0x1;
	s5 =	sadd.s32 $0xF43000, s0  }
0x7: {  	_ =	strace $0x80000047;
	s6 =	sor.u32 s1, s4;
	s4 =	sadd.s32 $0xC00, s0  }
0x8: {  	s1 =	ssub.s32 $0x2, s1;
	s0 =	sadd.s32 $0x19C00, s0;
	s7 =	sshll.u32 s6, $0x7  }
0x9: {  	s8 =	smul.u32 $0xC80, s6;
	[dreg:$0x3] =	wrdreg s0;
	s28 =	sor.u32 $0x5, s7  }
0xa: {  	s24 =	sshrl.u32 s1, $0x1;
	s29 =	sor.u32 $0x6, s7;
	[dreg:$0x7] =	wrdreg s28  }
0xb: {  	s0 =	ssub.s32 s1, s24;
	s25 =	sadd.s32 s4, s8;
	[dreg:$0x8] =	wrdreg s29  }
0xc: {  	s9 =	smul.u32 $0x3200, s6;
	s0 =	smax.u32 s0, $0x1;
	[dreg:$0x4] =	wrdreg s25  }
0xd: {  	s6 =	simm.s32 $0x0;
	s26 =	sadd.s32 $0x19, s25;
	[dreg:$0x9] =	wrdreg s0  }
0xe: {  	s12 =	sor.u32 $0x4, s7;
	s1 =	sadd.s32 $0x32, s25;
	[dreg:$0x5] =	wrdreg s26  }
0xf: {  	vm0 =	vmmov $0xffff;
	s24 =	simm.s32 $0x1;
	[dreg:$0x6] =	wrdreg s1;
	s26 =	simm.s32 $0xB  }
.LBB2_1:
0x10: {  	[dreg:$0xa] =	wrdreg s6  }
0x11: {  	s0 =	rddreg [dreg:$0x3];
	s1 =	simm.s32 $0x19320;
	s17 =	simm.s32 $0xD  }
0x12: {  	[tilespmem:s1], [sflag:$0xD] =	stream.linear.gather [hbm4b:s0+s3], $0x3200, $0x38;
	[tilespmem:$0x1C520] =	vst v63  }
0x13: {  	_ =	swait.ge [sflag:s17], $0x3200  }
0x14: {  	[sflag:s17] =	ssyncset.done $0x0  }
0x15: {  	s18 =	rddreg [dreg:$0x4];
	[sflag:s17] =	ssyncadd.s32 $0xFFFFCE00  }
0x16: {  	[tilespmem:s3], [sflag:$0x9] =	stream.linear.gather [hbm4b:s18+s3], $0xC8, $0x38;
	[tilespmem:$0x1C520] =	vst v63  }
0x17: {  	s21 =	simm.s32 $0xC8;
	s19 =	rddreg [dreg:$0x5]  }
0x18: {  	[tilespmem:s21], [sflag:$0xA] =	stream.linear.gather [hbm4b:s19+s3], $0xC8, $0x38;
	[tilespmem:$0x1C520] =	vst v63  }
0x19: {  	s25 =	simm.s32 $0x190;
	s23 =	rddreg [dreg:$0x6]  }
0x1a: {  	[tilespmem:s25], [sflag:$0xB] =	stream.linear.gather [hbm4b:s23+s3], $0xC8, $0x38;
	[tilespmem:$0x1C520] =	vst v63  }
0x1b: {  	_ =	swait.ge [sflag:s20], $0xC8  }
0x1c: {  	[sflag:s20] =	ssyncset.done $0x0  }
0x1d: {  	s28 =	simm.s32 $0x0;
	[sflag:s20] =	ssyncadd.s32 $0xFFFFFF38  }
0x1e: {  	v0 =	vld [tilespmem:s28+$0x0];
	_ =	sdelay $0x6  }
0x1f: {  	s29 =	simm.s32 $0x10;
	s0 =	simm.s32 $0x320  }
0x20: {  	[tilespmem:s0], [sflag:$0x1] =	stream.indirect_vreg.gather [hbm4b:s5+s3], $0x40, v0, vm0, $0xb8;
	v0 =	vld [tilespmem:s29+$0x0]  }
0x21: {  	s1 =	simm.s32 $0x80  }
.LBB2_2:
0x22: {  	p0 =	sne.s32 s1, $0x2C0;
	_ =	sdelay $0x2  }
.Ltmp0:
0x23: {  	(pc) =	sbr.rel @p0 .LBB2_2-.Ltmp0, $4  }
0x24: {  	_ = 	snop  }
0x25: {  	s6 =	sshra.s32 s1, $0x2;
	s0 =	sadd.s32 $0x400, s0  }
0x26: {  	[tilespmem:s0], [sflag:$0x1] =	stream.indirect_vreg.gather [hbm4b:s5+s3], $0x40, v0, vm0, $0xb8;
	v0 =	vld [tilespmem:s6+$0x0]  }
0x27: {  	s1 =	sadd.s32 $0x40, s1  }
0x28: {  	_ =	sdelay $0x5  }
0x29: {  	s0 =	sadd.s32 $0x400, s0  }
0x2a: {  	[tilespmem:s0], [sflag:$0x1] =	stream.indirect_vreg.gather [hbm4b:s5+s3], $0x40, v0, vm0, $0xb8;
	[tilespmem:$0x1C520] =	vst v63  }
0x2b: {  	v0 =	vld [tilespmem:$0xB8];
	_ =	sdelay $0x6  }
0x2c: {  	s25 =	simm.s32 $0x0;
	s1 =	simm.s32 $0x3120  }
0x2d: {  	[tilespmem:s1], [sflag:$0x1] =	stream.indirect_vreg.gather [hbm4b:s5+s25], $0x40, v0, vm0, $0xb8;
	[tilespmem:$0x1C520] =	vst v63  }
0x2e: {  	_ =	swait.ge [sflag:s22], $0xC8  }
0x2f: {  	[sflag:s22] =	ssyncset.done $0x0  }
0x30: {  	s28 =	simm.s32 $0x0;
	[sflag:s22] =	ssyncadd.s32 $0xFFFFFF38  }
0x31: {  	v0 =	vld [tilespmem:s28+$0xC8];
	_ =	sdelay $0x6  }
0x32: {  	s29 =	simm.s32 $0x10;
	s0 =	simm.s32 $0x3520  }
0x33: {  	[tilespmem:s0], [sflag:$0x2] =	stream.indirect_vreg.gather [hbm4b:s5+s3], $0x40, v0, vm0, $0xb8;
	v0 =	vld [tilespmem:s29+$0xC8]  }
0x34: {  	s1 =	simm.s32 $0x80  }
.LBB2_4:
0x35: {  	p0 =	sne.s32 s1, $0x2C0;
	_ =	sdelay $0x2  }
.Ltmp1:
0x36: {  	(pc) =	sbr.rel @p0 .LBB2_4-.Ltmp1, $4  }
0x37: {  	_ = 	snop  }
0x38: {  	s6 =	sshra.s32 s1, $0x2;
	s0 =	sadd.s32 $0x400, s0  }
0x39: {  	[tilespmem:s0], [sflag:$0x2] =	stream.indirect_vreg.gather [hbm4b:s5+s3], $0x40, v0, vm0, $0xb8;
	v0 =	vld [tilespmem:s6+$0xC8]  }
0x3a: {  	s1 =	sadd.s32 $0x40, s1  }
0x3b: {  	_ =	sdelay $0x5  }
0x3c: {  	s0 =	sadd.s32 $0x400, s0  }
0x3d: {  	[tilespmem:s0], [sflag:$0x2] =	stream.indirect_vreg.gather [hbm4b:s5+s3], $0x40, v0, vm0, $0xb8;
	[tilespmem:$0x1C520] =	vst v63  }
0x3e: {  	v0 =	vld [tilespmem:$0x180];
	_ =	sdelay $0x6  }
0x3f: {  	s1 =	simm.s32 $0x0;
	s29 =	simm.s32 $0x6320;
	s15 =	simm.s32 $0x0  }
0x40: {  	[tilespmem:s29], [sflag:$0x2] =	stream.indirect_vreg.gather [hbm4b:s5+s1], $0x40, v0, vm0, $0xb8;
	[tilespmem:$0x1C520] =	vst v63  }
.LBB2_6:
0x41: {  	_ =	swait.ge [sflag:s24], $0x3200  }
0x42: {  	s8 =	sshllo.u32 s15, $0x2;
	[sflag:s24] =	ssyncset.done $0x0  }
0x43: {  	s0 =	sadd.s32 s7, s8;
	[sflag:s24] =	ssyncadd.s32 $0xFFFFCE00  }
0x44: {  	s0 =	smul.u32 $0x19, s0;
	_ =	swait.ge [sflag:s24], $0x200  }
0x45: {  	s1 =	simm.s32 $0x258;
	[sflag:s24] =	ssyncset.done $0x0  }
0x46: {  	s6 =	simm.s32 $0x0;
	s0 =	sadd.s32 s4, s0;
	[sflag:s24] =	ssyncadd.s32 $0xFFFFFE00  }
0x47: {  	[tilespmem:s1], [sflag:$0xC] =	stream.linear.gather [hbm4b:s0+s6], $0xC8, $0x38;
	[tilespmem:$0x1C520] =	vst v63  }
0x48: {  	_ =	swait.ge [sflag:s26], $0xC8  }
0x49: {  	[sflag:s26] =	ssyncset.done $0x0  }
0x4a: {  	s28 =	simm.s32 $0x0;
	[sflag:s26] =	ssyncadd.s32 $0xFFFFFF38  }
0x4b: {  	v0 =	vld [tilespmem:s28+$0x190];
	_ =	sdelay $0x6  }
0x4c: {  	s29 =	simm.s32 $0x10;
	s0 =	simm.s32 $0x6720  }
0x4d: {  	[tilespmem:s0], [sflag:$0x3] =	stream.indirect_vreg.gather [hbm4b:s5+s3], $0x40, v0, vm0, $0xb8;
	v0 =	vld [tilespmem:s29+$0x190]  }
0x4e: {  	s18 =	sshll.u32 s15, $0x2;
	s1 =	simm.s32 $0x80  }
.LBB2_7:
0x4f: {  	p0 =	sne.s32 s1, $0x2C0;
	_ =	sdelay $0x2  }
.Ltmp2:
0x50: {  	(pc) =	sbr.rel @p0 .LBB2_7-.Ltmp2, $4  }
0x51: {  	_ = 	snop  }
0x52: {  	s6 =	sshra.s32 s1, $0x2;
	s0 =	sadd.s32 $0x400, s0  }
0x53: {  	[tilespmem:s0], [sflag:$0x3] =	stream.indirect_vreg.gather [hbm4b:s5+s3], $0x40, v0, vm0, $0xb8;
	v0 =	vld [tilespmem:s6+$0x190]  }
0x54: {  	s1 =	sadd.s32 $0x40, s1  }
0x55: {  	_ =	sdelay $0x5  }
0x56: {  	s0 =	sadd.s32 $0x400, s0  }
0x57: {  	[tilespmem:s0], [sflag:$0x3] =	stream.indirect_vreg.gather [hbm4b:s5+s3], $0x40, v0, vm0, $0xb8;
	[tilespmem:$0x1C520] =	vst v63  }
0x58: {  	v0 =	vld [tilespmem:$0x248];
	_ =	sdelay $0x5  }
0x59: {  	p0 =	seq.s32 s15, $0x0  }
0x5a: {  	s14 =	simm.s32 $0x9520;
	s0 =	simm.s32 @!p0 $0x5  }
0x5b: {  	[tilespmem:s14], [sflag:$0x3] =	stream.indirect_vreg.gather [hbm4b:s5+s3], $0x40, v0, vm0, $0xb8;
	[tilespmem:$0x1C520] =	vst v63  }
0x5c: {  	_ =	swait.ge @!p0 [sflag:s0], $0x3200  }
0x5d: {  	[sflag:s0] =	ssyncset.done @!p0 $0x0  }
0x5e: {  	s17 =	simm.s32 $0x3A0;
	[sflag:s0] =	ssyncadd.s32 @!p0 $0xFFFFCE00  }
0x5f: {  	v0 =	vld [tilespmem:s17+$0x0]  }
0x60: {  	s21 =	simm.s32 $0x193A0  }
0x61: {  	v1 =	vld [tilespmem:s21+$0x0];
	_ =	sdelay $0x2  }
0x62: {  	v0 =	vmul.f32 $1.250000000e-01, v0;
	_ =	sdelay $0x1  }
0x63: {  	v2 =	vld [tilespmem:s17+$0xFFFFFF80];
	v0 =	vadd.f32 v0, v1  }
0x64: {  	s19 =	simm.s32 $0xCBA0  }
0x65: {  	v1 =	vld [tilespmem:s21+$0xFFFFFF80];
	[tilespmem:s19+$0x0] =	vst v0  }
0x66: {  	v0 =	vld [tilespmem:s17+$0x10];
	_ =	sdelay $0x1  }
0x67: {  	v2 =	vmul.f32 $1.250000000e-01, v2;
	v3 =	vld [tilespmem:s21+$0x10];
	_ =	sdelay $0x1  }
0x68: {  	v1 =	vadd.f32 v2, v1  }
0x69: {  	v0 =	vmul.f32 $1.250000000e-01, v0  }
0x6a: {  	[tilespmem:s19+$0xFFFFFF80] =	vst v1  }
0x6b: {  	v1 =	vld [tilespmem:s17+$0xFFFFFF90];
	v0 =	vadd.f32 v0, v3;
	_ =	sdelay $0x1  }
0x6c: {  	v2 =	vld [tilespmem:s21+$0xFFFFFF90];
	[tilespmem:s19+$0x10] =	vst v0  }
0x6d: {  	v0 =	vld [tilespmem:s17+$0x20];
	_ =	sdelay $0x1  }
0x6e: {  	v1 =	vmul.f32 $1.250000000e-01, v1;
	v3 =	vld [tilespmem:s21+$0x20];
	_ =	sdelay $0x1  }
0x6f: {  	v1 =	vadd.f32 v1, v2  }
0x70: {  	v0 =	vmul.f32 $1.250000000e-01, v0  }
0x71: {  	[tilespmem:s19+$0xFFFFFF90] =	vst v1  }
0x72: {  	v1 =	vld [tilespmem:s17+$0xFFFFFFA0];
	v0 =	vadd.f32 v0, v3;
	_ =	sdelay $0x1  }
0x73: {  	v2 =	vld [tilespmem:s21+$0xFFFFFFA0];
	[tilespmem:s19+$0x20] =	vst v0  }
0x74: {  	s14 =	simm.s32 $0x4A0;
	v0 =	vld [tilespmem:s17+$0x30]  }
0x75: {  	v3 =	vld [tilespmem:s14+$0x0]  }
0x76: {  	s23 =	simm.s32 $0x194A0;
	v1 =	vmul.f32 $1.250000000e-01, v1;
	v4 =	vld [tilespmem:s21+$0x30]  }
0x77: {  	v5 =	vld [tilespmem:s23+$0x0]  }
0x78: {  	v1 =	vadd.f32 v1, v2  }
0x79: {  	v2 =	vld [tilespmem:s14+$0xFFFFFF80];
	v0 =	vmul.f32 $1.250000000e-01, v0  }
0x7a: {  	v3 =	vmul.f32 $1.250000000e-01, v3;
	[tilespmem:s19+$0xFFFFFFA0] =	vst v1;
	v1 =	vld [tilespmem:s23+$0xFFFFFF80]  }
0x7b: {  	v6 =	vld [tilespmem:s17+$0xFFFFFFB0];
	v0 =	vadd.f32 v0, v4  }
0x7c: {  	v3 =	vadd.f32 v3, v5  }
0x7d: {  	s13 =	simm.s32 $0xCCA0;
	v4 =	vld [tilespmem:s21+$0xFFFFFFB0];
	[tilespmem:s19+$0x30] =	vst v0  }
0x7e: {  	[tilespmem:s13+$0x0] =	vst v3;
	v0 =	vmul.f32 $1.250000000e-01, v2;
	v2 =	vld [tilespmem:s17+$0x40]  }
0x7f: {  	v3 =	vld [tilespmem:s14+$0x10]  }
0x80: {  	v5 =	vld [tilespmem:s21+$0x40];
	v0 =	vadd.f32 v0, v1;
	v1 =	vmul.f32 $1.250000000e-01, v6  }
0x81: {  	v6 =	vld [tilespmem:s23+$0x10]  }
0x82: {  	[tilespmem:s13+$0xFFFFFF80] =	vst v0;
	v0 =	vadd.f32 v1, v4  }
0x83: {  	v1 =	vld [tilespmem:s14+$0xFFFFFF90];
	v2 =	vmul.f32 $1.250000000e-01, v2  }
0x84: {  	v3 =	vmul.f32 $1.250000000e-01, v3;
	[tilespmem:s19+$0xFFFFFFB0] =	vst v0;
	v0 =	vld [tilespmem:s23+$0xFFFFFF90]  }
0x85: {  	v4 =	vld [tilespmem:s17+$0xFFFFFFC0];
	v2 =	vadd.f32 v2, v5  }
0x86: {  	v3 =	vadd.f32 v3, v6  }
0x87: {  	v5 =	vld [tilespmem:s21+$0xFFFFFFC0];
	[tilespmem:s19+$0x40] =	vst v2  }
0x88: {  	[tilespmem:s13+$0x10] =	vst v3;
	v1 =	vmul.f32 $1.250000000e-01, v1;
	v2 =	vld [tilespmem:s17+$0x50]  }
0x89: {  	v3 =	vld [tilespmem:s14+$0x20]  }
0x8a: {  	v0 =	vadd.f32 v1, v0;
	v1 =	vmul.f32 $1.250000000e-01, v4;
	v4 =	vld [tilespmem:s21+$0x50]  }
0x8b: {  	v6 =	vld [tilespmem:s23+$0x20]  }
0x8c: {  	[tilespmem:s13+$0xFFFFFF90] =	vst v0;
	v0 =	vadd.f32 v1, v5  }
0x8d: {  	v1 =	vld [tilespmem:s14+$0xFFFFFFA0];
	v2 =	vmul.f32 $1.250000000e-01, v2  }
0x8e: {  	v5 =	vld [tilespmem:s23+$0xFFFFFFA0];
	[tilespmem:s19+$0xFFFFFFC0] =	vst v0;
	v0 =	vmul.f32 $1.250000000e-01, v3  }
0x8f: {  	v3 =	vld [tilespmem:s17+$0xFFFFFFD0];
	v2 =	vadd.f32 v2, v4  }
0x90: {  	s25 =	simm.s32 $0x5A0;
	v4 =	vld [tilespmem:s21+$0xFFFFFFD0];
	v0 =	vadd.f32 v0, v6  }
0x91: {  	v6 =	vld [tilespmem:s25+$0x0];
	[tilespmem:s19+$0x50] =	vst v2  }
0x92: {  	[tilespmem:s13+$0x20] =	vst v0;
	v0 =	vld [tilespmem:s17+$0x60]  }
0x93: {  	v2 =	vld [tilespmem:s14+$0x30]  }
0x94: {  	v1 =	vmul.f32 $1.250000000e-01, v1;
	v7 =	vld [tilespmem:s21+$0x60]  }
0x95: {  	s29 =	simm.s32 $0x195A0;
	v8 =	vld [tilespmem:s23+$0x30]  }
0x96: {  	v1 =	vadd.f32 v1, v5;
	v3 =	vmul.f32 $1.250000000e-01, v3;
	v5 =	vld [tilespmem:s29+$0x0]  }
0x97: {  	v9 =	vld [tilespmem:s25+$0xFFFFFF80];
	v0 =	vmul.f32 $1.250000000e-01, v0  }
0x98: {  	[tilespmem:s13+$0xFFFFFFA0] =	vst v1;
	v1 =	vadd.f32 v3, v4;
	v3 =	vld [tilespmem:s29+$0xFFFFFF80];
	v2 =	vmul.f32 $1.250000000e-01, v2  }
0x99: {  	v6 =	vmul.f32 $1.250000000e-01, v6;
	v4 =	vld [tilespmem:s14+$0xFFFFFFB0];
	v0 =	vadd.f32 v0, v7  }
0x9a: {  	[tilespmem:s19+$0xFFFFFFD0] =	vst v1;
	v1 =	vld [tilespmem:s23+$0xFFFFFFB0];
	v2 =	vadd.f32 v2, v8  }
0x9b: {  	v7 =	vld [tilespmem:s17+$0xFFFFFFE0];
	[tilespmem:s19+$0x60] =	vst v0;
	v0 =	vadd.f32 v6, v5  }
0x9c: {  	s1 =	simm.s32 $0xCDA0;
	v5 =	vmul.f32 $1.250000000e-01, v9;
	[tilespmem:s13+$0x30] =	vst v2;
	v2 =	vld [tilespmem:s17+$0x70]  }
0x9d: {  	v6 =	vld [tilespmem:s14+$0x40];
	[tilespmem:s1+$0x0] =	vst v0  }
0x9e: {  	v0 =	vadd.f32 v5, v3;
	v3 =	vmul.f32 $1.250000000e-01, v4;
	v4 =	vld [tilespmem:s25+$0x10]  }
0x9f: {  	v5 =	vld [tilespmem:s23+$0x40]  }
0xa0: {  	[tilespmem:s1+$0xFFFFFF80] =	vst v0;
	v0 =	vadd.f32 v3, v1;
	v1 =	vld [tilespmem:s29+$0x10]  }
0xa1: {  	v3 =	vld [tilespmem:s25+$0xFFFFFF90]  }
0xa2: {  	[tilespmem:s13+$0xFFFFFFB0] =	vst v0;
	v0 =	vld [tilespmem:s29+$0xFFFFFF90];
	v6 =	vmul.f32 $1.250000000e-01, v6  }
0xa3: {  	v8 =	vld [tilespmem:s14+$0xFFFFFFC0];
	v4 =	vmul.f32 $1.250000000e-01, v4  }
0xa4: {  	v62 =	vld [tilespmem:s21+$0x70];
	v5 =	vadd.f32 v6, v5  }
0xa5: {  	v6 =	vld [tilespmem:s23+$0xFFFFFFC0];
	v1 =	vadd.f32 v4, v1  }
0xa6: {  	v4 =	vld [tilespmem:s21+$0xFFFFFFE0];
	v3 =	vmul.f32 $1.250000000e-01, v3;
	[tilespmem:s13+$0x40] =	vst v5  }
0xa7: {  	[tilespmem:s1+$0x10] =	vst v1;
	v1 =	vld [tilespmem:s14+$0x50]  }
0xa8: {  	v0 =	vadd.f32 v3, v0;
	v5 =	vmul.f32 $1.250000000e-01, v8;
	v3 =	vld [tilespmem:s25+$0x20]  }
0xa9: {  	v8 =	vld [tilespmem:s23+$0x50]  }
0xaa: {  	v7 =	vmul.f32 $1.250000000e-01, v7;
	[tilespmem:s1+$0xFFFFFF90] =	vst v0;
	v0 =	vld [tilespmem:s29+$0x20];
	v6 =	vadd.f32 v5, v6  }
0xab: {  	v2 =	vmul.f32 $1.250000000e-01, v2;
	v5 =	vld [tilespmem:s25+$0xFFFFFFA0]  }
0xac: {  	v7 =	vadd.f32 v7, v4;
	v4 =	vld [tilespmem:s29+$0xFFFFFFA0];
	[tilespmem:s13+$0xFFFFFFC0] =	vst v6;
	v63 =	vmul.f32 $1.250000000e-01, v1  }
0xad: {  	v6 =	vadd.f32 v2, v62;
	v2 =	vld [tilespmem:s14+$0xFFFFFFD0];
	v10 =	vmul.f32 $1.250000000e-01, v3  }
0xae: {  	s6 =	simm.s32 $0x4;
	[tilespmem:s19+$0xFFFFFFE0] =	vst v7;
	v1 =	vld [tilespmem:s23+$0xFFFFFFD0];
	v3 =	vadd.f32 v63, v8  }
0xaf: {  	s11 =	simm.s32 $0x6A0;
	s28 =	simm.s32 $0xCDA0;
	s0 =	simm.s32 $0x195A0;
	[tilespmem:s19+$0x70] =	vst v6;
	v6 =	vadd.f32 v10, v0;
	v0 =	vld [tilespmem:s17+$0xFFFFFFF0]  }
.LBB2_9:
0xb0: {  	v7 =	vld [tilespmem:s11+$0x0];
	v5 =	vmul.f32 $1.250000000e-01, v5;
	[tilespmem:s13+$0x50] =	vst v3  }
0xb1: {  	[tilespmem:s1+$0x20] =	vst v6;
	v3 =	vld [tilespmem:s14+$0x60]  }
0xb2: {  	v4 =	vadd.f32 v5, v4;
	v5 =	vld [tilespmem:s25+$0x30];
	v2 =	vmul.f32 $1.250000000e-01, v2  }
0xb3: {  	v6 =	vld [tilespmem:s23+$0x60]  }
0xb4: {  	[tilespmem:s1+$0xFFFFFFA0] =	vst v4;
	v4 =	vld [tilespmem:s29+$0x30];
	v1 =	vadd.f32 v2, v1;
	v0 =	vmul.f32 $1.250000000e-01, v0  }
0xb5: {  	s6 =	sadd.s32 $0x2, s6;
	s29 =	sadd.s32 $0x100, s29;
	v2 =	vld [tilespmem:s11+$0xFFFFFF80]  }
0xb6: {  	p1 =	slt.u32 s6, $0x62;
	v8 =	vld [tilespmem:s29+$0x0];
	[tilespmem:s13+$0xFFFFFFD0] =	vst v1;
	v1 =	vmul.f32 $1.250000000e-01, v3  }
0xb7: {  	v3 =	vld [tilespmem:s29+$0xFFFFFF80];
	v5 =	vmul.f32 $1.250000000e-01, v5  }
0xb8: {  	v9 =	vld [tilespmem:s25+$0xFFFFFFB0];
	v1 =	vadd.f32 v1, v6  }
0xb9: {  	v6 =	vmul.f32 $1.250000000e-01, v7;
	v7 =	vld [tilespmem:s0+$0xFFFFFFB0];
	v4 =	vadd.f32 v5, v4  }
0xba: {  	v2 =	vmul.f32 $1.250000000e-01, v2;
	v5 =	vld [tilespmem:s14+$0xFFFFFFE0];
	[tilespmem:s13+$0x60] =	vst v1  }
0xbb: {  	v1 =	vadd.f32 v6, v8;
	[tilespmem:s1+$0x30] =	vst v4;
	v4 =	vld [tilespmem:s14+$0x70]  }
0xbc: {  	s1 =	sadd.s32 $0x100, s1;
	v2 =	vadd.f32 v2, v3;
	v3 =	vld [tilespmem:s25+$0x40]  }
0xbd: {  	[tilespmem:s1+$0x0] =	vst v1;
	v1 =	vmul.f32 $1.250000000e-01, v9;
	v6 =	vld [tilespmem:s23+$0x70]  }
0xbe: {  	[tilespmem:s1+$0xFFFFFF80] =	vst v2;
	v2 =	vld [tilespmem:s11+$0x10]  }
0xbf: {  	v1 =	vadd.f32 v1, v7;
	v7 =	vld [tilespmem:s0+$0x40];
	v5 =	vmul.f32 $1.250000000e-01, v5  }
0xc0: {  	v8 =	vld [tilespmem:s29+$0x10];
	v4 =	vmul.f32 $1.250000000e-01, v4  }
0xc1: {  	v9 =	vld [tilespmem:s11+$0xFFFFFF90];
	[tilespmem:s28+$0xFFFFFFB0] =	vst v1  }
0xc2: {  	v3 =	vmul.f32 $1.250000000e-01, v3;
	v1 =	vld [tilespmem:s29+$0xFFFFFF90];
	v4 =	vadd.f32 v4, v6  }
0xc3: {  	v2 =	vmul.f32 $1.250000000e-01, v2;
	v6 =	vld [tilespmem:s25+$0xFFFFFFC0]  }
0xc4: {  	v10 =	vld [tilespmem:s0+$0xFFFFFFC0];
	v3 =	vadd.f32 v3, v7;
	[tilespmem:s13+$0x70] =	vst v4  }
0xc5: {  	v2 =	vadd.f32 v2, v8;
	v4 =	vld [tilespmem:s23+$0xFFFFFFE0]  }
0xc6: {  	v7 =	vmul.f32 $1.250000000e-01, v9;
	[tilespmem:s28+$0x40] =	vst v3;
	v3 =	vld [tilespmem:s21+$0xFFFFFFF0];
	s21 =	smov.u32 s23;
	s23 =	smov.u32 s0;
	s0 =	smov.u32 s29  }
0xc7: {  	[tilespmem:s1+$0x10] =	vst v2;
	v2 =	vld [tilespmem:s25+$0x50]  }
0xc8: {  	v1 =	vadd.f32 v7, v1;
	v7 =	vld [tilespmem:s11+$0x20];
	v6 =	vmul.f32 $1.250000000e-01, v6  }
0xc9: {  	v8 =	vld [tilespmem:s23+$0x50]  }
0xca: {  	[tilespmem:s1+$0xFFFFFF90] =	vst v1;
	v9 =	vld [tilespmem:s29+$0x20];
	v1 =	vadd.f32 v6, v10;
	v6 =	vadd.f32 v5, v4  }
.Ltmp3:
0xcb: {  	v5 =	vld [tilespmem:s11+$0xFFFFFFA0];
	v0 =	vadd.f32 v0, v3;
	(pc) =	sbr.rel @p1 .LBB2_9-.Ltmp3, $4  }
0xcc: {  	v4 =	vld [tilespmem:s29+$0xFFFFFFA0];
	[tilespmem:s28+$0xFFFFFFC0] =	vst v1;
	v3 =	vmul.f32 $1.250000000e-01, v2  }
0xcd: {  	v7 =	vmul.f32 $1.250000000e-01, v7;
	v2 =	vld [tilespmem:s25+$0xFFFFFFD0];
	[tilespmem:s13+$0xFFFFFFE0] =	vst v6  }
0xce: {  	v1 =	vld [tilespmem:s23+$0xFFFFFFD0];
	v3 =	vadd.f32 v3, v8;
	[tilespmem:s19+$0xFFFFFFF0] =	vst v0;
	s19 =	smov.u32 s13;
	s13 =	smov.u32 s28;
	s28 =	smov.u32 s1  }
0xcf: {  	v6 =	vadd.f32 v7, v9;
	v0 =	vld [tilespmem:s14+$0xFFFFFFF0];
	s14 =	smov.u32 s25;
	s25 =	smov.u32 s11;
	s11 =	sadd.s32 $0x100, s11  }
0xd0: {  	v5 =	vmul.f32 $1.250000000e-01, v5;
	_ =	sdelay $0x1  }
0xd1: {  	[tilespmem:s1+$0x20] =	vst v6;
	v4 =	vadd.f32 v5, v4  }
0xd2: {  	v46 =	vld [tilespmem:s25+$0x30]  }
0xd3: {  	v47 =	vld [tilespmem:s29+$0x30];
	[tilespmem:s1+$0xFFFFFFA0] =	vst v4  }
0xd4: {  	v48 =	vld [tilespmem:s25+$0xFFFFFFB0];
	_ =	sdelay $0x1  }
0xd5: {  	v7 =	vld [tilespmem:s0+$0xFFFFFFB0]  }
0xd6: {  	v5 =	vmul.f32 $1.250000000e-01, v46;
	_ =	sdelay $0x1  }
0xd7: {  	v4 =	vadd.f32 v5, v47;
	v49 =	vmul.f32 $1.250000000e-01, v48;
	_ =	sdelay $0x1  }
0xd8: {  	[tilespmem:s1+$0x30] =	vst v4;
	v50 =	vadd.f32 v49, v7  }
0xd9: {  	v51 =	vld [tilespmem:s25+$0x40]  }
0xda: {  	v52 =	vld [tilespmem:s0+$0x40];
	[tilespmem:s28+$0xFFFFFFB0] =	vst v50  }
0xdb: {  	v4 =	vld [tilespmem:s25+$0xFFFFFFC0];
	_ =	sdelay $0x1  }
0xdc: {  	v53 =	vld [tilespmem:s0+$0xFFFFFFC0]  }
0xdd: {  	v5 =	vmul.f32 $1.250000000e-01, v51;
	_ =	sdelay $0x1  }
0xde: {  	v5 =	vadd.f32 v5, v52;
	v4 =	vmul.f32 $1.250000000e-01, v4;
	_ =	sdelay $0x1  }
0xdf: {  	[tilespmem:s28+$0x40] =	vst v5;
	v4 =	vadd.f32 v4, v53  }
0xe0: {  	v5 =	vld [tilespmem:s25+$0x50]  }
0xe1: {  	v54 =	vld [tilespmem:s0+$0x50];
	[tilespmem:s28+$0xFFFFFFC0] =	vst v4  }
0xe2: {  	v4 =	vld [tilespmem:s25+$0xFFFFFFD0]  }
0xe3: {  	v2 =	vmul.f32 $1.250000000e-01, v2  }
0xe4: {  	v55 =	vld [tilespmem:s0+$0xFFFFFFD0]  }
0xe5: {  	v1 =	vadd.f32 v2, v1;
	v2 =	vmul.f32 $1.250000000e-01, v5  }
0xe6: {  	[tilespmem:s13+$0x50] =	vst v3  }
0xe7: {  	v3 =	vld [tilespmem:s14+$0x60];
	[tilespmem:s13+$0xFFFFFFD0] =	vst v1;
	v1 =	vadd.f32 v2, v54;
	v2 =	vmul.f32 $1.250000000e-01, v4  }
0xe8: {  	v56 =	vld [tilespmem:s23+$0x60]  }
0xe9: {  	v57 =	vld [tilespmem:s14+$0xFFFFFFE0];
	[tilespmem:s28+$0x50] =	vst v1;
	v1 =	vadd.f32 v2, v55  }
0xea: {  	v58 =	vld [tilespmem:s23+$0xFFFFFFE0]  }
0xeb: {  	v2 =	vld [tilespmem:s25+$0x60];
	[tilespmem:s28+$0xFFFFFFD0] =	vst v1  }
0xec: {  	v3 =	vmul.f32 $1.250000000e-01, v3;
	v1 =	vld [tilespmem:s25+$0xFFFFFFE0]  }
0xed: {  	v59 =	vld [tilespmem:s0+$0x60]  }
0xee: {  	v3 =	vadd.f32 v3, v56;
	v4 =	vmul.f32 $1.250000000e-01, v57;
	v60 =	vld [tilespmem:s0+$0xFFFFFFE0];
	_ =	sdelay $0x1  }
0xef: {  	v62 =	vld [tilespmem:s21+$0xFFFFFFF0];
	[tilespmem:s13+$0x60] =	vst v3;
	v4 =	vadd.f32 v4, v58;
	v2 =	vmul.f32 $1.250000000e-01, v2  }
0xf0: {  	v3 =	vld [tilespmem:s14+$0x70];
	v1 =	vmul.f32 $1.250000000e-01, v1  }
0xf1: {  	v61 =	vld [tilespmem:s23+$0x70];
	[tilespmem:s13+$0xFFFFFFE0] =	vst v4;
	v2 =	vadd.f32 v2, v59  }
0xf2: {  	v4 =	vld [tilespmem:s14+$0xFFFFFFF0];
	v1 =	vadd.f32 v1, v60  }
0xf3: {  	v8 =	vld [tilespmem:s23+$0xFFFFFFF0];
	[tilespmem:s28+$0x60] =	vst v2  }
0xf4: {  	v2 =	vld [tilespmem:s25+$0x70];
	[tilespmem:s28+$0xFFFFFFE0] =	vst v1  }
0xf5: {  	v1 =	vld [tilespmem:s25+$0xFFFFFFF0]  }
0xf6: {  	v0 =	vmul.f32 $1.250000000e-01, v0;
	v63 =	vld [tilespmem:s0+$0x70]  }
0xf7: {  	v3 =	vmul.f32 $1.250000000e-01, v3;
	v9 =	vld [tilespmem:s0+$0xFFFFFFF0]  }
0xf8: {  	v0 =	vadd.f32 v0, v62;
	v4 =	vmul.f32 $1.250000000e-01, v4  }
0xf9: {  	v3 =	vadd.f32 v3, v61;
	v2 =	vmul.f32 $1.250000000e-01, v2  }
0xfa: {  	[tilespmem:s19+$0xFFFFFFF0] =	vst v0;
	s23 =	smul.u32 $0x190, s15;
	v0 =	vadd.f32 v4, v8;
	v1 =	vmul.f32 $1.250000000e-01, v1  }
0xfb: {  	[tilespmem:s13+$0x70] =	vst v3;
	v2 =	vadd.f32 v2, v63  }
0xfc: {  	[tilespmem:s13+$0xFFFFFFF0] =	vst v0;
	s0 =	sadd.s32 s9, s23;
	v1 =	vadd.f32 v1, v9  }
0xfd: {  	s0 =	sshll.u32 s0, $0x4;
	[tilespmem:s28+$0x70] =	vst v2  }
0xfe: {  	s25 =	simm.s32 $0xCB20;
	s0 =	sadd.s32 s2, s0;
	[tilespmem:s28+$0xFFFFFFF0] =	vst v1  }
0xff: {  	[hbm4b:s0+s3] =	stream.linear.scatter [tilespmem:s25], [sflag:$0x5], $0x3200, $0x38;
	[tilespmem:$0x1C520] =	vst v63  }
0x100: {  	s19 =	sor.u32 $0x1, s18;
	_ =	swait.ge [sflag:s30], $0x3200  }
0x101: {  	p1 =	sgt.u32 s19, $0x7C;
	[sflag:s30] =	ssyncset.done $0x0  }
0x102: {  	s0 =	sadd.s32 @!p1 s18, s12;
	[sflag:s30] =	ssyncadd.s32 $0xFFFFCE00  }
0x103: {  	s0 =	smul.u32 @!p1 $0x19, s0;
	_ =	swait.ge [sflag:s30], $0x200  }
0x104: {  	[sflag:s30] =	ssyncset.done $0x0  }
0x105: {  	s1 =	simm.s32 @!p1 $0x0;
	s0 =	sadd.s32 @!p1 s4, s0;
	[sflag:s30] =	ssyncadd.s32 $0xFFFFFE00  }
0x106: {  	[tilespmem:s1], [sflag:$0x9] =	stream.linear.gather @!p1 [hbm4b:s0+s1], $0xC8, $0x38;
	[tilespmem:$0x1C520] =	vst v63  }
0x107: {  	_ =	swait.ge [sflag:s31], $0xC8  }
0x108: {  	[sflag:s31] =	ssyncset.done $0x0  }
0x109: {  	s28 =	simm.s32 $0x0;
	[sflag:s31] =	ssyncadd.s32 $0xFFFFFF38  }
0x10a: {  	v0 =	vld [tilespmem:s28+$0x258];
	_ =	sdelay $0x6  }
0x10b: {  	s29 =	simm.s32 $0x10;
	s0 =	simm.s32 $0x9920  }
0x10c: {  	[tilespmem:s0], [sflag:$0x4] =	stream.indirect_vreg.gather [hbm4b:s5+s3], $0x40, v0, vm0, $0xb8;
	v0 =	vld [tilespmem:s29+$0x258]  }
0x10d: {  	s1 =	simm.s32 $0x80  }
.LBB2_11:
0x10e: {  	p1 =	sne.s32 s1, $0x2C0;
	_ =	sdelay $0x2  }
.Ltmp4:
0x10f: {  	(pc) =	sbr.rel @p1 .LBB2_11-.Ltmp4, $4  }
0x110: {  	_ = 	snop  }
0x111: {  	s6 =	sshra.s32 s1, $0x2;
	s0 =	sadd.s32 $0x400, s0  }
0x112: {  	[tilespmem:s0], [sflag:$0x4] =	stream.indirect_vreg.gather [hbm4b:s5+s3], $0x40, v0, vm0, $0xb8;
	v0 =	vld [tilespmem:s6+$0x258]  }
0x113: {  	s1 =	sadd.s32 $0x40, s1  }
0x114: {  	_ =	sdelay $0x5  }
0x115: {  	s0 =	sadd.s32 $0x400, s0  }
0x116: {  	[tilespmem:s0], [sflag:$0x4] =	stream.indirect_vreg.gather [hbm4b:s5+s3], $0x40, v0, vm0, $0xb8;
	[tilespmem:$0x1C520] =	vst v63  }
0x117: {  	v0 =	vld [tilespmem:$0x310];
	_ =	sdelay $0x6  }
0x118: {  	s25 =	simm.s32 $0xC720;
	s0 =	simm.s32 @!p0 $0x6  }
0x119: {  	[tilespmem:s25], [sflag:$0x4] =	stream.indirect_vreg.gather [hbm4b:s5+s3], $0x40, v0, vm0, $0xb8;
	[tilespmem:$0x1C520] =	vst v63  }
0x11a: {  	_ =	swait.ge @!p0 [sflag:s0], $0x3200  }
0x11b: {  	[sflag:s0] =	ssyncset.done @!p0 $0x0  }
0x11c: {  	s1 =	simm.s32 $0x35A0;
	[sflag:s0] =	ssyncadd.s32 @!p0 $0xFFFFCE00  }
0x11d: {  	v0 =	vld [tilespmem:s1+$0x0]  }
0x11e: {  	s23 =	simm.s32 $0x193A0  }
0x11f: {  	v1 =	vld [tilespmem:s23+$0x0];
	_ =	sdelay $0x2  }
0x120: {  	v0 =	vmul.f32 $1.250000000e-01, v0;
	_ =	sdelay $0x1  }
0x121: {  	v2 =	vld [tilespmem:s1+$0xFFFFFF80];
	v0 =	vadd.f32 v0, v1  }
0x122: {  	s21 =	simm.s32 $0xFDA0  }
0x123: {  	v1 =	vld [tilespmem:s23+$0xFFFFFF80];
	[tilespmem:s21+$0x0] =	vst v0  }
0x124: {  	v0 =	vld [tilespmem:s1+$0x10];
	_ =	sdelay $0x1  }
0x125: {  	v2 =	vmul.f32 $1.250000000e-01, v2;
	v3 =	vld [tilespmem:s23+$0x10];
	_ =	sdelay $0x1  }
0x126: {  	v1 =	vadd.f32 v2, v1  }
0x127: {  	v0 =	vmul.f32 $1.250000000e-01, v0  }
0x128: {  	[tilespmem:s21+$0xFFFFFF80] =	vst v1  }
0x129: {  	v1 =	vld [tilespmem:s1+$0xFFFFFF90];
	v0 =	vadd.f32 v0, v3;
	_ =	sdelay $0x1  }
0x12a: {  	v2 =	vld [tilespmem:s23+$0xFFFFFF90];
	[tilespmem:s21+$0x10] =	vst v0  }
0x12b: {  	v0 =	vld [tilespmem:s1+$0x20];
	_ =	sdelay $0x1  }
0x12c: {  	v1 =	vmul.f32 $1.250000000e-01, v1;
	v3 =	vld [tilespmem:s23+$0x20];
	_ =	sdelay $0x1  }
0x12d: {  	v1 =	vadd.f32 v1, v2  }
0x12e: {  	v0 =	vmul.f32 $1.250000000e-01, v0  }
0x12f: {  	[tilespmem:s21+$0xFFFFFF90] =	vst v1  }
0x130: {  	v1 =	vld [tilespmem:s1+$0xFFFFFFA0];
	v0 =	vadd.f32 v0, v3;
	_ =	sdelay $0x1  }
0x131: {  	v2 =	vld [tilespmem:s23+$0xFFFFFFA0];
	[tilespmem:s21+$0x20] =	vst v0  }
0x132: {  	s25 =	simm.s32 $0x36A0;
	v0 =	vld [tilespmem:s1+$0x30]  }
0x133: {  	v3 =	vld [tilespmem:s25+$0x0]  }
0x134: {  	s14 =	simm.s32 $0x194A0;
	v1 =	vmul.f32 $1.250000000e-01, v1;
	v4 =	vld [tilespmem:s23+$0x30]  }
0x135: {  	v5 =	vld [tilespmem:s14+$0x0]  }
0x136: {  	v1 =	vadd.f32 v1, v2  }
0x137: {  	v2 =	vld [tilespmem:s25+$0xFFFFFF80];
	v0 =	vmul.f32 $1.250000000e-01, v0  }
0x138: {  	v3 =	vmul.f32 $1.250000000e-01, v3;
	[tilespmem:s21+$0xFFFFFFA0] =	vst v1;
	v1 =	vld [tilespmem:s14+$0xFFFFFF80]  }
0x139: {  	v6 =	vld [tilespmem:s1+$0xFFFFFFB0];
	v0 =	vadd.f32 v0, v4  }
0x13a: {  	v3 =	vadd.f32 v3, v5  }
0x13b: {  	s13 =	simm.s32 $0xFEA0;
	v4 =	vld [tilespmem:s23+$0xFFFFFFB0];
	[tilespmem:s21+$0x30] =	vst v0  }
0x13c: {  	[tilespmem:s13+$0x0] =	vst v3;
	v0 =	vmul.f32 $1.250000000e-01, v2;
	v2 =	vld [tilespmem:s1+$0x40]  }
0x13d: {  	v3 =	vld [tilespmem:s25+$0x10]  }
0x13e: {  	v5 =	vld [tilespmem:s23+$0x40];
	v0 =	vadd.f32 v0, v1;
	v1 =	vmul.f32 $1.250000000e-01, v6  }
0x13f: {  	v6 =	vld [tilespmem:s14+$0x10]  }
0x140: {  	[tilespmem:s13+$0xFFFFFF80] =	vst v0;
	v0 =	vadd.f32 v1, v4  }
0x141: {  	v1 =	vld [tilespmem:s25+$0xFFFFFF90];
	v2 =	vmul.f32 $1.250000000e-01, v2  }
0x142: {  	v3 =	vmul.f32 $1.250000000e-01, v3;
	[tilespmem:s21+$0xFFFFFFB0] =	vst v0;
	v0 =	vld [tilespmem:s14+$0xFFFFFF90]  }
0x143: {  	v4 =	vld [tilespmem:s1+$0xFFFFFFC0];
	v2 =	vadd.f32 v2, v5  }
0x144: {  	v3 =	vadd.f32 v3, v6  }
0x145: {  	v5 =	vld [tilespmem:s23+$0xFFFFFFC0];
	[tilespmem:s21+$0x40] =	vst v2  }
0x146: {  	[tilespmem:s13+$0x10] =	vst v3;
	v1 =	vmul.f32 $1.250000000e-01, v1;
	v2 =	vld [tilespmem:s1+$0x50]  }
0x147: {  	v3 =	vld [tilespmem:s25+$0x20]  }
0x148: {  	v0 =	vadd.f32 v1, v0;
	v1 =	vmul.f32 $1.250000000e-01, v4;
	v4 =	vld [tilespmem:s23+$0x50]  }
0x149: {  	v6 =	vld [tilespmem:s14+$0x20]  }
0x14a: {  	[tilespmem:s13+$0xFFFFFF90] =	vst v0;
	v0 =	vadd.f32 v1, v5  }
0x14b: {  	v1 =	vld [tilespmem:s25+$0xFFFFFFA0];
	v2 =	vmul.f32 $1.250000000e-01, v2  }
0x14c: {  	v5 =	vld [tilespmem:s14+$0xFFFFFFA0];
	[tilespmem:s21+$0xFFFFFFC0] =	vst v0;
	v0 =	vmul.f32 $1.250000000e-01, v3  }
0x14d: {  	v3 =	vld [tilespmem:s1+$0xFFFFFFD0];
	v2 =	vadd.f32 v2, v4  }
0x14e: {  	s28 =	simm.s32 $0x37A0;
	v4 =	vld [tilespmem:s23+$0xFFFFFFD0];
	v0 =	vadd.f32 v0, v6  }
0x14f: {  	v6 =	vld [tilespmem:s28+$0x0];
	[tilespmem:s21+$0x50] =	vst v2  }
0x150: {  	[tilespmem:s13+$0x20] =	vst v0;
	v0 =	vld [tilespmem:s1+$0x60]  }
0x151: {  	v2 =	vld [tilespmem:s25+$0x30]  }
0x152: {  	v1 =	vmul.f32 $1.250000000e-01, v1;
	v7 =	vld [tilespmem:s23+$0x60]  }
0x153: {  	s0 =	simm.s32 $0x195A0;
	v8 =	vld [tilespmem:s14+$0x30]  }
0x154: {  	v1 =	vadd.f32 v1, v5;
	v3 =	vmul.f32 $1.250000000e-01, v3;
	v5 =	vld [tilespmem:s0+$0x0]  }
0x155: {  	v9 =	vld [tilespmem:s28+$0xFFFFFF80];
	v0 =	vmul.f32 $1.250000000e-01, v0  }
0x156: {  	[tilespmem:s13+$0xFFFFFFA0] =	vst v1;
	v1 =	vadd.f32 v3, v4;
	v3 =	vld [tilespmem:s0+$0xFFFFFF80];
	v2 =	vmul.f32 $1.250000000e-01, v2  }
0x157: {  	v6 =	vmul.f32 $1.250000000e-01, v6;
	v4 =	vld [tilespmem:s25+$0xFFFFFFB0];
	v0 =	vadd.f32 v0, v7  }
0x158: {  	[tilespmem:s21+$0xFFFFFFD0] =	vst v1;
	v1 =	vld [tilespmem:s14+$0xFFFFFFB0];
	v2 =	vadd.f32 v2, v8  }
0x159: {  	v7 =	vld [tilespmem:s1+$0xFFFFFFE0];
	[tilespmem:s21+$0x60] =	vst v0;
	v0 =	vadd.f32 v6, v5  }
0x15a: {  	s6 =	simm.s32 $0xFFA0;
	v5 =	vmul.f32 $1.250000000e-01, v9;
	[tilespmem:s13+$0x30] =	vst v2;
	v2 =	vld [tilespmem:s1+$0x70]  }
0x15b: {  	v6 =	vld [tilespmem:s25+$0x40];
	[tilespmem:s6+$0x0] =	vst v0  }
0x15c: {  	v0 =	vadd.f32 v5, v3;
	v3 =	vmul.f32 $1.250000000e-01, v4;
	v4 =	vld [tilespmem:s28+$0x10]  }
0x15d: {  	v5 =	vld [tilespmem:s14+$0x40]  }
0x15e: {  	[tilespmem:s6+$0xFFFFFF80] =	vst v0;
	v0 =	vadd.f32 v3, v1;
	v1 =	vld [tilespmem:s0+$0x10]  }
0x15f: {  	v3 =	vld [tilespmem:s28+$0xFFFFFF90]  }
0x160: {  	[tilespmem:s13+$0xFFFFFFB0] =	vst v0;
	v0 =	vld [tilespmem:s0+$0xFFFFFF90];
	v6 =	vmul.f32 $1.250000000e-01, v6  }
0x161: {  	v8 =	vld [tilespmem:s25+$0xFFFFFFC0];
	v4 =	vmul.f32 $1.250000000e-01, v4  }
0x162: {  	v62 =	vld [tilespmem:s23+$0x70];
	v5 =	vadd.f32 v6, v5  }
0x163: {  	v6 =	vld [tilespmem:s14+$0xFFFFFFC0];
	v1 =	vadd.f32 v4, v1  }
0x164: {  	v4 =	vld [tilespmem:s23+$0xFFFFFFE0];
	v3 =	vmul.f32 $1.250000000e-01, v3;
	[tilespmem:s13+$0x40] =	vst v5  }
0x165: {  	[tilespmem:s6+$0x10] =	vst v1;
	v1 =	vld [tilespmem:s25+$0x50]  }
0x166: {  	v0 =	vadd.f32 v3, v0;
	v5 =	vmul.f32 $1.250000000e-01, v8;
	v3 =	vld [tilespmem:s28+$0x20]  }
0x167: {  	v8 =	vld [tilespmem:s14+$0x50]  }
0x168: {  	v7 =	vmul.f32 $1.250000000e-01, v7;
	[tilespmem:s6+$0xFFFFFF90] =	vst v0;
	v0 =	vld [tilespmem:s0+$0x20];
	v6 =	vadd.f32 v5, v6  }
0x169: {  	v2 =	vmul.f32 $1.250000000e-01, v2;
	v5 =	vld [tilespmem:s28+$0xFFFFFFA0]  }
0x16a: {  	v7 =	vadd.f32 v7, v4;
	v4 =	vld [tilespmem:s0+$0xFFFFFFA0];
	[tilespmem:s13+$0xFFFFFFC0] =	vst v6;
	v63 =	vmul.f32 $1.250000000e-01, v1  }
0x16b: {  	v6 =	vadd.f32 v2, v62;
	v2 =	vld [tilespmem:s25+$0xFFFFFFD0];
	v10 =	vmul.f32 $1.250000000e-01, v3  }
0x16c: {  	s11 =	simm.s32 $0x4;
	[tilespmem:s21+$0xFFFFFFE0] =	vst v7;
	v1 =	vld [tilespmem:s14+$0xFFFFFFD0];
	v3 =	vadd.f32 v63, v8  }
0x16d: {  	s17 =	simm.s32 $0x38A0;
	s29 =	simm.s32 $0xFFA0;
	[tilespmem:s21+$0x70] =	vst v6;
	v6 =	vadd.f32 v10, v0;
	v0 =	vld [tilespmem:s1+$0xFFFFFFF0];
	s1 =	simm.s32 $0x195A0  }
.LBB2_13:
0x16e: {  	v7 =	vld [tilespmem:s17+$0x0];
	v5 =	vmul.f32 $1.250000000e-01, v5;
	[tilespmem:s13+$0x50] =	vst v3  }
0x16f: {  	[tilespmem:s6+$0x20] =	vst v6;
	v3 =	vld [tilespmem:s25+$0x60]  }
0x170: {  	v4 =	vadd.f32 v5, v4;
	v5 =	vld [tilespmem:s28+$0x30];
	v2 =	vmul.f32 $1.250000000e-01, v2  }
0x171: {  	v6 =	vld [tilespmem:s14+$0x60]  }
0x172: {  	[tilespmem:s6+$0xFFFFFFA0] =	vst v4;
	v4 =	vld [tilespmem:s0+$0x30];
	v1 =	vadd.f32 v2, v1;
	v0 =	vmul.f32 $1.250000000e-01, v0  }
0x173: {  	s11 =	sadd.s32 $0x2, s11;
	s0 =	sadd.s32 $0x100, s0;
	v2 =	vld [tilespmem:s17+$0xFFFFFF80]  }
0x174: {  	p1 =	slt.u32 s11, $0x62;
	v8 =	vld [tilespmem:s0+$0x0];
	[tilespmem:s13+$0xFFFFFFD0] =	vst v1;
	v1 =	vmul.f32 $1.250000000e-01, v3  }
0x175: {  	v3 =	vld [tilespmem:s0+$0xFFFFFF80];
	v5 =	vmul.f32 $1.250000000e-01, v5  }
0x176: {  	v9 =	vld [tilespmem:s28+$0xFFFFFFB0];
	v1 =	vadd.f32 v1, v6  }
0x177: {  	v6 =	vmul.f32 $1.250000000e-01, v7;
	v7 =	vld [tilespmem:s1+$0xFFFFFFB0];
	v4 =	vadd.f32 v5, v4  }
0x178: {  	v2 =	vmul.f32 $1.250000000e-01, v2;
	v5 =	vld [tilespmem:s25+$0xFFFFFFE0];
	[tilespmem:s13+$0x60] =	vst v1  }
0x179: {  	v1 =	vadd.f32 v6, v8;
	[tilespmem:s6+$0x30] =	vst v4;
	v4 =	vld [tilespmem:s25+$0x70]  }
0x17a: {  	s6 =	sadd.s32 $0x100, s6;
	v2 =	vadd.f32 v2, v3;
	v3 =	vld [tilespmem:s28+$0x40]  }
0x17b: {  	[tilespmem:s6+$0x0] =	vst v1;
	v1 =	vmul.f32 $1.250000000e-01, v9;
	v6 =	vld [tilespmem:s14+$0x70]  }
0x17c: {  	[tilespmem:s6+$0xFFFFFF80] =	vst v2;
	v2 =	vld [tilespmem:s17+$0x10]  }
0x17d: {  	v1 =	vadd.f32 v1, v7;
	v7 =	vld [tilespmem:s1+$0x40];
	v5 =	vmul.f32 $1.250000000e-01, v5  }
0x17e: {  	v8 =	vld [tilespmem:s0+$0x10];
	v4 =	vmul.f32 $1.250000000e-01, v4  }
0x17f: {  	v9 =	vld [tilespmem:s17+$0xFFFFFF90];
	[tilespmem:s29+$0xFFFFFFB0] =	vst v1  }
0x180: {  	v3 =	vmul.f32 $1.250000000e-01, v3;
	v1 =	vld [tilespmem:s0+$0xFFFFFF90];
	v4 =	vadd.f32 v4, v6  }
0x181: {  	v2 =	vmul.f32 $1.250000000e-01, v2;
	v6 =	vld [tilespmem:s28+$0xFFFFFFC0]  }
0x182: {  	v10 =	vld [tilespmem:s1+$0xFFFFFFC0];
	v3 =	vadd.f32 v3, v7;
	[tilespmem:s13+$0x70] =	vst v4  }
0x183: {  	v2 =	vadd.f32 v2, v8;
	v4 =	vld [tilespmem:s14+$0xFFFFFFE0]  }
0x184: {  	v7 =	vmul.f32 $1.250000000e-01, v9;
	[tilespmem:s29+$0x40] =	vst v3;
	v3 =	vld [tilespmem:s23+$0xFFFFFFF0];
	s23 =	smov.u32 s14;
	s14 =	smov.u32 s1;
	s1 =	smov.u32 s0  }
0x185: {  	[tilespmem:s6+$0x10] =	vst v2;
	v2 =	vld [tilespmem:s28+$0x50]  }
0x186: {  	v1 =	vadd.f32 v7, v1;
	v7 =	vld [tilespmem:s17+$0x20];
	v6 =	vmul.f32 $1.250000000e-01, v6  }
0x187: {  	v8 =	vld [tilespmem:s14+$0x50]  }
0x188: {  	[tilespmem:s6+$0xFFFFFF90] =	vst v1;
	v9 =	vld [tilespmem:s0+$0x20];
	v1 =	vadd.f32 v6, v10;
	v6 =	vadd.f32 v5, v4  }
.Ltmp5:
0x189: {  	v5 =	vld [tilespmem:s17+$0xFFFFFFA0];
	v0 =	vadd.f32 v0, v3;
	(pc) =	sbr.rel @p1 .LBB2_13-.Ltmp5, $4  }
0x18a: {  	v4 =	vld [tilespmem:s0+$0xFFFFFFA0];
	[tilespmem:s29+$0xFFFFFFC0] =	vst v1;
	v3 =	vmul.f32 $1.250000000e-01, v2  }
0x18b: {  	v7 =	vmul.f32 $1.250000000e-01, v7;
	v2 =	vld [tilespmem:s28+$0xFFFFFFD0];
	[tilespmem:s13+$0xFFFFFFE0] =	vst v6  }
0x18c: {  	v1 =	vld [tilespmem:s14+$0xFFFFFFD0];
	v3 =	vadd.f32 v3, v8;
	[tilespmem:s21+$0xFFFFFFF0] =	vst v0;
	s21 =	smov.u32 s13;
	s13 =	smov.u32 s29;
	s29 =	smov.u32 s6  }
0x18d: {  	v6 =	vadd.f32 v7, v9;
	v0 =	vld [tilespmem:s25+$0xFFFFFFF0];
	s25 =	smov.u32 s28;
	s28 =	smov.u32 s17;
	s17 =	sadd.s32 $0x100, s17  }
0x18e: {  	v5 =	vmul.f32 $1.250000000e-01, v5;
	_ =	sdelay $0x1  }
0x18f: {  	v4 =	vadd.f32 v5, v4  }
0x190: {  	[tilespmem:s6+$0x20] =	vst v6  }
0x191: {  	v40 =	vld [tilespmem:s28+$0x30];
	[tilespmem:s6+$0xFFFFFFA0] =	vst v4  }
0x192: {  	v42 =	vld [tilespmem:s28+$0xFFFFFFB0]  }
0x193: {  	v41 =	vld [tilespmem:s0+$0x30]  }
0x194: {  	v7 =	vld [tilespmem:s1+$0xFFFFFFB0];
	_ =	sdelay $0x1  }
0x195: {  	v5 =	vmul.f32 $1.250000000e-01, v40  }
0x196: {  	v43 =	vmul.f32 $1.250000000e-01, v42  }
0x197: {  	v4 =	vadd.f32 v5, v41  }
0x198: {  	v44 =	vadd.f32 v43, v7  }
0x199: {  	[tilespmem:s6+$0x30] =	vst v4  }
0x19a: {  	v45 =	vld [tilespmem:s28+$0x40];
	[tilespmem:s29+$0xFFFFFFB0] =	vst v44  }
0x19b: {  	v4 =	vld [tilespmem:s28+$0xFFFFFFC0]  }
0x19c: {  	v46 =	vld [tilespmem:s1+$0x40]  }
0x19d: {  	v47 =	vld [tilespmem:s1+$0xFFFFFFC0];
	_ =	sdelay $0x1  }
0x19e: {  	v5 =	vmul.f32 $1.250000000e-01, v45  }
0x19f: {  	v4 =	vmul.f32 $1.250000000e-01, v4  }
0x1a0: {  	v5 =	vadd.f32 v5, v46  }
0x1a1: {  	v4 =	vadd.f32 v4, v47  }
0x1a2: {  	[tilespmem:s29+$0x40] =	vst v5  }
0x1a3: {  	v5 =	vld [tilespmem:s28+$0x50];
	[tilespmem:s29+$0xFFFFFFC0] =	vst v4  }
0x1a4: {  	v4 =	vld [tilespmem:s28+$0xFFFFFFD0]  }
0x1a5: {  	v48 =	vld [tilespmem:s1+$0x50]  }
0x1a6: {  	v2 =	vmul.f32 $1.250000000e-01, v2;
	v49 =	vld [tilespmem:s1+$0xFFFFFFD0];
	_ =	sdelay $0x1  }
0x1a7: {  	[tilespmem:s13+$0x50] =	vst v3;
	v1 =	vadd.f32 v2, v1;
	v50 =	vmul.f32 $1.250000000e-01, v5  }
0x1a8: {  	v3 =	vld [tilespmem:s25+$0x60];
	v53 =	vmul.f32 $1.250000000e-01, v4  }
0x1a9: {  	v51 =	vld [tilespmem:s14+$0x60];
	[tilespmem:s13+$0xFFFFFFD0] =	vst v1;
	v52 =	vadd.f32 v50, v48  }
0x1aa: {  	v54 =	vld [tilespmem:s25+$0xFFFFFFE0];
	v56 =	vadd.f32 v53, v49  }
0x1ab: {  	v55 =	vld [tilespmem:s14+$0xFFFFFFE0];
	[tilespmem:s29+$0x50] =	vst v52  }
0x1ac: {  	v57 =	vld [tilespmem:s28+$0x60];
	[tilespmem:s29+$0xFFFFFFD0] =	vst v56  }
0x1ad: {  	v3 =	vmul.f32 $1.250000000e-01, v3;
	v1 =	vld [tilespmem:s28+$0xFFFFFFE0]  }
0x1ae: {  	v58 =	vld [tilespmem:s1+$0x60]  }
0x1af: {  	v3 =	vadd.f32 v3, v51;
	v4 =	vmul.f32 $1.250000000e-01, v54;
	v59 =	vld [tilespmem:s1+$0xFFFFFFE0];
	_ =	sdelay $0x1  }
0x1b0: {  	v61 =	vld [tilespmem:s23+$0xFFFFFFF0];
	[tilespmem:s13+$0x60] =	vst v3;
	v4 =	vadd.f32 v4, v55;
	v2 =	vmul.f32 $1.250000000e-01, v57  }
0x1b1: {  	v3 =	vld [tilespmem:s25+$0x70];
	v1 =	vmul.f32 $1.250000000e-01, v1  }
0x1b2: {  	v60 =	vld [tilespmem:s14+$0x70];
	[tilespmem:s13+$0xFFFFFFE0] =	vst v4;
	v2 =	vadd.f32 v2, v58  }
0x1b3: {  	v4 =	vld [tilespmem:s25+$0xFFFFFFF0];
	v1 =	vadd.f32 v1, v59  }
0x1b4: {  	v8 =	vld [tilespmem:s14+$0xFFFFFFF0];
	[tilespmem:s29+$0x60] =	vst v2  }
0x1b5: {  	v2 =	vld [tilespmem:s28+$0x70];
	[tilespmem:s29+$0xFFFFFFE0] =	vst v1  }
0x1b6: {  	v1 =	vld [tilespmem:s28+$0xFFFFFFF0]  }
0x1b7: {  	v0 =	vmul.f32 $1.250000000e-01, v0;
	v62 =	vld [tilespmem:s1+$0x70]  }
0x1b8: {  	v3 =	vmul.f32 $1.250000000e-01, v3;
	v9 =	vld [tilespmem:s1+$0xFFFFFFF0]  }
0x1b9: {  	v0 =	vadd.f32 v0, v61;
	v4 =	vmul.f32 $1.250000000e-01, v4  }
0x1ba: {  	v3 =	vadd.f32 v3, v60;
	s28 =	smul.u32 $0x64, s19;
	v2 =	vmul.f32 $1.250000000e-01, v2  }
0x1bb: {  	[tilespmem:s21+$0xFFFFFFF0] =	vst v0;
	v63 =	vadd.f32 v4, v8;
	v1 =	vmul.f32 $1.250000000e-01, v1  }
0x1bc: {  	[tilespmem:s13+$0x70] =	vst v3;
	s0 =	sadd.s32 s9, s28;
	v2 =	vadd.f32 v2, v62  }
0x1bd: {  	[tilespmem:s13+$0xFFFFFFF0] =	vst v63;
	s0 =	sshll.u32 s0, $0x4;
	v1 =	vadd.f32 v1, v9  }
0x1be: {  	s0 =	sand.u32 $0x1FFFFF40, s0;
	[tilespmem:s29+$0x70] =	vst v2  }
0x1bf: {  	s19 =	sor.u32 $0x2, s18;
	s0 =	sadd.s32 s2, s0;
	[tilespmem:s29+$0xFFFFFFF0] =	vst v1;
	s29 =	simm.s32 $0xFD20  }
0x1c0: {  	[hbm4b:s0+s3] =	stream.linear.scatter [tilespmem:s29], [sflag:$0x6], $0x3200, $0x38;
	[tilespmem:$0x1C520] =	vst v63  }
0x1c1: {  	p1 =	sgt.u32 s19, $0x7C;
	_ =	swait.ge [sflag:s16], $0x3200  }
.Ltmp6:
0x1c2: {  	[sflag:s16] =	ssyncset.done $0x0;
	(pc) =	sbr.rel @p1 .LBB2_18-.Ltmp6, $4  }
0x1c3: {  	[sflag:s16] =	ssyncadd.s32 $0xFFFFCE00  }
0x1c4: {  	_ =	swait.ge [sflag:s16], $0x200  }
0x1c5: {  	[sflag:s16] =	ssyncset.done $0x0  }
0x1c6: {  	[sflag:s16] =	ssyncadd.s32 $0xFFFFFE00  }
0x1c7: {  	s0 =	rddreg [dreg:$0x7]  }
0x1c8: {  	s0 =	sadd.s32 s18, s0  }
0x1c9: {  	s0 =	smul.u32 $0x19, s0;
	_ =	sdelay $0x1  }
0x1ca: {  	s1 =	simm.s32 $0x0;
	s6 =	simm.s32 $0xC8;
	s0 =	sadd.s32 s4, s0  }
0x1cb: {  	[tilespmem:s6], [sflag:$0xA] =	stream.linear.gather [hbm4b:s0+s1], $0xC8, $0x38;
	[tilespmem:$0x1C520] =	vst v63  }
0x1cc: {  	_ =	swait.ge [sflag:s20], $0xC8  }
0x1cd: {  	[sflag:s20] =	ssyncset.done $0x0  }
0x1ce: {  	s28 =	simm.s32 $0x0;
	[sflag:s20] =	ssyncadd.s32 $0xFFFFFF38  }
0x1cf: {  	v0 =	vld [tilespmem:s28+$0x0];
	_ =	sdelay $0x6  }
0x1d0: {  	s29 =	simm.s32 $0x10;
	s0 =	simm.s32 $0x320  }
0x1d1: {  	[tilespmem:s0], [sflag:$0x1] =	stream.indirect_vreg.gather [hbm4b:s5+s3], $0x40, v0, vm0, $0xb8;
	v0 =	vld [tilespmem:s29+$0x0]  }
0x1d2: {  	s1 =	simm.s32 $0x80  }
.LBB2_16:
0x1d3: {  	p1 =	sne.s32 s1, $0x2C0;
	_ =	sdelay $0x2  }
.Ltmp7:
0x1d4: {  	(pc) =	sbr.rel @p1 .LBB2_16-.Ltmp7, $4  }
0x1d5: {  	_ = 	snop  }
0x1d6: {  	s6 =	sshra.s32 s1, $0x2;
	s0 =	sadd.s32 $0x400, s0  }
0x1d7: {  	[tilespmem:s0], [sflag:$0x1] =	stream.indirect_vreg.gather [hbm4b:s5+s3], $0x40, v0, vm0, $0xb8;
	v0 =	vld [tilespmem:s6+$0x0]  }
0x1d8: {  	s1 =	sadd.s32 $0x40, s1  }
0x1d9: {  	_ =	sdelay $0x5  }
0x1da: {  	s0 =	sadd.s32 $0x400, s0  }
0x1db: {  	[tilespmem:s0], [sflag:$0x1] =	stream.indirect_vreg.gather [hbm4b:s5+s3], $0x40, v0, vm0, $0xb8;
	[tilespmem:$0x1C520] =	vst v63  }
0x1dc: {  	v0 =	vld [tilespmem:$0xB8];
	_ =	sdelay $0x6  }
0x1dd: {  	s29 =	simm.s32 $0x3120  }
0x1de: {  	[tilespmem:s29], [sflag:$0x1] =	stream.indirect_vreg.gather [hbm4b:s5+s3], $0x40, v0, vm0, $0xb8;
	[tilespmem:$0x1C520] =	vst v63  }
.LBB2_18:
0x1df: {  	s0 =	simm.s32 @!p0 $0x7  }
0x1e0: {  	_ =	swait.ge @!p0 [sflag:s0], $0x3200  }
0x1e1: {  	[sflag:s0] =	ssyncset.done @!p0 $0x0  }
0x1e2: {  	s1 =	simm.s32 $0x67A0;
	[sflag:s0] =	ssyncadd.s32 @!p0 $0xFFFFCE00  }
0x1e3: {  	v0 =	vld [tilespmem:s1+$0x0]  }
0x1e4: {  	s23 =	simm.s32 $0x193A0  }
0x1e5: {  	v1 =	vld [tilespmem:s23+$0x0];
	_ =	sdelay $0x2  }
0x1e6: {  	v0 =	vmul.f32 $1.250000000e-01, v0;
	_ =	sdelay $0x1  }
0x1e7: {  	v2 =	vld [tilespmem:s1+$0xFFFFFF80];
	v0 =	vadd.f32 v0, v1  }
0x1e8: {  	s21 =	simm.s32 $0x12FA0  }
0x1e9: {  	v1 =	vld [tilespmem:s23+$0xFFFFFF80];
	[tilespmem:s21+$0x0] =	vst v0  }
0x1ea: {  	v0 =	vld [tilespmem:s1+$0x10];
	_ =	sdelay $0x1  }
0x1eb: {  	v2 =	vmul.f32 $1.250000000e-01, v2;
	v3 =	vld [tilespmem:s23+$0x10];
	_ =	sdelay $0x1  }
0x1ec: {  	v1 =	vadd.f32 v2, v1  }
0x1ed: {  	v0 =	vmul.f32 $1.250000000e-01, v0  }
0x1ee: {  	[tilespmem:s21+$0xFFFFFF80] =	vst v1  }
0x1ef: {  	v1 =	vld [tilespmem:s1+$0xFFFFFF90];
	v0 =	vadd.f32 v0, v3;
	_ =	sdelay $0x1  }
0x1f0: {  	v2 =	vld [tilespmem:s23+$0xFFFFFF90];
	[tilespmem:s21+$0x10] =	vst v0  }
0x1f1: {  	v0 =	vld [tilespmem:s1+$0x20];
	_ =	sdelay $0x1  }
0x1f2: {  	v1 =	vmul.f32 $1.250000000e-01, v1;
	v3 =	vld [tilespmem:s23+$0x20];
	_ =	sdelay $0x1  }
0x1f3: {  	v1 =	vadd.f32 v1, v2  }
0x1f4: {  	v0 =	vmul.f32 $1.250000000e-01, v0  }
0x1f5: {  	[tilespmem:s21+$0xFFFFFF90] =	vst v1  }
0x1f6: {  	v1 =	vld [tilespmem:s1+$0xFFFFFFA0];
	v0 =	vadd.f32 v0, v3;
	_ =	sdelay $0x1  }
0x1f7: {  	v2 =	vld [tilespmem:s23+$0xFFFFFFA0];
	[tilespmem:s21+$0x20] =	vst v0  }
0x1f8: {  	s25 =	simm.s32 $0x68A0;
	v0 =	vld [tilespmem:s1+$0x30]  }
0x1f9: {  	v3 =	vld [tilespmem:s25+$0x0]  }
0x1fa: {  	s14 =	simm.s32 $0x194A0;
	v1 =	vmul.f32 $1.250000000e-01, v1;
	v4 =	vld [tilespmem:s23+$0x30]  }
0x1fb: {  	v5 =	vld [tilespmem:s14+$0x0]  }
0x1fc: {  	v1 =	vadd.f32 v1, v2  }
0x1fd: {  	v2 =	vld [tilespmem:s25+$0xFFFFFF80];
	v0 =	vmul.f32 $1.250000000e-01, v0  }
0x1fe: {  	v3 =	vmul.f32 $1.250000000e-01, v3;
	[tilespmem:s21+$0xFFFFFFA0] =	vst v1;
	v1 =	vld [tilespmem:s14+$0xFFFFFF80]  }
0x1ff: {  	v6 =	vld [tilespmem:s1+$0xFFFFFFB0];
	v0 =	vadd.f32 v0, v4  }
0x200: {  	v3 =	vadd.f32 v3, v5  }
0x201: {  	s13 =	simm.s32 $0x130A0;
	v4 =	vld [tilespmem:s23+$0xFFFFFFB0];
	[tilespmem:s21+$0x30] =	vst v0  }
0x202: {  	[tilespmem:s13+$0x0] =	vst v3;
	v0 =	vmul.f32 $1.250000000e-01, v2;
	v2 =	vld [tilespmem:s1+$0x40]  }
0x203: {  	v3 =	vld [tilespmem:s25+$0x10]  }
0x204: {  	v5 =	vld [tilespmem:s23+$0x40];
	v0 =	vadd.f32 v0, v1;
	v1 =	vmul.f32 $1.250000000e-01, v6  }
0x205: {  	v6 =	vld [tilespmem:s14+$0x10]  }
0x206: {  	[tilespmem:s13+$0xFFFFFF80] =	vst v0;
	v0 =	vadd.f32 v1, v4  }
0x207: {  	v1 =	vld [tilespmem:s25+$0xFFFFFF90];
	v2 =	vmul.f32 $1.250000000e-01, v2  }
0x208: {  	v3 =	vmul.f32 $1.250000000e-01, v3;
	[tilespmem:s21+$0xFFFFFFB0] =	vst v0;
	v0 =	vld [tilespmem:s14+$0xFFFFFF90]  }
0x209: {  	v4 =	vld [tilespmem:s1+$0xFFFFFFC0];
	v2 =	vadd.f32 v2, v5  }
0x20a: {  	v3 =	vadd.f32 v3, v6  }
0x20b: {  	v5 =	vld [tilespmem:s23+$0xFFFFFFC0];
	[tilespmem:s21+$0x40] =	vst v2  }
0x20c: {  	[tilespmem:s13+$0x10] =	vst v3;
	v1 =	vmul.f32 $1.250000000e-01, v1;
	v2 =	vld [tilespmem:s1+$0x50]  }
0x20d: {  	v3 =	vld [tilespmem:s25+$0x20]  }
0x20e: {  	v0 =	vadd.f32 v1, v0;
	v1 =	vmul.f32 $1.250000000e-01, v4;
	v4 =	vld [tilespmem:s23+$0x50]  }
0x20f: {  	v6 =	vld [tilespmem:s14+$0x20]  }
0x210: {  	[tilespmem:s13+$0xFFFFFF90] =	vst v0;
	v0 =	vadd.f32 v1, v5  }
0x211: {  	v1 =	vld [tilespmem:s25+$0xFFFFFFA0];
	v2 =	vmul.f32 $1.250000000e-01, v2  }
0x212: {  	v5 =	vld [tilespmem:s14+$0xFFFFFFA0];
	[tilespmem:s21+$0xFFFFFFC0] =	vst v0;
	v0 =	vmul.f32 $1.250000000e-01, v3  }
0x213: {  	v3 =	vld [tilespmem:s1+$0xFFFFFFD0];
	v2 =	vadd.f32 v2, v4  }
0x214: {  	s28 =	simm.s32 $0x69A0;
	v4 =	vld [tilespmem:s23+$0xFFFFFFD0];
	v0 =	vadd.f32 v0, v6  }
0x215: {  	v6 =	vld [tilespmem:s28+$0x0];
	[tilespmem:s21+$0x50] =	vst v2  }
0x216: {  	[tilespmem:s13+$0x20] =	vst v0;
	v0 =	vld [tilespmem:s1+$0x60]  }
0x217: {  	v2 =	vld [tilespmem:s25+$0x30]  }
0x218: {  	v1 =	vmul.f32 $1.250000000e-01, v1;
	v7 =	vld [tilespmem:s23+$0x60]  }
0x219: {  	s0 =	simm.s32 $0x195A0;
	v8 =	vld [tilespmem:s14+$0x30]  }
0x21a: {  	v1 =	vadd.f32 v1, v5;
	v3 =	vmul.f32 $1.250000000e-01, v3;
	v5 =	vld [tilespmem:s0+$0x0]  }
0x21b: {  	v9 =	vld [tilespmem:s28+$0xFFFFFF80];
	v0 =	vmul.f32 $1.250000000e-01, v0  }
0x21c: {  	[tilespmem:s13+$0xFFFFFFA0] =	vst v1;
	v1 =	vadd.f32 v3, v4;
	v3 =	vld [tilespmem:s0+$0xFFFFFF80];
	v2 =	vmul.f32 $1.250000000e-01, v2  }
0x21d: {  	v6 =	vmul.f32 $1.250000000e-01, v6;
	v4 =	vld [tilespmem:s25+$0xFFFFFFB0];
	v0 =	vadd.f32 v0, v7  }
0x21e: {  	[tilespmem:s21+$0xFFFFFFD0] =	vst v1;
	v1 =	vld [tilespmem:s14+$0xFFFFFFB0];
	v2 =	vadd.f32 v2, v8  }
0x21f: {  	v7 =	vld [tilespmem:s1+$0xFFFFFFE0];
	[tilespmem:s21+$0x60] =	vst v0;
	v0 =	vadd.f32 v6, v5  }
0x220: {  	s6 =	simm.s32 $0x131A0;
	v5 =	vmul.f32 $1.250000000e-01, v9;
	[tilespmem:s13+$0x30] =	vst v2;
	v2 =	vld [tilespmem:s1+$0x70]  }
0x221: {  	v6 =	vld [tilespmem:s25+$0x40];
	[tilespmem:s6+$0x0] =	vst v0  }
0x222: {  	v0 =	vadd.f32 v5, v3;
	v3 =	vmul.f32 $1.250000000e-01, v4;
	v4 =	vld [tilespmem:s28+$0x10]  }
0x223: {  	v5 =	vld [tilespmem:s14+$0x40]  }
0x224: {  	[tilespmem:s6+$0xFFFFFF80] =	vst v0;
	v0 =	vadd.f32 v3, v1;
	v1 =	vld [tilespmem:s0+$0x10]  }
0x225: {  	v3 =	vld [tilespmem:s28+$0xFFFFFF90]  }
0x226: {  	[tilespmem:s13+$0xFFFFFFB0] =	vst v0;
	v0 =	vld [tilespmem:s0+$0xFFFFFF90];
	v6 =	vmul.f32 $1.250000000e-01, v6  }
0x227: {  	v8 =	vld [tilespmem:s25+$0xFFFFFFC0];
	v4 =	vmul.f32 $1.250000000e-01, v4  }
0x228: {  	v62 =	vld [tilespmem:s23+$0x70];
	v5 =	vadd.f32 v6, v5  }
0x229: {  	v6 =	vld [tilespmem:s14+$0xFFFFFFC0];
	v1 =	vadd.f32 v4, v1  }
0x22a: {  	v4 =	vld [tilespmem:s23+$0xFFFFFFE0];
	v3 =	vmul.f32 $1.250000000e-01, v3;
	[tilespmem:s13+$0x40] =	vst v5  }
0x22b: {  	[tilespmem:s6+$0x10] =	vst v1;
	v1 =	vld [tilespmem:s25+$0x50]  }
0x22c: {  	v0 =	vadd.f32 v3, v0;
	v5 =	vmul.f32 $1.250000000e-01, v8;
	v3 =	vld [tilespmem:s28+$0x20]  }
0x22d: {  	v8 =	vld [tilespmem:s14+$0x50]  }
0x22e: {  	v7 =	vmul.f32 $1.250000000e-01, v7;
	[tilespmem:s6+$0xFFFFFF90] =	vst v0;
	v0 =	vld [tilespmem:s0+$0x20];
	v6 =	vadd.f32 v5, v6  }
0x22f: {  	v2 =	vmul.f32 $1.250000000e-01, v2;
	v5 =	vld [tilespmem:s28+$0xFFFFFFA0]  }
0x230: {  	v7 =	vadd.f32 v7, v4;
	v4 =	vld [tilespmem:s0+$0xFFFFFFA0];
	[tilespmem:s13+$0xFFFFFFC0] =	vst v6;
	v63 =	vmul.f32 $1.250000000e-01, v1  }
0x231: {  	v6 =	vadd.f32 v2, v62;
	v2 =	vld [tilespmem:s25+$0xFFFFFFD0];
	v10 =	vmul.f32 $1.250000000e-01, v3  }
0x232: {  	s11 =	simm.s32 $0x4;
	[tilespmem:s21+$0xFFFFFFE0] =	vst v7;
	v1 =	vld [tilespmem:s14+$0xFFFFFFD0];
	v3 =	vadd.f32 v63, v8  }
0x233: {  	s17 =	simm.s32 $0x6AA0;
	s29 =	simm.s32 $0x131A0;
	[tilespmem:s21+$0x70] =	vst v6;
	v6 =	vadd.f32 v10, v0;
	v0 =	vld [tilespmem:s1+$0xFFFFFFF0];
	s1 =	simm.s32 $0x195A0  }
.LBB2_19:
0x234: {  	v7 =	vld [tilespmem:s17+$0x0];
	v5 =	vmul.f32 $1.250000000e-01, v5;
	[tilespmem:s13+$0x50] =	vst v3  }
0x235: {  	[tilespmem:s6+$0x20] =	vst v6;
	v3 =	vld [tilespmem:s25+$0x60]  }
0x236: {  	v4 =	vadd.f32 v5, v4;
	v5 =	vld [tilespmem:s28+$0x30];
	v2 =	vmul.f32 $1.250000000e-01, v2  }
0x237: {  	v6 =	vld [tilespmem:s14+$0x60]  }
0x238: {  	[tilespmem:s6+$0xFFFFFFA0] =	vst v4;
	v4 =	vld [tilespmem:s0+$0x30];
	v1 =	vadd.f32 v2, v1;
	v0 =	vmul.f32 $1.250000000e-01, v0  }
0x239: {  	s11 =	sadd.s32 $0x2, s11;
	s0 =	sadd.s32 $0x100, s0;
	v2 =	vld [tilespmem:s17+$0xFFFFFF80]  }
0x23a: {  	p1 =	slt.u32 s11, $0x62;
	v8 =	vld [tilespmem:s0+$0x0];
	[tilespmem:s13+$0xFFFFFFD0] =	vst v1;
	v1 =	vmul.f32 $1.250000000e-01, v3  }
0x23b: {  	v3 =	vld [tilespmem:s0+$0xFFFFFF80];
	v5 =	vmul.f32 $1.250000000e-01, v5  }
0x23c: {  	v9 =	vld [tilespmem:s28+$0xFFFFFFB0];
	v1 =	vadd.f32 v1, v6  }
0x23d: {  	v6 =	vmul.f32 $1.250000000e-01, v7;
	v7 =	vld [tilespmem:s1+$0xFFFFFFB0];
	v4 =	vadd.f32 v5, v4  }
0x23e: {  	v2 =	vmul.f32 $1.250000000e-01, v2;
	v5 =	vld [tilespmem:s25+$0xFFFFFFE0];
	[tilespmem:s13+$0x60] =	vst v1  }
0x23f: {  	v1 =	vadd.f32 v6, v8;
	[tilespmem:s6+$0x30] =	vst v4;
	v4 =	vld [tilespmem:s25+$0x70]  }
0x240: {  	s6 =	sadd.s32 $0x100, s6;
	v2 =	vadd.f32 v2, v3;
	v3 =	vld [tilespmem:s28+$0x40]  }
0x241: {  	[tilespmem:s6+$0x0] =	vst v1;
	v1 =	vmul.f32 $1.250000000e-01, v9;
	v6 =	vld [tilespmem:s14+$0x70]  }
0x242: {  	[tilespmem:s6+$0xFFFFFF80] =	vst v2;
	v2 =	vld [tilespmem:s17+$0x10]  }
0x243: {  	v1 =	vadd.f32 v1, v7;
	v7 =	vld [tilespmem:s1+$0x40];
	v5 =	vmul.f32 $1.250000000e-01, v5  }
0x244: {  	v8 =	vld [tilespmem:s0+$0x10];
	v4 =	vmul.f32 $1.250000000e-01, v4  }
0x245: {  	v9 =	vld [tilespmem:s17+$0xFFFFFF90];
	[tilespmem:s29+$0xFFFFFFB0] =	vst v1  }
0x246: {  	v3 =	vmul.f32 $1.250000000e-01, v3;
	v1 =	vld [tilespmem:s0+$0xFFFFFF90];
	v4 =	vadd.f32 v4, v6  }
0x247: {  	v2 =	vmul.f32 $1.250000000e-01, v2;
	v6 =	vld [tilespmem:s28+$0xFFFFFFC0]  }
0x248: {  	v10 =	vld [tilespmem:s1+$0xFFFFFFC0];
	v3 =	vadd.f32 v3, v7;
	[tilespmem:s13+$0x70] =	vst v4  }
0x249: {  	v2 =	vadd.f32 v2, v8;
	v4 =	vld [tilespmem:s14+$0xFFFFFFE0]  }
0x24a: {  	v7 =	vmul.f32 $1.250000000e-01, v9;
	[tilespmem:s29+$0x40] =	vst v3;
	v3 =	vld [tilespmem:s23+$0xFFFFFFF0];
	s23 =	smov.u32 s14;
	s14 =	smov.u32 s1;
	s1 =	smov.u32 s0  }
0x24b: {  	[tilespmem:s6+$0x10] =	vst v2;
	v2 =	vld [tilespmem:s28+$0x50]  }
0x24c: {  	v1 =	vadd.f32 v7, v1;
	v7 =	vld [tilespmem:s17+$0x20];
	v6 =	vmul.f32 $1.250000000e-01, v6  }
0x24d: {  	v8 =	vld [tilespmem:s14+$0x50]  }
0x24e: {  	[tilespmem:s6+$0xFFFFFF90] =	vst v1;
	v9 =	vld [tilespmem:s0+$0x20];
	v1 =	vadd.f32 v6, v10;
	v6 =	vadd.f32 v5, v4  }
.Ltmp8:
0x24f: {  	v5 =	vld [tilespmem:s17+$0xFFFFFFA0];
	v0 =	vadd.f32 v0, v3;
	(pc) =	sbr.rel @p1 .LBB2_19-.Ltmp8, $4  }
0x250: {  	v4 =	vld [tilespmem:s0+$0xFFFFFFA0];
	[tilespmem:s29+$0xFFFFFFC0] =	vst v1;
	v3 =	vmul.f32 $1.250000000e-01, v2  }
0x251: {  	v7 =	vmul.f32 $1.250000000e-01, v7;
	v2 =	vld [tilespmem:s28+$0xFFFFFFD0];
	[tilespmem:s13+$0xFFFFFFE0] =	vst v6  }
0x252: {  	v1 =	vld [tilespmem:s14+$0xFFFFFFD0];
	v3 =	vadd.f32 v3, v8;
	[tilespmem:s21+$0xFFFFFFF0] =	vst v0;
	s21 =	smov.u32 s13;
	s13 =	smov.u32 s29;
	s29 =	smov.u32 s6  }
0x253: {  	v6 =	vadd.f32 v7, v9;
	v0 =	vld [tilespmem:s25+$0xFFFFFFF0];
	s25 =	smov.u32 s28;
	s28 =	smov.u32 s17;
	s17 =	sadd.s32 $0x100, s17  }
0x254: {  	v5 =	vmul.f32 $1.250000000e-01, v5;
	_ =	sdelay $0x1  }
0x255: {  	v4 =	vadd.f32 v5, v4  }
0x256: {  	[tilespmem:s6+$0x20] =	vst v6  }
0x257: {  	v40 =	vld [tilespmem:s28+$0x30];
	[tilespmem:s6+$0xFFFFFFA0] =	vst v4  }
0x258: {  	v42 =	vld [tilespmem:s28+$0xFFFFFFB0]  }
0x259: {  	v41 =	vld [tilespmem:s0+$0x30]  }
0x25a: {  	v7 =	vld [tilespmem:s1+$0xFFFFFFB0];
	_ =	sdelay $0x1  }
0x25b: {  	v5 =	vmul.f32 $1.250000000e-01, v40  }
0x25c: {  	v43 =	vmul.f32 $1.250000000e-01, v42  }
0x25d: {  	v4 =	vadd.f32 v5, v41  }
0x25e: {  	v44 =	vadd.f32 v43, v7  }
0x25f: {  	[tilespmem:s6+$0x30] =	vst v4  }
0x260: {  	v45 =	vld [tilespmem:s28+$0x40];
	[tilespmem:s29+$0xFFFFFFB0] =	vst v44  }
0x261: {  	v4 =	vld [tilespmem:s28+$0xFFFFFFC0]  }
0x262: {  	v46 =	vld [tilespmem:s1+$0x40]  }
0x263: {  	v47 =	vld [tilespmem:s1+$0xFFFFFFC0];
	_ =	sdelay $0x1  }
0x264: {  	v5 =	vmul.f32 $1.250000000e-01, v45  }
0x265: {  	v4 =	vmul.f32 $1.250000000e-01, v4  }
0x266: {  	v5 =	vadd.f32 v5, v46  }
0x267: {  	v4 =	vadd.f32 v4, v47  }
0x268: {  	[tilespmem:s29+$0x40] =	vst v5  }
0x269: {  	v5 =	vld [tilespmem:s28+$0x50];
	[tilespmem:s29+$0xFFFFFFC0] =	vst v4  }
0x26a: {  	v4 =	vld [tilespmem:s28+$0xFFFFFFD0]  }
0x26b: {  	v48 =	vld [tilespmem:s1+$0x50]  }
0x26c: {  	v2 =	vmul.f32 $1.250000000e-01, v2;
	v49 =	vld [tilespmem:s1+$0xFFFFFFD0];
	_ =	sdelay $0x1  }
0x26d: {  	[tilespmem:s13+$0x50] =	vst v3;
	v1 =	vadd.f32 v2, v1;
	v50 =	vmul.f32 $1.250000000e-01, v5  }
0x26e: {  	v3 =	vld [tilespmem:s25+$0x60];
	v53 =	vmul.f32 $1.250000000e-01, v4  }
0x26f: {  	v51 =	vld [tilespmem:s14+$0x60];
	[tilespmem:s13+$0xFFFFFFD0] =	vst v1;
	v52 =	vadd.f32 v50, v48  }
0x270: {  	v54 =	vld [tilespmem:s25+$0xFFFFFFE0];
	v56 =	vadd.f32 v53, v49  }
0x271: {  	v55 =	vld [tilespmem:s14+$0xFFFFFFE0];
	[tilespmem:s29+$0x50] =	vst v52  }
0x272: {  	v57 =	vld [tilespmem:s28+$0x60];
	[tilespmem:s29+$0xFFFFFFD0] =	vst v56  }
0x273: {  	v3 =	vmul.f32 $1.250000000e-01, v3;
	v1 =	vld [tilespmem:s28+$0xFFFFFFE0]  }
0x274: {  	v58 =	vld [tilespmem:s1+$0x60]  }
0x275: {  	v3 =	vadd.f32 v3, v51;
	v4 =	vmul.f32 $1.250000000e-01, v54;
	v59 =	vld [tilespmem:s1+$0xFFFFFFE0];
	_ =	sdelay $0x1  }
0x276: {  	v61 =	vld [tilespmem:s23+$0xFFFFFFF0];
	[tilespmem:s13+$0x60] =	vst v3;
	v4 =	vadd.f32 v4, v55;
	v2 =	vmul.f32 $1.250000000e-01, v57  }
0x277: {  	v3 =	vld [tilespmem:s25+$0x70];
	v1 =	vmul.f32 $1.250000000e-01, v1  }
0x278: {  	v60 =	vld [tilespmem:s14+$0x70];
	[tilespmem:s13+$0xFFFFFFE0] =	vst v4;
	v2 =	vadd.f32 v2, v58  }
0x279: {  	v4 =	vld [tilespmem:s25+$0xFFFFFFF0];
	v1 =	vadd.f32 v1, v59  }
0x27a: {  	v8 =	vld [tilespmem:s14+$0xFFFFFFF0];
	[tilespmem:s29+$0x60] =	vst v2  }
0x27b: {  	v2 =	vld [tilespmem:s28+$0x70];
	[tilespmem:s29+$0xFFFFFFE0] =	vst v1  }
0x27c: {  	v1 =	vld [tilespmem:s28+$0xFFFFFFF0]  }
0x27d: {  	v0 =	vmul.f32 $1.250000000e-01, v0;
	v62 =	vld [tilespmem:s1+$0x70]  }
0x27e: {  	v3 =	vmul.f32 $1.250000000e-01, v3;
	v9 =	vld [tilespmem:s1+$0xFFFFFFF0]  }
0x27f: {  	v0 =	vadd.f32 v0, v61;
	v4 =	vmul.f32 $1.250000000e-01, v4  }
0x280: {  	v3 =	vadd.f32 v3, v60;
	s28 =	smul.u32 $0x64, s19;
	v2 =	vmul.f32 $1.250000000e-01, v2  }
0x281: {  	[tilespmem:s21+$0xFFFFFFF0] =	vst v0;
	v63 =	vadd.f32 v4, v8;
	v1 =	vmul.f32 $1.250000000e-01, v1  }
0x282: {  	[tilespmem:s13+$0x70] =	vst v3;
	s0 =	sadd.s32 s9, s28;
	v2 =	vadd.f32 v2, v62  }
0x283: {  	[tilespmem:s13+$0xFFFFFFF0] =	vst v63;
	s0 =	sshll.u32 s0, $0x4;
	v1 =	vadd.f32 v1, v9  }
0x284: {  	s0 =	sand.u32 $0x1FFFFF80, s0;
	[tilespmem:s29+$0x70] =	vst v2  }
0x285: {  	s0 =	sadd.s32 s2, s0;
	[tilespmem:s29+$0xFFFFFFF0] =	vst v1;
	s29 =	simm.s32 $0x12F20  }
0x286: {  	[hbm4b:s0+s3] =	stream.linear.scatter [tilespmem:s29], [sflag:$0x7], $0x3200, $0x38;
	[tilespmem:$0x1C520] =	vst v63  }
0x287: {  	p1 =	sgt.u32 s8, $0x7C;
	_ =	swait.ge [sflag:s10], $0x3200  }
.Ltmp9:
0x288: {  	[sflag:s10] =	ssyncset.done $0x0;
	(pc) =	sbr.rel @p1 .LBB2_24-.Ltmp9, $4  }
0x289: {  	[sflag:s10] =	ssyncadd.s32 $0xFFFFCE00  }
0x28a: {  	_ =	swait.ge [sflag:s10], $0x200  }
0x28b: {  	[sflag:s10] =	ssyncset.done $0x0  }
0x28c: {  	[sflag:s10] =	ssyncadd.s32 $0xFFFFFE00  }
0x28d: {  	s0 =	rddreg [dreg:$0x8]  }
0x28e: {  	s0 =	sadd.s32 s18, s0  }
0x28f: {  	s0 =	smul.u32 $0x19, s0;
	_ =	sdelay $0x1  }
0x290: {  	s1 =	simm.s32 $0x0;
	s6 =	simm.s32 $0x190;
	s0 =	sadd.s32 s4, s0  }
0x291: {  	[tilespmem:s6], [sflag:$0xB] =	stream.linear.gather [hbm4b:s0+s1], $0xC8, $0x38;
	[tilespmem:$0x1C520] =	vst v63  }
0x292: {  	_ =	swait.ge [sflag:s22], $0xC8  }
0x293: {  	[sflag:s22] =	ssyncset.done $0x0  }
0x294: {  	s28 =	simm.s32 $0x0;
	[sflag:s22] =	ssyncadd.s32 $0xFFFFFF38  }
0x295: {  	v0 =	vld [tilespmem:s28+$0xC8];
	_ =	sdelay $0x6  }
0x296: {  	s29 =	simm.s32 $0x10;
	s0 =	simm.s32 $0x3520  }
0x297: {  	[tilespmem:s0], [sflag:$0x2] =	stream.indirect_vreg.gather [hbm4b:s5+s3], $0x40, v0, vm0, $0xb8;
	v0 =	vld [tilespmem:s29+$0xC8]  }
0x298: {  	s1 =	simm.s32 $0x80  }
.LBB2_22:
0x299: {  	p1 =	sne.s32 s1, $0x2C0;
	_ =	sdelay $0x2  }
.Ltmp10:
0x29a: {  	(pc) =	sbr.rel @p1 .LBB2_22-.Ltmp10, $4  }
0x29b: {  	_ = 	snop  }
0x29c: {  	s6 =	sshra.s32 s1, $0x2;
	s0 =	sadd.s32 $0x400, s0  }
0x29d: {  	[tilespmem:s0], [sflag:$0x2] =	stream.indirect_vreg.gather [hbm4b:s5+s3], $0x40, v0, vm0, $0xb8;
	v0 =	vld [tilespmem:s6+$0xC8]  }
0x29e: {  	s1 =	sadd.s32 $0x40, s1  }
0x29f: {  	_ =	sdelay $0x5  }
0x2a0: {  	s0 =	sadd.s32 $0x400, s0  }
0x2a1: {  	[tilespmem:s0], [sflag:$0x2] =	stream.indirect_vreg.gather [hbm4b:s5+s3], $0x40, v0, vm0, $0xb8;
	[tilespmem:$0x1C520] =	vst v63  }
0x2a2: {  	v0 =	vld [tilespmem:$0x180];
	_ =	sdelay $0x6  }
0x2a3: {  	s29 =	simm.s32 $0x6320  }
0x2a4: {  	[tilespmem:s29], [sflag:$0x2] =	stream.indirect_vreg.gather [hbm4b:s5+s3], $0x40, v0, vm0, $0xb8;
	[tilespmem:$0x1C520] =	vst v63  }
.LBB2_24:
0x2a5: {  	s0 =	simm.s32 @!p0 $0x8  }
0x2a6: {  	_ =	swait.ge @!p0 [sflag:s0], $0x3200  }
0x2a7: {  	[sflag:s0] =	ssyncset.done @!p0 $0x0  }
0x2a8: {  	s1 =	simm.s32 $0x99A0;
	[sflag:s0] =	ssyncadd.s32 @!p0 $0xFFFFCE00  }
0x2a9: {  	v0 =	vld [tilespmem:s1+$0x0]  }
0x2aa: {  	s19 =	simm.s32 $0x193A0  }
0x2ab: {  	v1 =	vld [tilespmem:s19+$0x0];
	_ =	sdelay $0x2  }
0x2ac: {  	v0 =	vmul.f32 $1.250000000e-01, v0;
	_ =	sdelay $0x1  }
0x2ad: {  	v2 =	vld [tilespmem:s1+$0xFFFFFF80];
	v0 =	vadd.f32 v0, v1  }
0x2ae: {  	s18 =	simm.s32 $0x161A0  }
0x2af: {  	v1 =	vld [tilespmem:s19+$0xFFFFFF80];
	[tilespmem:s18+$0x0] =	vst v0  }
0x2b0: {  	v0 =	vld [tilespmem:s1+$0x10];
	_ =	sdelay $0x1  }
0x2b1: {  	v2 =	vmul.f32 $1.250000000e-01, v2;
	v3 =	vld [tilespmem:s19+$0x10];
	_ =	sdelay $0x1  }
0x2b2: {  	v1 =	vadd.f32 v2, v1  }
0x2b3: {  	v0 =	vmul.f32 $1.250000000e-01, v0  }
0x2b4: {  	[tilespmem:s18+$0xFFFFFF80] =	vst v1  }
0x2b5: {  	v1 =	vld [tilespmem:s1+$0xFFFFFF90];
	v0 =	vadd.f32 v0, v3;
	_ =	sdelay $0x1  }
0x2b6: {  	v2 =	vld [tilespmem:s19+$0xFFFFFF90];
	[tilespmem:s18+$0x10] =	vst v0  }
0x2b7: {  	v0 =	vld [tilespmem:s1+$0x20];
	_ =	sdelay $0x1  }
0x2b8: {  	v1 =	vmul.f32 $1.250000000e-01, v1;
	v3 =	vld [tilespmem:s19+$0x20];
	_ =	sdelay $0x1  }
0x2b9: {  	v1 =	vadd.f32 v1, v2  }
0x2ba: {  	v0 =	vmul.f32 $1.250000000e-01, v0  }
0x2bb: {  	[tilespmem:s18+$0xFFFFFF90] =	vst v1  }
0x2bc: {  	v1 =	vld [tilespmem:s1+$0xFFFFFFA0];
	v0 =	vadd.f32 v0, v3;
	_ =	sdelay $0x1  }
0x2bd: {  	v2 =	vld [tilespmem:s19+$0xFFFFFFA0];
	[tilespmem:s18+$0x20] =	vst v0  }
0x2be: {  	s21 =	simm.s32 $0x9AA0;
	v0 =	vld [tilespmem:s1+$0x30]  }
0x2bf: {  	v3 =	vld [tilespmem:s21+$0x0]  }
0x2c0: {  	s14 =	simm.s32 $0x194A0;
	v1 =	vmul.f32 $1.250000000e-01, v1;
	v4 =	vld [tilespmem:s19+$0x30]  }
0x2c1: {  	v5 =	vld [tilespmem:s14+$0x0]  }
0x2c2: {  	v1 =	vadd.f32 v1, v2  }
0x2c3: {  	v2 =	vld [tilespmem:s21+$0xFFFFFF80];
	v0 =	vmul.f32 $1.250000000e-01, v0  }
0x2c4: {  	v3 =	vmul.f32 $1.250000000e-01, v3;
	[tilespmem:s18+$0xFFFFFFA0] =	vst v1;
	v1 =	vld [tilespmem:s14+$0xFFFFFF80]  }
0x2c5: {  	v6 =	vld [tilespmem:s1+$0xFFFFFFB0];
	v0 =	vadd.f32 v0, v4  }
0x2c6: {  	v3 =	vadd.f32 v3, v5  }
0x2c7: {  	s13 =	simm.s32 $0x162A0;
	v4 =	vld [tilespmem:s19+$0xFFFFFFB0];
	[tilespmem:s18+$0x30] =	vst v0  }
0x2c8: {  	[tilespmem:s13+$0x0] =	vst v3;
	v0 =	vmul.f32 $1.250000000e-01, v2;
	v2 =	vld [tilespmem:s1+$0x40]  }
0x2c9: {  	v3 =	vld [tilespmem:s21+$0x10]  }
0x2ca: {  	v5 =	vld [tilespmem:s19+$0x40];
	v0 =	vadd.f32 v0, v1;
	v1 =	vmul.f32 $1.250000000e-01, v6  }
0x2cb: {  	v6 =	vld [tilespmem:s14+$0x10]  }
0x2cc: {  	[tilespmem:s13+$0xFFFFFF80] =	vst v0;
	v0 =	vadd.f32 v1, v4  }
0x2cd: {  	v1 =	vld [tilespmem:s21+$0xFFFFFF90];
	v2 =	vmul.f32 $1.250000000e-01, v2  }
0x2ce: {  	v3 =	vmul.f32 $1.250000000e-01, v3;
	[tilespmem:s18+$0xFFFFFFB0] =	vst v0;
	v0 =	vld [tilespmem:s14+$0xFFFFFF90]  }
0x2cf: {  	v4 =	vld [tilespmem:s1+$0xFFFFFFC0];
	v2 =	vadd.f32 v2, v5  }
0x2d0: {  	v3 =	vadd.f32 v3, v6  }
0x2d1: {  	v5 =	vld [tilespmem:s19+$0xFFFFFFC0];
	[tilespmem:s18+$0x40] =	vst v2  }
0x2d2: {  	[tilespmem:s13+$0x10] =	vst v3;
	v1 =	vmul.f32 $1.250000000e-01, v1;
	v2 =	vld [tilespmem:s1+$0x50]  }
0x2d3: {  	v3 =	vld [tilespmem:s21+$0x20]  }
0x2d4: {  	v0 =	vadd.f32 v1, v0;
	v1 =	vmul.f32 $1.250000000e-01, v4;
	v4 =	vld [tilespmem:s19+$0x50]  }
0x2d5: {  	v6 =	vld [tilespmem:s14+$0x20]  }
0x2d6: {  	[tilespmem:s13+$0xFFFFFF90] =	vst v0;
	v0 =	vadd.f32 v1, v5  }
0x2d7: {  	v1 =	vld [tilespmem:s21+$0xFFFFFFA0];
	v2 =	vmul.f32 $1.250000000e-01, v2  }
0x2d8: {  	v5 =	vld [tilespmem:s14+$0xFFFFFFA0];
	[tilespmem:s18+$0xFFFFFFC0] =	vst v0;
	v0 =	vmul.f32 $1.250000000e-01, v3  }
0x2d9: {  	v3 =	vld [tilespmem:s1+$0xFFFFFFD0];
	v2 =	vadd.f32 v2, v4  }
0x2da: {  	s23 =	simm.s32 $0x9BA0;
	v4 =	vld [tilespmem:s19+$0xFFFFFFD0];
	v0 =	vadd.f32 v0, v6  }
0x2db: {  	v6 =	vld [tilespmem:s23+$0x0];
	[tilespmem:s18+$0x50] =	vst v2  }
0x2dc: {  	[tilespmem:s13+$0x20] =	vst v0;
	v0 =	vld [tilespmem:s1+$0x60]  }
0x2dd: {  	v2 =	vld [tilespmem:s21+$0x30]  }
0x2de: {  	v1 =	vmul.f32 $1.250000000e-01, v1;
	v7 =	vld [tilespmem:s19+$0x60]  }
0x2df: {  	s0 =	simm.s32 $0x195A0;
	v8 =	vld [tilespmem:s14+$0x30]  }
0x2e0: {  	v1 =	vadd.f32 v1, v5;
	v3 =	vmul.f32 $1.250000000e-01, v3;
	v5 =	vld [tilespmem:s0+$0x0]  }
0x2e1: {  	v9 =	vld [tilespmem:s23+$0xFFFFFF80];
	v0 =	vmul.f32 $1.250000000e-01, v0  }
0x2e2: {  	[tilespmem:s13+$0xFFFFFFA0] =	vst v1;
	v1 =	vadd.f32 v3, v4;
	v3 =	vld [tilespmem:s0+$0xFFFFFF80];
	v2 =	vmul.f32 $1.250000000e-01, v2  }
0x2e3: {  	v6 =	vmul.f32 $1.250000000e-01, v6;
	v4 =	vld [tilespmem:s21+$0xFFFFFFB0];
	v0 =	vadd.f32 v0, v7  }
0x2e4: {  	[tilespmem:s18+$0xFFFFFFD0] =	vst v1;
	v1 =	vld [tilespmem:s14+$0xFFFFFFB0];
	v2 =	vadd.f32 v2, v8  }
0x2e5: {  	v7 =	vld [tilespmem:s1+$0xFFFFFFE0];
	[tilespmem:s18+$0x60] =	vst v0;
	v0 =	vadd.f32 v6, v5  }
0x2e6: {  	s6 =	simm.s32 $0x163A0;
	v5 =	vmul.f32 $1.250000000e-01, v9;
	[tilespmem:s13+$0x30] =	vst v2;
	v2 =	vld [tilespmem:s1+$0x70]  }
0x2e7: {  	v6 =	vld [tilespmem:s21+$0x40];
	[tilespmem:s6+$0x0] =	vst v0  }
0x2e8: {  	v0 =	vadd.f32 v5, v3;
	v3 =	vmul.f32 $1.250000000e-01, v4;
	v4 =	vld [tilespmem:s23+$0x10]  }
0x2e9: {  	v5 =	vld [tilespmem:s14+$0x40]  }
0x2ea: {  	[tilespmem:s6+$0xFFFFFF80] =	vst v0;
	v0 =	vadd.f32 v3, v1;
	v1 =	vld [tilespmem:s0+$0x10]  }
0x2eb: {  	v3 =	vld [tilespmem:s23+$0xFFFFFF90]  }
0x2ec: {  	[tilespmem:s13+$0xFFFFFFB0] =	vst v0;
	v0 =	vld [tilespmem:s0+$0xFFFFFF90];
	v6 =	vmul.f32 $1.250000000e-01, v6  }
0x2ed: {  	v8 =	vld [tilespmem:s21+$0xFFFFFFC0];
	v4 =	vmul.f32 $1.250000000e-01, v4  }
0x2ee: {  	v62 =	vld [tilespmem:s19+$0x70];
	v5 =	vadd.f32 v6, v5  }
0x2ef: {  	v6 =	vld [tilespmem:s14+$0xFFFFFFC0];
	v1 =	vadd.f32 v4, v1  }
0x2f0: {  	v4 =	vld [tilespmem:s19+$0xFFFFFFE0];
	v3 =	vmul.f32 $1.250000000e-01, v3;
	[tilespmem:s13+$0x40] =	vst v5  }
0x2f1: {  	[tilespmem:s6+$0x10] =	vst v1;
	v1 =	vld [tilespmem:s21+$0x50]  }
0x2f2: {  	v0 =	vadd.f32 v3, v0;
	v5 =	vmul.f32 $1.250000000e-01, v8;
	v3 =	vld [tilespmem:s23+$0x20]  }
0x2f3: {  	v8 =	vld [tilespmem:s14+$0x50]  }
0x2f4: {  	v7 =	vmul.f32 $1.250000000e-01, v7;
	[tilespmem:s6+$0xFFFFFF90] =	vst v0;
	v0 =	vld [tilespmem:s0+$0x20];
	v6 =	vadd.f32 v5, v6  }
0x2f5: {  	v2 =	vmul.f32 $1.250000000e-01, v2;
	v5 =	vld [tilespmem:s23+$0xFFFFFFA0]  }
0x2f6: {  	v7 =	vadd.f32 v7, v4;
	v4 =	vld [tilespmem:s0+$0xFFFFFFA0];
	[tilespmem:s13+$0xFFFFFFC0] =	vst v6;
	v63 =	vmul.f32 $1.250000000e-01, v1  }
0x2f7: {  	v6 =	vadd.f32 v2, v62;
	v2 =	vld [tilespmem:s21+$0xFFFFFFD0];
	v10 =	vmul.f32 $1.250000000e-01, v3  }
0x2f8: {  	s11 =	simm.s32 $0x4;
	[tilespmem:s18+$0xFFFFFFE0] =	vst v7;
	v1 =	vld [tilespmem:s14+$0xFFFFFFD0];
	v3 =	vadd.f32 v63, v8  }
0x2f9: {  	s17 =	simm.s32 $0x9CA0;
	s25 =	simm.s32 $0x163A0;
	[tilespmem:s18+$0x70] =	vst v6;
	v6 =	vadd.f32 v10, v0;
	v0 =	vld [tilespmem:s1+$0xFFFFFFF0];
	s1 =	simm.s32 $0x195A0  }
.LBB2_25:
0x2fa: {  	v7 =	vld [tilespmem:s17+$0x0];
	v5 =	vmul.f32 $1.250000000e-01, v5;
	[tilespmem:s13+$0x50] =	vst v3  }
0x2fb: {  	[tilespmem:s6+$0x20] =	vst v6;
	v3 =	vld [tilespmem:s21+$0x60]  }
0x2fc: {  	v4 =	vadd.f32 v5, v4;
	v5 =	vld [tilespmem:s23+$0x30];
	v2 =	vmul.f32 $1.250000000e-01, v2  }
0x2fd: {  	v6 =	vld [tilespmem:s14+$0x60]  }
0x2fe: {  	[tilespmem:s6+$0xFFFFFFA0] =	vst v4;
	v4 =	vld [tilespmem:s0+$0x30];
	v1 =	vadd.f32 v2, v1;
	v0 =	vmul.f32 $1.250000000e-01, v0  }
0x2ff: {  	s11 =	sadd.s32 $0x2, s11;
	s0 =	sadd.s32 $0x100, s0;
	v2 =	vld [tilespmem:s17+$0xFFFFFF80]  }
0x300: {  	p0 =	slt.u32 s11, $0x62;
	v8 =	vld [tilespmem:s0+$0x0];
	[tilespmem:s13+$0xFFFFFFD0] =	vst v1;
	v1 =	vmul.f32 $1.250000000e-01, v3  }
0x301: {  	v3 =	vld [tilespmem:s0+$0xFFFFFF80];
	v5 =	vmul.f32 $1.250000000e-01, v5  }
0x302: {  	v9 =	vld [tilespmem:s23+$0xFFFFFFB0];
	v1 =	vadd.f32 v1, v6  }
0x303: {  	v6 =	vmul.f32 $1.250000000e-01, v7;
	v7 =	vld [tilespmem:s1+$0xFFFFFFB0];
	v4 =	vadd.f32 v5, v4  }
0x304: {  	v2 =	vmul.f32 $1.250000000e-01, v2;
	v5 =	vld [tilespmem:s21+$0xFFFFFFE0];
	[tilespmem:s13+$0x60] =	vst v1  }
0x305: {  	v1 =	vadd.f32 v6, v8;
	[tilespmem:s6+$0x30] =	vst v4;
	v4 =	vld [tilespmem:s21+$0x70]  }
0x306: {  	s6 =	sadd.s32 $0x100, s6;
	v2 =	vadd.f32 v2, v3;
	v3 =	vld [tilespmem:s23+$0x40]  }
0x307: {  	[tilespmem:s6+$0x0] =	vst v1;
	v1 =	vmul.f32 $1.250000000e-01, v9;
	v6 =	vld [tilespmem:s14+$0x70]  }
0x308: {  	[tilespmem:s6+$0xFFFFFF80] =	vst v2;
	v2 =	vld [tilespmem:s17+$0x10]  }
0x309: {  	v1 =	vadd.f32 v1, v7;
	v7 =	vld [tilespmem:s1+$0x40];
	v5 =	vmul.f32 $1.250000000e-01, v5  }
0x30a: {  	v8 =	vld [tilespmem:s0+$0x10];
	v4 =	vmul.f32 $1.250000000e-01, v4  }
0x30b: {  	v9 =	vld [tilespmem:s17+$0xFFFFFF90];
	[tilespmem:s25+$0xFFFFFFB0] =	vst v1  }
0x30c: {  	v3 =	vmul.f32 $1.250000000e-01, v3;
	v1 =	vld [tilespmem:s0+$0xFFFFFF90];
	v4 =	vadd.f32 v4, v6  }
0x30d: {  	v2 =	vmul.f32 $1.250000000e-01, v2;
	v6 =	vld [tilespmem:s23+$0xFFFFFFC0]  }
0x30e: {  	v10 =	vld [tilespmem:s1+$0xFFFFFFC0];
	v3 =	vadd.f32 v3, v7;
	[tilespmem:s13+$0x70] =	vst v4  }
0x30f: {  	v2 =	vadd.f32 v2, v8;
	v4 =	vld [tilespmem:s14+$0xFFFFFFE0]  }
0x310: {  	v7 =	vmul.f32 $1.250000000e-01, v9;
	[tilespmem:s25+$0x40] =	vst v3;
	v3 =	vld [tilespmem:s19+$0xFFFFFFF0];
	s19 =	smov.u32 s14;
	s14 =	smov.u32 s1;
	s1 =	smov.u32 s0  }
0x311: {  	[tilespmem:s6+$0x10] =	vst v2;
	v2 =	vld [tilespmem:s23+$0x50]  }
0x312: {  	v1 =	vadd.f32 v7, v1;
	v7 =	vld [tilespmem:s17+$0x20];
	v6 =	vmul.f32 $1.250000000e-01, v6  }
0x313: {  	v8 =	vld [tilespmem:s14+$0x50]  }
0x314: {  	[tilespmem:s6+$0xFFFFFF90] =	vst v1;
	v9 =	vld [tilespmem:s0+$0x20];
	v1 =	vadd.f32 v6, v10;
	v6 =	vadd.f32 v5, v4  }
.Ltmp11:
0x315: {  	v5 =	vld [tilespmem:s17+$0xFFFFFFA0];
	v0 =	vadd.f32 v0, v3;
	(pc) =	sbr.rel @p0 .LBB2_25-.Ltmp11, $4  }
0x316: {  	v4 =	vld [tilespmem:s0+$0xFFFFFFA0];
	[tilespmem:s25+$0xFFFFFFC0] =	vst v1;
	v3 =	vmul.f32 $1.250000000e-01, v2  }
0x317: {  	v7 =	vmul.f32 $1.250000000e-01, v7;
	v2 =	vld [tilespmem:s23+$0xFFFFFFD0];
	[tilespmem:s13+$0xFFFFFFE0] =	vst v6  }
0x318: {  	v1 =	vld [tilespmem:s14+$0xFFFFFFD0];
	v3 =	vadd.f32 v3, v8;
	[tilespmem:s18+$0xFFFFFFF0] =	vst v0;
	s18 =	smov.u32 s13;
	s13 =	smov.u32 s25;
	s25 =	smov.u32 s6  }
0x319: {  	v6 =	vadd.f32 v7, v9;
	v0 =	vld [tilespmem:s21+$0xFFFFFFF0];
	s21 =	smov.u32 s23;
	s23 =	smov.u32 s17;
	s17 =	sadd.s32 $0x100, s17  }
0x31a: {  	v5 =	vmul.f32 $1.250000000e-01, v5;
	_ =	sdelay $0x1  }
0x31b: {  	v4 =	vadd.f32 v5, v4  }
0x31c: {  	[tilespmem:s6+$0x20] =	vst v6  }
0x31d: {  	v40 =	vld [tilespmem:s23+$0x30];
	[tilespmem:s6+$0xFFFFFFA0] =	vst v4  }
0x31e: {  	v42 =	vld [tilespmem:s23+$0xFFFFFFB0]  }
0x31f: {  	v41 =	vld [tilespmem:s0+$0x30]  }
0x320: {  	v7 =	vld [tilespmem:s1+$0xFFFFFFB0];
	_ =	sdelay $0x1  }
0x321: {  	v5 =	vmul.f32 $1.250000000e-01, v40  }
0x322: {  	v43 =	vmul.f32 $1.250000000e-01, v42  }
0x323: {  	v4 =	vadd.f32 v5, v41  }
0x324: {  	v44 =	vadd.f32 v43, v7  }
0x325: {  	[tilespmem:s6+$0x30] =	vst v4  }
0x326: {  	v45 =	vld [tilespmem:s23+$0x40];
	[tilespmem:s25+$0xFFFFFFB0] =	vst v44  }
0x327: {  	v4 =	vld [tilespmem:s23+$0xFFFFFFC0]  }
0x328: {  	v46 =	vld [tilespmem:s1+$0x40]  }
0x329: {  	v47 =	vld [tilespmem:s1+$0xFFFFFFC0];
	_ =	sdelay $0x1  }
0x32a: {  	v5 =	vmul.f32 $1.250000000e-01, v45  }
0x32b: {  	v4 =	vmul.f32 $1.250000000e-01, v4  }
0x32c: {  	v5 =	vadd.f32 v5, v46  }
0x32d: {  	v4 =	vadd.f32 v4, v47  }
0x32e: {  	[tilespmem:s25+$0x40] =	vst v5  }
0x32f: {  	v5 =	vld [tilespmem:s23+$0x50];
	[tilespmem:s25+$0xFFFFFFC0] =	vst v4  }
0x330: {  	v4 =	vld [tilespmem:s23+$0xFFFFFFD0]  }
0x331: {  	v48 =	vld [tilespmem:s1+$0x50]  }
0x332: {  	v2 =	vmul.f32 $1.250000000e-01, v2;
	v49 =	vld [tilespmem:s1+$0xFFFFFFD0];
	_ =	sdelay $0x1  }
0x333: {  	[tilespmem:s13+$0x50] =	vst v3;
	v1 =	vadd.f32 v2, v1;
	v50 =	vmul.f32 $1.250000000e-01, v5  }
0x334: {  	v3 =	vld [tilespmem:s21+$0x60];
	v53 =	vmul.f32 $1.250000000e-01, v4  }
0x335: {  	v51 =	vld [tilespmem:s14+$0x60];
	[tilespmem:s13+$0xFFFFFFD0] =	vst v1;
	v52 =	vadd.f32 v50, v48  }
0x336: {  	v54 =	vld [tilespmem:s21+$0xFFFFFFE0];
	v56 =	vadd.f32 v53, v49  }
0x337: {  	v55 =	vld [tilespmem:s14+$0xFFFFFFE0];
	[tilespmem:s25+$0x50] =	vst v52  }
0x338: {  	v57 =	vld [tilespmem:s23+$0x60];
	[tilespmem:s25+$0xFFFFFFD0] =	vst v56  }
0x339: {  	v3 =	vmul.f32 $1.250000000e-01, v3;
	v1 =	vld [tilespmem:s23+$0xFFFFFFE0]  }
0x33a: {  	v58 =	vld [tilespmem:s1+$0x60]  }
0x33b: {  	v3 =	vadd.f32 v3, v51;
	v4 =	vmul.f32 $1.250000000e-01, v54;
	v59 =	vld [tilespmem:s1+$0xFFFFFFE0];
	_ =	sdelay $0x1  }
0x33c: {  	v61 =	vld [tilespmem:s19+$0xFFFFFFF0];
	[tilespmem:s13+$0x60] =	vst v3;
	v4 =	vadd.f32 v4, v55;
	v2 =	vmul.f32 $1.250000000e-01, v57  }
0x33d: {  	v3 =	vld [tilespmem:s21+$0x70];
	v1 =	vmul.f32 $1.250000000e-01, v1  }
0x33e: {  	v60 =	vld [tilespmem:s14+$0x70];
	[tilespmem:s13+$0xFFFFFFE0] =	vst v4;
	v2 =	vadd.f32 v2, v58  }
0x33f: {  	v4 =	vld [tilespmem:s21+$0xFFFFFFF0];
	v1 =	vadd.f32 v1, v59  }
0x340: {  	v8 =	vld [tilespmem:s14+$0xFFFFFFF0];
	[tilespmem:s25+$0x60] =	vst v2  }
0x341: {  	v2 =	vld [tilespmem:s23+$0x70];
	[tilespmem:s25+$0xFFFFFFE0] =	vst v1  }
0x342: {  	v1 =	vld [tilespmem:s23+$0xFFFFFFF0]  }
0x343: {  	v0 =	vmul.f32 $1.250000000e-01, v0;
	v62 =	vld [tilespmem:s1+$0x70]  }
0x344: {  	v3 =	vmul.f32 $1.250000000e-01, v3;
	v9 =	vld [tilespmem:s1+$0xFFFFFFF0]  }
0x345: {  	v0 =	vadd.f32 v0, v61;
	v4 =	vmul.f32 $1.250000000e-01, v4  }
0x346: {  	s28 =	smul.u32 $0x64, s8;
	s15 =	sadd.s32 $0x1, s15;
	v3 =	vadd.f32 v3, v60;
	v2 =	vmul.f32 $1.250000000e-01, v2  }
0x347: {  	p0 =	sne.s32 s15, $0x20;
	[tilespmem:s18+$0xFFFFFFF0] =	vst v0;
	v63 =	vadd.f32 v4, v8;
	v1 =	vmul.f32 $1.250000000e-01, v1  }
.Ltmp12:
0x348: {  	s0 =	sadd.s32 s9, s28;
	[tilespmem:s13+$0x70] =	vst v3;
	v2 =	vadd.f32 v2, v62;
	(pc) =	sbr.rel @p0 .LBB2_6-.Ltmp12, $4  }
0x349: {  	s0 =	sshll.u32 s0, $0x4;
	[tilespmem:s13+$0xFFFFFFF0] =	vst v63;
	v1 =	vadd.f32 v1, v9  }
0x34a: {  	s0 =	sand.u32 $0x1FFFFFC0, s0;
	[tilespmem:s25+$0x70] =	vst v2  }
0x34b: {  	s29 =	simm.s32 $0x16120;
	s0 =	sadd.s32 s2, s0;
	[tilespmem:s25+$0xFFFFFFF0] =	vst v1  }
0x34c: {  	[hbm4b:s0+s3] =	stream.linear.scatter [tilespmem:s29], [sflag:$0x8], $0x3200, $0x38;
	[tilespmem:$0x1C520] =	vst v63  }
0x34d: {  	s0 =	simm.s32 $0x5  }
0x34e: {  	_ =	swait.ge [sflag:s0], $0x3200  }
0x34f: {  	[sflag:s0] =	ssyncset.done $0x0  }
0x350: {  	s25 =	simm.s32 $0x6;
	[sflag:s0] =	ssyncadd.s32 $0xFFFFCE00  }
0x351: {  	_ =	swait.ge [sflag:s25], $0x3200  }
0x352: {  	[sflag:s25] =	ssyncset.done $0x0  }
0x353: {  	s28 =	simm.s32 $0x7;
	[sflag:s25] =	ssyncadd.s32 $0xFFFFCE00  }
0x354: {  	_ =	swait.ge [sflag:s28], $0x3200  }
0x355: {  	[sflag:s28] =	ssyncset.done $0x0  }
0x356: {  	s1 =	simm.s32 $0x8;
	[sflag:s28] =	ssyncadd.s32 $0xFFFFCE00  }
0x357: {  	_ =	swait.ge [sflag:s1], $0x3200  }
0x358: {  	s6 =	rddreg [dreg:$0xa]  }
0x359: {  	s29 =	rddreg [dreg:$0x9];
	s6 =	sadd.s32 $0x1, s6  }
0x35a: {  	p0 =	sne.s32 s6, s29  }
.Ltmp13:
0x35b: {  	_ = 	snop;
	(pc) =	sbr.rel @p0 .LBB2_1-.Ltmp13, $3  }
0x35c: {  	_ =	sdelay $0x1  }
0x35d: {  	[sflag:s1] =	ssyncset.done $0x0  }
0x35e: {  	[sflag:s1] =	ssyncadd.s32 $0xFFFFCE00  }
0x35f: {  	_ =	sfence.sel $0x180000  }
0x360: {  	[bflag:$0x0] =	sbarrier.arrive $0xFFFF  }
0x361: {  	_ =	strace $0x90000047  }
0x362: {  	s0 =	stileid.u32;
	[bflag:$0x2] =	sbarrier.arrive $0xFFFF  }
0x363: {  	p0 =	sne.s32 s0, $0x0;
	s0 =	rddreg [dreg:$0x2]  }
0x364: {  	s0 =	sadd.s32 @!p0 $0x100000, s0  }
0x365: {  	[sflag:s0] =	ssyncadd.tile.s32 @!p0 $0x1;
	_ =	shalt  }
.Lfunc_end2:
_tile_overlayer_lowered:
.L_overlay_start_2:
0x366: {  	(tag) =	ssettag $0x2  }
0x367: {  	s0 =	rddreg [dreg:$0x0];
	s2 =	stileid.u32  }
0x368: {  	s1 =	rddreg [dreg:$0x1];
	p0 =	sne.s32 s2, $0x0  }
0x369: {  	s3 =	rddreg [dreg:$0x2];
	[bflag:$0x3] =	sbarrier.arrive $0xFFFF;
	s2 =	simm.s32 @!p0 $0x1C0D  }
0x36a: {  	[timem:s3], [sflag:s2] =	dma.local @!p0 [hbm:s0], s1  }
0x36b: {  	s0 =	simm.s32 @!p0 $0xD  }
0x36c: {  	_ =	swait.ge @!p0 [sflag:s0], s1  }
0x36d: {  	s1 =	ssub.s32 @!p0 $0x0, s1;
	[sflag:s0] =	ssyncset.done @!p0 $0x0  }
0x36e: {  	[sflag:s0] =	ssyncadd.s32 @!p0 s1  }
0x36f: {  	[bflag:$0x3] =	sbarrier.arrive $0xFFFF  }
0x370: {  	_ =	shalt  }

// kernel: sparse-core-data-format-call.cloned.1.call-start
scs
called_computation_lowered:
.L_overlay_start_0:
0x0: {  	s2 =	sld [smem:$0x3FD9]  }
0x1: {  	s3 =	sld [smem:$0x3FFE];
	_ =	sdelay $0x1  }
0x2: {  	s1 =	srdreg.scid  }
0x3: {  	s0 =	sand.u32 $0x1, s1  }
0x4: {  	s18 =	sshll.u32 s0, $0xA;
	s2 =	sadd.s32 s3, s2  }
0x5: {  	s2 =	sadd.s32 s2, s18  }
0x6: {  	[smem:$0x3FC5] =	sst s2  }
0x7: {  	_ = 	snop  }
0x8: {  	s2 =	sld [smem:$0x3FD0];
	(tm) =	ssettm $0x1  }
0x9: {  	s19 =	sld [smem:$0x3FFB];
	_ =	sdelay $0x3  }
0xa: {  	_ =	strace s19  }
0xb: {  	s3 =	sld [smem:$0x3FFC];
	_ =	sdelay $0x3  }
0xc: {  	_ =	strace s3  }
0xd: {  	s3 =	sld [smem:$0x3FFD];
	_ =	sdelay $0x3  }
0xe: {  	_ =	strace s3  }
0xf: {  	_ =	strace $0x8FFFFFFF  }
0x10: {  	s20 =	sld [smem:$0x3FDB];
	_ =	sdelay $0x1  }
0x11: {  	s4 =	simm.s32 $_scs_section_size  }
0x12: {  	s5 =	simm.s32 $_size__tile_overlayer_lowered;
	s6 =	simm.s32 $_tile_overlayer_lowered  }
0x13: {  	s23 =	simm.s32 $0x1BFF;
	s22 =	sshll.u32 s6, $0x1;
	s3 =	sadd.s32 s4, s20  }
0x14: {  	s7 =	simm.s32 $0x0;
	s21 =	sshll.u32 s5, $0x1;
	s5 =	sadd.s32 s22, s3  }
0x15: {  	[timem:s7], [sflag:s23] =	dma.local [hbm:s5], s21  }
0x16: {  	_ =	swait.ge [sflag:s23], s21  }
0x17: {  	s4 =	ssub.s32 $0x0, s21;
	[sflag:s23] =	ssyncset.done $0x0  }
0x18: {  	[sflag:s23] =	ssyncadd.s32 s4;
	_ =	sdelay $0x1  }
0x19: {  	s24 =	simm.s32 $0x1B8B  }
0x1a: {  	_ =	swait.ge [sflag:s24], $0x1  }
0x1b: {  	[sflag:s24] =	ssyncset.done $0x0  }
0x1c: {  	s26 =	simm.s32 $0x1B8E;
	s25 =	sld [smem:$0x3FFE];
	[sflag:s24] =	ssyncadd.s32 $0xFFFFFFFF  }
0x1d: {  	s27 =	simm.s32 $execute0_lowered;
	[smem:$0x3FD2] =	sst s26  }
0x1e: {  	s5 =	sshll.u32 s27, $0x1;
	_ =	strace $0x80000049;
	[dreg:$0x1] =	wrdreg $0xFFFFFFFF  }
0x1f: {  	s28 =	simm.s32 $_size_execute0_lowered;
	s3 =	sadd.s32 s3, s5;
	[dreg:$0x0] =	wrdreg $0x0  }
0x20: {  	s5 =	sshll.u32 s28, $0x1;
	[dreg:$0x2] =	wrdreg s3  }
0x21: {  	[dreg:$0x3] =	wrdreg s5  }
0x22: {  	[dreg:$0x4] =	wrdreg $0xC0  }
0x23: {  	_ =	task [dreg:s7], $0x5FFFF  }
0x24: {  	[dreg:$0x1] =	wrdreg $0xFFFFFFFF  }
0x25: {  	[dreg:$0x0] =	wrdreg $0x60  }
0x26: {  	[dreg:$0x2] =	wrdreg s25  }
0x27: {  	[dreg:$0x3] =	wrdreg s2  }
0x28: {  	[dreg:$0x4] =	wrdreg $0x9  }
0x29: {  	_ =	task.clear_ibuf [dreg:s7], $0x5FFFF;
	_ =	strace $0x90000049  }
0x2a: {  	s29 =	simm.s32 $0x9;
	_ =	strace $0x8000004B  }
0x2b: {  	_ =	swait.ge [sflag:s29], $0x1  }
0x2c: {  	[sflag:s29] =	ssyncadd.s32 $0xFFFFFFFF  }
0x2d: {  	_ =	strace $0x9000004B  }
0x2e: {  	_ =	sfence  }
0x2f: {  	s30 =	sld [smem:$0x0];
	_ =	sdelay $0x2  }
0x30: {  	s31 =	sshll.u32 s1, $0xD;
	s1 =	sshrl.u32 s1, $0x2  }
0x31: {  	s3 =	sand.u32 $0x4000, s31;
	s1 =	sadd.s32 s1, s30  }
0x32: {  	s0 =	sor.u32 s3, s0;
	s1 =	sshll.u32 s1, $0x11  }
0x33: {  	s0 =	sor.u32 s1, s0  }
0x34: {  	s0 =	sadd.s32 $0x8F2B, s0  }
0x35: {  	[sflag:s0] =	ssyncadd.remote.s32 $0x1  }
0x36: {  	_ =	sfence.sel $0xFFFF  }
0x37: {  	[dreg:$0x0] =	wrdreg $0xFFFFFFFF;
	(pc) =	sbr.abs _section_cstart, $3  }
0x38: {  	[dreg:$0x1] =	wrdreg $0xFFFFFFFF  }
0x39: {  	_ =	task.clear_ibuf [dreg:s7], $0x2FFFF;
	_ =	strace $0x9FFFFFFF  }
0x3a: {  	(tm) =	ssettm $0x7FFFFFFF  }
0x3b: {  	_ =	shalt  }
tec
execute0_lowered:
.L_overlay_start_1:
0x0: {  	(tag) =	ssettag $0x1  }
0x1: {  	s0 =	srdreg.scid  }
0x2: {  	s1 =	sshll.u32 s0, $0x4  }
0x3: {  	s0 =	stileid.u32;
	s1 =	sand.u32 $0x10, s1  }
0x4: {  	s1 =	sor.u32 s0, s1  }
0x5: {  	s6 =	rddreg [dreg:$0x0];
	s4 =	simm.s32 $0x1;
	s2 =	sshll.u32 s1, $0x7  }
0x6: {  	s7 =	simm.s32 $0x2;
	s12 =	simm.s32 $0x0;
	s1 =	ssub.s32 $0x1000, s2  }
0x7: {  	s8 =	simm.s32 $0x8000;
	s13 =	simm.s32 $0x0;
	s3 =	sand.u32 $0xF80, s1  }
0x8: {  	s9 =	simm.s32 $0x0;
	s5 =	sshrl.u32 s1, $0xC;
	p0 =	sne.s32 s3, $0x0  }
.Ltmp0:
0x9: {  	s1 =	rddreg [dreg:$0x2];
	s4 =	simm.s32 @!p0 $0x0;
	(pc) =	sbr.rel .LBB1_1-.Ltmp0, $4  }
0xa: {  	s11 =	simm.s32 $0x0;
	s3 =	rddreg [dreg:$0x1];
	s5 =	sadd.s32 s4, s5  }
0xb: {  	_ =	strace $0x8000004A;
	s4 =	simm.s32 $0x1;
	s5 =	smul.u32 $0xC8, s5  }
0xc: {  	s6 =	sadd.s32 $0xC00, s6;
	s10 =	smov.u32 s2;
	[sflag:s4] =	ssyncpa.u1 $0x0  }
0xd: {  	p0 =	por $0x0, $0x0;
	[sflag:s7] =	ssyncpa.u1 $0x0;
	s7 =	sor.u32 $0x1, s5  }
.LBB1_4:
0xe: {  	s16 =	sshll.u32 s13, $0x3;
	s17 =	sand.u32 $0x78, s13  }
0xf: {  	s30 =	sand.u32 $0x7E00, s13;
	s12 =	sshll.u32 s12, $0xF;
	s16 =	sand.u32 $0xC00, s16  }
0x10: {  	[tilespmem:s15+$0x810 ss:$0x81] =	vst.msk $0xffff, v2;
	s31 =	sand.u32 $0x7, s13;
	s16 =	sor.u32 s17, s16;
	s17 =	sadd.s32 s3, s30  }
0x11: {  	[tilespmem:s15+$0x1020 ss:$0x81] =	vst.msk $0xffff, v0;
	s13 =	sshll.u32 s31, $0x12;
	s12 =	sadd.s32 s12, s17;
	s16 =	sshrl.u32 s16, $0x3  }
0x12: {  	[tilespmem:s15+$0x0 ss:$0x81] =	vst.msk $0xffff, v1;
	s13 =	sor.u32 $0x400, s13;
	s12 =	sadd.s32 s16, s12  }
0x13: {  	[hbm4b:s12+s13] =	stream.strided.scatter [tilespmem:s14], [sflag:$0x2], $0x2000, s8, s13, $0x20;
	[tilespmem:$0x8080] =	vst v63  }
.LBB1_5:
0x14: {  	s14 =	sadd.s32 $0x1, s9  }
0x15: {  	s12 =	sadd.s32 $0x1000, s10;
	s16 =	smov.u32 s10;
	p2 =	sgt.s32 s14, $0xC7  }
0x16: {  	s16 =	smov.u32 @p2 s12  }
0x17: {  	s14 =	simm.s32 @p2 $0x0;
	p2 =	sgt.s32 s16, $0xFFF  }
0x18: {  	s16 =	smov.u32 @p2 s2;
	p2 =	sne.s32 s11, s7  }
.Ltmp1:
0x19: {  	p1 =	slt.u32 s11, $0x2;
	(pc) =	sbr.rel @!p2 .LBB1_6-.Ltmp1, $4  }
0x1a: {  	s15 =	simm.s32 @!p1 $0x2  }
0x1b: {  	s13 =	smov.u32 s10;
	p0 =	por !p0, !p0;
	_ =	swait.ge @!p1 [sflag:s15], $0x2000  }
0x1c: {  	s12 =	smov.u32 s9;
	[sflag:s15] =	ssyncset.done @!p1 $0x0;
	s9 =	smov.u32 s14  }
0x1d: {  	s11 =	sadd.s32 $0x1, s11;
	[sflag:s15] =	ssyncadd.s32 @!p1 $0xFFFFE000;
	s10 =	smov.u32 s16  }
.LBB1_1:
0x1e: {  	p1 =	sge.u32 s11, s5  }
0x1f: {  	s14 =	sand.u32 @!p1 $0x1FFFFFF, s9  }
0x20: {  	s15 =	smulhi.u32 @!p1 $0x147AE15, s14;
	_ =	sdelay $0x1  }
0x21: {  	s15 =	smul.u32 @!p1 $0xC8, s15  }
0x22: {  	s16 =	sxor.u32 @!p1 $0xFFFFFFFF, s11;
	s17 =	smul.u32 @!p1 $0xC80, s10  }
0x23: {  	s31 =	sadd.s32 $0xFFFFFFFF, s11;
	s16 =	sshll.u32 @!p1 s16, $0xD;
	s14 =	ssub.s32 @!p1 s14, s15  }
0x24: {  	s15 =	sand.u32 @!p1 $0x2000, s16;
	s16 =	sadd.s32 @!p1 s6, s17;
	s14 =	sshll.u32 @!p1 s14, $0x4  }
0x25: {  	s17 =	simm.s32 @!p1 $0x6400;
	s14 =	sadd.s32 @!p1 s14, s16;
	s16 =	simm.s32 @!p1 $0x40  }
0x26: {  	[tilespmem:s15], [sflag:$0x1] =	stream.strided.gather @!p1 [hbm4b:s14+s16], $0x2000, s17, s16, $0x38;
	[tilespmem:$0x8080] =	vst v63  }
0x27: {  	p1 =	sge.u32 s31, s5  }
.Ltmp2:
0x28: {  	_ = 	snop;
	(pc) =	sbr.rel @p1 .LBB1_5-.Ltmp2, $1  }
0x29: {  	_ =	sdelay $0x3  }
0x2a: {  	s14 =	simm.s32 $0x1  }
0x2b: {  	_ =	swait.ge [sflag:s4], $0x2000;
	s14 =	simm.s32 @!p0 $0x0  }
0x2c: {  	[sflag:s4] =	ssyncset.done $0x0;
	s15 =	sshll.u32 s14, $0xD  }
0x2d: {  	[sflag:s4] =	ssyncadd.s32 $0xFFFFE000;
	s18 =	sor.u32 $0x20, s15  }
0x2e: {  	s14 =	smul.u32 $0x8100, s14;
	v3 =	vld [tilespmem:s18+$0x10]  }
0x2f: {  	s30 =	sand.u32 $0x1, s11;
	v2 =	vld [tilespmem:s18+$0xFFFFFFF0]  }
0x30: {  	s15 =	smul.u32 $0x8100, s30;
	s14 =	sshrl.u32 s14, $0x2;
	v0 =	vld [tilespmem:s18+$0x0]  }
0x31: {  	v1 =	vld [tilespmem:s18+$0xFFFFFFE0];
	s16 =	sor.u32 $0x4000, s14  }
0x32: {  	s31 =	sshrl.u32 s15, $0x2;
	s15 =	sadd.s32 $0x0, s16  }
0x33: {  	s17 =	simm.s32 $0x4;
	s18 =	sadd.s32 $0x40, s18;
	s14 =	sor.u32 $0x4000, s31;
	[tilespmem:s15+$0x1830 ss:$0x81] =	vst.msk $0xffff, v3  }
.LBB1_3:
0x34: {  	v3 =	vld [tilespmem:s18+$0x10];
	p1 =	sne.s32 s17, $0x1FC;
	[tilespmem:s15+$0x810 ss:$0x81] =	vst.msk $0xffff, v2;
	s19 =	smov.u32 s17;
	s17 =	sadd.s32 $0x4, s17  }
.Ltmp3:
0x35: {  	v2 =	vld [tilespmem:s18+$0xFFFFFFF0];
	[tilespmem:s15+$0x1020 ss:$0x81] =	vst.msk $0xffff, v0;
	(pc) =	sbr.rel @p1 .LBB1_3-.Ltmp3, $4  }
0x36: {  	v0 =	vld [tilespmem:s18+$0x0];
	[tilespmem:s15+$0x0 ss:$0x81] =	vst.msk $0xffff, v1  }
0x37: {  	s15 =	sshra.s32 s19, $0x2;
	v1 =	vld [tilespmem:s18+$0xFFFFFFE0]  }
0x38: {  	s15 =	sadd.s32 s15, s16  }
0x39: {  	s18 =	sadd.s32 $0x40, s18;
	[tilespmem:s15+$0x1830 ss:$0x81] =	vst.msk $0xffff, v3  }
.Ltmp4:
0x3a: {  	_ = 	snop;
	(pc) =	sbr.rel .LBB1_4-.Ltmp4, $1  }
0x3b: {  	_ =	sdelay $0x3  }
.LBB1_6:
0x3c: {  	_ =	sfence.sel $0x180000  }
0x3d: {  	s2 =	simm.s32 $0x1;
	[bflag:$0x0] =	sbarrier.arrive $0xFFFF  }
0x3e: {  	s31 =	simm.s32 $0x2;
	[sflag:s2] =	ssyncpa.u1 $0x1  }
0x3f: {  	[sflag:s31] =	ssyncpa.u1 $0x1  }
0x40: {  	p0 =	sne.s32 s0, $0x0;
	_ =	strace $0x9000004A  }
0x41: {  	s0 =	sadd.s32 @!p0 $0x100000, s1;
	[bflag:$0x2] =	sbarrier.arrive $0xFFFF  }
0x42: {  	[sflag:s0] =	ssyncadd.tile.s32 @!p0 $0x1;
	_ =	shalt  }
.Lfunc_end1:
_tile_overlayer_lowered:
.L_overlay_start_2:
0x43: {  	(tag) =	ssettag $0x2  }
0x44: {  	s0 =	rddreg [dreg:$0x0];
	s2 =	stileid.u32  }
0x45: {  	s1 =	rddreg [dreg:$0x1];
	p0 =	sne.s32 s2, $0x0  }
0x46: {  	s3 =	rddreg [dreg:$0x2];
	[bflag:$0x3] =	sbarrier.arrive $0xFFFF;
	s2 =	simm.s32 @!p0 $0x1C01  }
0x47: {  	[timem:s3], [sflag:s2] =	dma.local @!p0 [hbm:s0], s1  }
0x48: {  	s0 =	simm.s32 @!p0 $0x1  }
0x49: {  	_ =	swait.ge @!p0 [sflag:s0], s1  }
0x4a: {  	s1 =	ssub.s32 @!p0 $0x0, s1;
	[sflag:s0] =	ssyncset.done @!p0 $0x0  }
0x4b: {  	[sflag:s0] =	ssyncadd.s32 @!p0 s1  }
0x4c: {  	[bflag:$0x3] =	sbarrier.arrive $0xFFFF  }
0x4d: {  	_ =	shalt  }

</sc_bundles>
